<compile_context>
chip_gen: v7x
topology: tpu7x:2x2x1
jax: 0.10.2.dev20260603
libtpu: 0.0.44.dev20260713+nightly
codegen_flags: <defaults>
</compile_context>

<pallas_src>
import functools

import jax
import jax.numpy as jnp
from jax import lax
from jax.experimental import pallas as pl
from jax.experimental.pallas import tpu as pltpu
from jax.experimental.pallas import tpu_sc as plsc

DIM = 1024
HALF = 512
L0 = 64
L1 = 64
TOTAL = L0 * L1
NW = 32
ROWS_PER_W = TOTAL // NW
LANES = 16
NCHUNK = HALF // LANES

_TWO_PI = 6.283185307179586
_PI = 3.141592653589793
_HALF_PI = 1.5707963267948966


def _sin_vec(x):
    y = x * (1.0 / _TWO_PI)
    k = jnp.where(y >= 0, y + 0.5, y - 0.5).astype(jnp.int32).astype(jnp.float32)
    r = x - k * _TWO_PI
    r = jnp.where(r > _HALF_PI, _PI - r, r)
    r = jnp.where(r < -_HALF_PI, -_PI - r, r)
    r2 = r * r
    p = jnp.float32(-2.5052108385441718e-08)
    p = p * r2 + 2.7557319223985893e-06
    p = p * r2 - 0.0001984126984126984
    p = p * r2 + 0.008333333333333333
    p = p * r2 - 0.16666666666666666
    p = p * r2 + 1.0
    return r * p


def _lane_broadcast(v, lane):
    idx = jnp.full((LANES, 1), lane, dtype=jnp.int32)
    dnums = lax.GatherDimensionNumbers(
        offset_dims=(), collapsed_slice_dims=(0,), start_index_map=(0,))
    return lax.gather(v, idx, dnums, (1,),
                      mode=lax.GatherScatterMode.PROMISE_IN_BOUNDS)


def _make_sc_kernel():
    mesh = plsc.VectorSubcoreMesh(core_axis_name="c", subcore_axis_name="s")

    @functools.partial(
        pl.kernel,
        mesh=mesh,
        out_type=jax.ShapeDtypeStruct((TOTAL, DIM), jnp.float32),
        scratch_types=[
            pltpu.VMEM((HALF,), jnp.float32),
            pltpu.VMEM((HALF,), jnp.float32),
            pltpu.VMEM((HALF,), jnp.float32),
            pltpu.VMEM((HALF,), jnp.float32),
            pltpu.VMEM((2 * LANES,), jnp.float32),
            pltpu.VMEM((HALF,), jnp.float32),
            pltpu.VMEM((HALF,), jnp.float32),
            pltpu.VMEM((HALF,), jnp.float32),
            pltpu.VMEM((HALF,), jnp.float32),
            pltpu.VMEM((HALF,), jnp.float32),
            pltpu.VMEM((HALF,), jnp.float32),
            pltpu.VMEM((8, HALF), jnp.float32),
            pltpu.VMEM((8, HALF), jnp.float32),
            pltpu.VMEM((L1, HALF), jnp.float32),
            pltpu.SemaphoreType.DMA,
            pltpu.SemaphoreType.DMA,
        ],
    )
    def sc_kernel(w0_h, b0_h, w1_h, b1_h, d0_h, m0_h, d1_h, m1_h, out_h,
                  w0_v, b0_v, w1_v, b1_v, scl_v, row_a, row_b,
                  sw_v, cw_v, s0_v, c0_v, rep_a, rep_b, emb1,
                  sem_in, sem):
        wid = lax.axis_index("s") * 2 + lax.axis_index("c")
        row0 = wid * ROWS_PER_W

        cps = [
            pltpu.async_copy(w0_h, w0_v, sem_in),
            pltpu.async_copy(b0_h, b0_v, sem_in),
            pltpu.async_copy(w1_h, w1_v, sem_in),
            pltpu.async_copy(b1_h, b1_v, sem_in),
            pltpu.async_copy(d0_h, scl_v.at[pl.ds(0, 1)], sem_in),
            pltpu.async_copy(m0_h, scl_v.at[pl.ds(8, 1)], sem_in),
            pltpu.async_copy(d1_h, scl_v.at[pl.ds(16, 1)], sem_in),
            pltpu.async_copy(m1_h, scl_v.at[pl.ds(24, 1)], sem_in),
        ]
        for cp in cps:
            cp.wait()

        scl0 = scl_v[pl.ds(0, LANES)]
        scl1 = scl_v[pl.ds(LANES, LANES)]
        scale0 = _lane_broadcast(scl0, 8) / _lane_broadcast(scl0, 0)
        scale1 = _lane_broadcast(scl1, 8) / _lane_broadcast(scl1, 0)

        pos_a = (2 * wid).astype(jnp.float32)

        STRIP = 8

        def fill_from_row(rep, row_buf):
            vs = [row_buf[pl.ds(j * LANES, LANES)] for j in range(NCHUNK)]

            def bc_body(r, _):
                for j in range(NCHUNK):
                    rep[r, pl.ds(j * LANES, LANES)] = vs[j]
                return 0

            lax.fori_loop(0, STRIP, bc_body, 0)

        def row_body(j, _):
            o = pl.multiple_of(j * LANES, LANES)
            w = w0_v[pl.ds(o, LANES)] * scale0
            b = b0_v[pl.ds(o, LANES)]
            row_a[pl.ds(o, LANES)] = _sin_vec(pos_a * w + b)
            row_b[pl.ds(o, LANES)] = _sin_vec((pos_a + 1.0) * w + b)
            return 0

        lax.fori_loop(0, NCHUNK, row_body, 0)

        fill_from_row(rep_a, row_a)
        dmas_a = [
            pltpu.async_copy(
                rep_a,
                out_h.at[pl.ds(row0 + STRIP * k, STRIP), pl.ds(0, HALF)], sem)
            for k in range(L1 // STRIP)
        ]
        fill_from_row(rep_b, row_b)
        dmas_b = [
            pltpu.async_copy(
                rep_b,
                out_h.at[pl.ds(row0 + L1 + STRIP * k, STRIP), pl.ds(0, HALF)],
                sem)
            for k in range(L1 // STRIP)
        ]

        def ang_body(j, _):
            o = pl.multiple_of(j * LANES, LANES)
            a = w1_v[pl.ds(o, LANES)] * scale1
            b = b1_v[pl.ds(o, LANES)]
            sw_v[pl.ds(o, LANES)] = _sin_vec(a)
            cw_v[pl.ds(o, LANES)] = _sin_vec(a + _HALF_PI)
            s0_v[pl.ds(o, LANES)] = _sin_vec(b)
            c0_v[pl.ds(o, LANES)] = _sin_vec(b + _HALF_PI)
            return 0

        lax.fori_loop(0, NCHUNK, ang_body, 0)

        GRP = 8

        def grp_body(jg, _):
            o = pl.multiple_of(jg * (GRP * LANES), GRP * LANES)
            ofs = [o + u * LANES for u in range(GRP)]
            sws = [sw_v[pl.ds(c, LANES)] for c in ofs]
            cws = [cw_v[pl.ds(c, LANES)] for c in ofs]
            ss = [s0_v[pl.ds(c, LANES)] for c in ofs]
            cs = [c0_v[pl.ds(c, LANES)] for c in ofs]
            for u in range(GRP):
                emb1[0, pl.ds(ofs[u], LANES)] = ss[u]

            def rec_body(r, carry):
                ss_c, cs_c = carry
                ns, nc = [], []
                for u in range(GRP):
                    s2 = ss_c[u] * cws[u] + cs_c[u] * sws[u]
                    c2 = cs_c[u] * cws[u] - ss_c[u] * sws[u]
                    emb1[r, pl.ds(ofs[u], LANES)] = s2
                    ns.append(s2)
                    nc.append(c2)
                return (tuple(ns), tuple(nc))

            lax.fori_loop(1, L1, rec_body, (tuple(ss), tuple(cs)))
            return 0

        lax.fori_loop(0, NCHUNK // GRP, grp_body, 0)

        dma_e1 = pltpu.async_copy(
            emb1, out_h.at[pl.ds(row0, L1), pl.ds(HALF, HALF)], sem)
        dma_e2 = pltpu.async_copy(
            emb1, out_h.at[pl.ds(row0 + L1, L1), pl.ds(HALF, HALF)], sem)

        for cp in dmas_a:
            cp.wait()
        for cp in dmas_b:
            cp.wait()
        dma_e1.wait()
        dma_e2.wait()

    return sc_kernel


_SC_KERNEL = _make_sc_kernel()


def kernel(seq_len_or_axial_dims, W0, b0, W1, b1, div0, mult0, div1, mult1):
    return _SC_KERNEL(
        jnp.reshape(W0, (HALF,)), b0,
        jnp.reshape(W1, (HALF,)), b1,
        jnp.reshape(div0, (1,)), jnp.reshape(mult0, (1,)),
        jnp.reshape(div1, (1,)), jnp.reshape(mult1, (1,)),
    )

# --- scband reference (transcript-rebuilt; emitter-appended) ---
"""Pipeline reference for scband-continuous-axial-positional-embedding-16183436771550 (READ-ONLY COPY).

The authoritative reference and input builder live on the scoring server;
editing this copy changes nothing except your own understanding.
"""

import jax, jax.numpy as jnp
import numpy as np

DIM = 1024
NUM_AXIAL = 2
AXIAL_DIMS = (64, 64)
HALF = DIM // NUM_AXIAL


def setup_inputs(seed: int = 0) -> dict:
    key = jax.random.key(seed)
    ks = jax.random.split(key, 4)
    # nn.Linear(1, HALF): weight [HALF, 1], bias [HALF]; torch init is U(-1, 1) for fan_in=1
    W0 = jax.random.uniform(ks[0], (HALF, 1), dtype=jnp.float32, minval=-1.0, maxval=1.0)
    b0 = jax.random.uniform(ks[1], (HALF,), dtype=jnp.float32, minval=-1.0, maxval=1.0)
    W1 = jax.random.uniform(ks[2], (HALF, 1), dtype=jnp.float32, minval=-1.0, maxval=1.0)
    b1 = jax.random.uniform(ks[3], (HALF,), dtype=jnp.float32, minval=-1.0, maxval=1.0)
    return {
        "seq_len_or_axial_dims": 4096,
        "W0": W0, "b0": b0,
        "W1": W1, "b1": b1,
        "div0": jnp.asarray(1.0, dtype=jnp.float32),
        "mult0": jnp.asarray(1.0, dtype=jnp.float32),
        "div1": jnp.asarray(1.0, dtype=jnp.float32),
        "mult1": jnp.asarray(1.0, dtype=jnp.float32),
    }


def reference(seq_len_or_axial_dims, W0, b0, W1, b1, div0, mult0, div1, mult1):
    # axial_dims are fixed at init; seq_len arg only selects them
    L0, L1 = AXIAL_DIMS
    # factorized per-axis continuous embeddings: sin(Linear(pos / div * mult))
    pos0 = jnp.arange(L0, dtype=jnp.float32) / div0 * mult0
    emb0 = jnp.sin(pos0[:, None] * W0[:, 0][None, :] + b0[None, :])  # [L0, HALF]
    pos1 = jnp.arange(L1, dtype=jnp.float32) / div1 * mult1
    emb1 = jnp.sin(pos1[:, None] * W1[:, 0][None, :] + b1[None, :])  # [L1, HALF]
    # flatten: for flat index i (row-major, last axis fastest):
    #   coords = (i // L1, i % L1); row = cat(emb0[c0], emb1[c1])
    total = L0 * L1
    idx = jnp.arange(total)
    c0 = idx // L1
    c1 = idx % L1
    g0 = jnp.take(emb0, c0, axis=0)  # gather [total, HALF]
    g1 = jnp.take(emb1, c1, axis=0)  # gather [total, HALF]
    abs_pos_emb = jnp.concatenate([g0, g1], axis=-1)  # [total, DIM]
    return abs_pos_emb

if __name__ == "__main__":
    import jax
    _d = setup_inputs()
    print(jax.jit(kernel)(*tuple(_d.values())))

</pallas_src>

<mosaic_0001>
#map = affine_map<(d0, d1) -> (0)>
#map1 = affine_map<(d0, d1) -> (0, 0)>
module attributes {stable_mosaic.version = 14 : i64} {
  func.func @sc_kernel(%arg0: i32, %arg1: i32, %arg2: memref<512xf32, #tpu.memory_space<hbm>>, %arg3: memref<512xf32, #tpu.memory_space<hbm>>, %arg4: memref<512xf32, #tpu.memory_space<hbm>>, %arg5: memref<512xf32, #tpu.memory_space<hbm>>, %arg6: memref<1xf32, #tpu.memory_space<hbm>>, %arg7: memref<1xf32, #tpu.memory_space<hbm>>, %arg8: memref<1xf32, #tpu.memory_space<hbm>>, %arg9: memref<1xf32, #tpu.memory_space<hbm>>, %arg10: memref<4096x1024xf32, #tpu.memory_space<hbm>>, %arg11: memref<512xf32, #tpu.memory_space<vmem>>, %arg12: memref<512xf32, #tpu.memory_space<vmem>>, %arg13: memref<512xf32, #tpu.memory_space<vmem>>, %arg14: memref<512xf32, #tpu.memory_space<vmem>>, %arg15: memref<32xf32, #tpu.memory_space<vmem>>, %arg16: memref<512xf32, #tpu.memory_space<vmem>>, %arg17: memref<512xf32, #tpu.memory_space<vmem>>, %arg18: memref<512xf32, #tpu.memory_space<vmem>>, %arg19: memref<512xf32, #tpu.memory_space<vmem>>, %arg20: memref<512xf32, #tpu.memory_space<vmem>>, %arg21: memref<512xf32, #tpu.memory_space<vmem>>, %arg22: memref<8x512xf32, #tpu.memory_space<vmem>>, %arg23: memref<8x512xf32, #tpu.memory_space<vmem>>, %arg24: memref<64x512xf32, #tpu.memory_space<vmem>>, %arg25: memref<!tpu.dma_semaphore, #tpu.memory_space<semaphore_mem>>, %arg26: memref<!tpu.dma_semaphore, #tpu.memory_space<semaphore_mem>>) attributes {dimension_semantics = [#tpu.dimension_semantics<core_parallel>, #tpu.dimension_semantics<subcore_parallel>], iteration_bounds = array<i64: 2, 16>, scalar_prefetch = 0 : i64, scratch_operands = 16 : i64, tpu.core_type = #tpu.core_type<sc_vector_subcore>, window_params = [{transform_indices = #map}, {transform_indices = #map}, {transform_indices = #map}, {transform_indices = #map}, {transform_indices = #map}, {transform_indices = #map}, {transform_indices = #map}, {transform_indices = #map}, {transform_indices = #map1}]} {
    %mul3A = arith.constant 2 : i32
    %mul3A_0 = arith.muli %arg1, %mul3A : i32
    %add3A = arith.addi %mul3A_0, %arg0 : i32
    %mul3A_1 = arith.constant 128 : i32
    %mul3A_2 = arith.muli %add3A, %mul3A_1 : i32
    tpu.enqueue_dma source(%arg2 : memref<512xf32, #tpu.memory_space<hbm>>) target(%arg11 : memref<512xf32, #tpu.memory_space<vmem>>) target_semaphore(%arg25 : memref<!tpu.dma_semaphore, #tpu.memory_space<semaphore_mem>>)
    tpu.enqueue_dma source(%arg3 : memref<512xf32, #tpu.memory_space<hbm>>) target(%arg12 : memref<512xf32, #tpu.memory_space<vmem>>) target_semaphore(%arg25 : memref<!tpu.dma_semaphore, #tpu.memory_space<semaphore_mem>>)
    tpu.enqueue_dma source(%arg4 : memref<512xf32, #tpu.memory_space<hbm>>) target(%arg13 : memref<512xf32, #tpu.memory_space<vmem>>) target_semaphore(%arg25 : memref<!tpu.dma_semaphore, #tpu.memory_space<semaphore_mem>>)
    tpu.enqueue_dma source(%arg5 : memref<512xf32, #tpu.memory_space<hbm>>) target(%arg14 : memref<512xf32, #tpu.memory_space<vmem>>) target_semaphore(%arg25 : memref<!tpu.dma_semaphore, #tpu.memory_space<semaphore_mem>>)
    %dma_start3A = arith.constant 0 : i32
    %dma_start3A_3 = tpu.memref_slice %arg15[%dma_start3A] : memref<32xf32, #tpu.memory_space<vmem>> -> memref<1xf32, #tpu.memory_space<vmem>>
    %dma_start3A_4 = arith.constant 0 : i32
    %dma_start3A_5 = tpu.memref_slice %arg15[%dma_start3A_4] : memref<32xf32, #tpu.memory_space<vmem>> -> memref<1xf32, #tpu.memory_space<vmem>>
    tpu.enqueue_dma source(%arg6 : memref<1xf32, #tpu.memory_space<hbm>>) target(%dma_start3A_5 : memref<1xf32, #tpu.memory_space<vmem>>) target_semaphore(%arg25 : memref<!tpu.dma_semaphore, #tpu.memory_space<semaphore_mem>>)
    %dma_start3A_6 = arith.constant 8 : i32
    %dma_start3A_7 = tpu.memref_slice %arg15[%dma_start3A_6] : memref<32xf32, #tpu.memory_space<vmem>> -> memref<1xf32, #tpu.memory_space<vmem>>
    %dma_start3A_8 = arith.constant 8 : i32
    %dma_start3A_9 = tpu.memref_slice %arg15[%dma_start3A_8] : memref<32xf32, #tpu.memory_space<vmem>> -> memref<1xf32, #tpu.memory_space<vmem>>
    tpu.enqueue_dma source(%arg7 : memref<1xf32, #tpu.memory_space<hbm>>) target(%dma_start3A_9 : memref<1xf32, #tpu.memory_space<vmem>>) target_semaphore(%arg25 : memref<!tpu.dma_semaphore, #tpu.memory_space<semaphore_mem>>)
    %dma_start3A_10 = arith.constant 16 : i32
    %dma_start3A_11 = tpu.memref_slice %arg15[%dma_start3A_10] : memref<32xf32, #tpu.memory_space<vmem>> -> memref<1xf32, #tpu.memory_space<vmem>>
    %dma_start3A_12 = arith.constant 16 : i32
    %dma_start3A_13 = tpu.memref_slice %arg15[%dma_start3A_12] : memref<32xf32, #tpu.memory_space<vmem>> -> memref<1xf32, #tpu.memory_space<vmem>>
    tpu.enqueue_dma source(%arg8 : memref<1xf32, #tpu.memory_space<hbm>>) target(%dma_start3A_13 : memref<1xf32, #tpu.memory_space<vmem>>) target_semaphore(%arg25 : memref<!tpu.dma_semaphore, #tpu.memory_space<semaphore_mem>>)
    %dma_start3A_14 = arith.constant 24 : i32
    %dma_start3A_15 = tpu.memref_slice %arg15[%dma_start3A_14] : memref<32xf32, #tpu.memory_space<vmem>> -> memref<1xf32, #tpu.memory_space<vmem>>
    %dma_start3A_16 = arith.constant 24 : i32
    %dma_start3A_17 = tpu.memref_slice %arg15[%dma_start3A_16] : memref<32xf32, #tpu.memory_space<vmem>> -> memref<1xf32, #tpu.memory_space<vmem>>
    tpu.enqueue_dma source(%arg9 : memref<1xf32, #tpu.memory_space<hbm>>) target(%dma_start3A_17 : memref<1xf32, #tpu.memory_space<vmem>>) target_semaphore(%arg25 : memref<!tpu.dma_semaphore, #tpu.memory_space<semaphore_mem>>)
    tpu.wait_dma2 semaphore(%arg25 : memref<!tpu.dma_semaphore, #tpu.memory_space<semaphore_mem>>) src(%arg2 : memref<512xf32, #tpu.memory_space<hbm>>) dst(%arg11 : memref<512xf32, #tpu.memory_space<vmem>>)
    tpu.wait_dma2 semaphore(%arg25 : memref<!tpu.dma_semaphore, #tpu.memory_space<semaphore_mem>>) src(%arg3 : memref<512xf32, #tpu.memory_space<hbm>>) dst(%arg12 : memref<512xf32, #tpu.memory_space<vmem>>)
    tpu.wait_dma2 semaphore(%arg25 : memref<!tpu.dma_semaphore, #tpu.memory_space<semaphore_mem>>) src(%arg4 : memref<512xf32, #tpu.memory_space<hbm>>) dst(%arg13 : memref<512xf32, #tpu.memory_space<vmem>>)
    tpu.wait_dma2 semaphore(%arg25 : memref<!tpu.dma_semaphore, #tpu.memory_space<semaphore_mem>>) src(%arg5 : memref<512xf32, #tpu.memory_space<hbm>>) dst(%arg14 : memref<512xf32, #tpu.memory_space<vmem>>)
    %dma_wait3A = arith.constant 0 : i32
    %dma_wait3A_18 = tpu.memref_slice %arg15[%dma_wait3A] : memref<32xf32, #tpu.memory_space<vmem>> -> memref<1xf32, #tpu.memory_space<vmem>>
    %dma_wait3A_19 = arith.constant 0 : i32
    %dma_wait3A_20 = tpu.memref_slice %arg15[%dma_wait3A_19] : memref<32xf32, #tpu.memory_space<vmem>> -> memref<1xf32, #tpu.memory_space<vmem>>
    tpu.wait_dma2 semaphore(%arg25 : memref<!tpu.dma_semaphore, #tpu.memory_space<semaphore_mem>>) src(%arg6 : memref<1xf32, #tpu.memory_space<hbm>>) dst(%dma_wait3A_20 : memref<1xf32, #tpu.memory_space<vmem>>)
    %dma_wait3A_21 = arith.constant 8 : i32
    %dma_wait3A_22 = tpu.memref_slice %arg15[%dma_wait3A_21] : memref<32xf32, #tpu.memory_space<vmem>> -> memref<1xf32, #tpu.memory_space<vmem>>
    %dma_wait3A_23 = arith.constant 8 : i32
    %dma_wait3A_24 = tpu.memref_slice %arg15[%dma_wait3A_23] : memref<32xf32, #tpu.memory_space<vmem>> -> memref<1xf32, #tpu.memory_space<vmem>>
    tpu.wait_dma2 semaphore(%arg25 : memref<!tpu.dma_semaphore, #tpu.memory_space<semaphore_mem>>) src(%arg7 : memref<1xf32, #tpu.memory_space<hbm>>) dst(%dma_wait3A_24 : memref<1xf32, #tpu.memory_space<vmem>>)
    %dma_wait3A_25 = arith.constant 16 : i32
    %dma_wait3A_26 = tpu.memref_slice %arg15[%dma_wait3A_25] : memref<32xf32, #tpu.memory_space<vmem>> -> memref<1xf32, #tpu.memory_space<vmem>>
    %dma_wait3A_27 = arith.constant 16 : i32
    %dma_wait3A_28 = tpu.memref_slice %arg15[%dma_wait3A_27] : memref<32xf32, #tpu.memory_space<vmem>> -> memref<1xf32, #tpu.memory_space<vmem>>
    tpu.wait_dma2 semaphore(%arg25 : memref<!tpu.dma_semaphore, #tpu.memory_space<semaphore_mem>>) src(%arg8 : memref<1xf32, #tpu.memory_space<hbm>>) dst(%dma_wait3A_28 : memref<1xf32, #tpu.memory_space<vmem>>)
    %dma_wait3A_29 = arith.constant 24 : i32
    %dma_wait3A_30 = tpu.memref_slice %arg15[%dma_wait3A_29] : memref<32xf32, #tpu.memory_space<vmem>> -> memref<1xf32, #tpu.memory_space<vmem>>
    %dma_wait3A_31 = arith.constant 24 : i32
    %dma_wait3A_32 = tpu.memref_slice %arg15[%dma_wait3A_31] : memref<32xf32, #tpu.memory_space<vmem>> -> memref<1xf32, #tpu.memory_space<vmem>>
    tpu.wait_dma2 semaphore(%arg25 : memref<!tpu.dma_semaphore, #tpu.memory_space<semaphore_mem>>) src(%arg9 : memref<1xf32, #tpu.memory_space<hbm>>) dst(%dma_wait3A_32 : memref<1xf32, #tpu.memory_space<vmem>>)
    %get3A = arith.constant 0 : index
    %get3A_33 = tpu.vector_load %arg15[%get3A] {strides = array<i32>} : memref<32xf32, #tpu.memory_space<vmem>>, vector<16xf32>,
    %get3A_34 = vector.shape_cast %get3A_33 : vector<16xf32> to vector<16xf32>
    %get3A_35 = arith.constant 16 : index
    %get3A_36 = tpu.vector_load %arg15[%get3A_35] {strides = array<i32>} : memref<32xf32, #tpu.memory_space<vmem>>, vector<16xf32>,
    %get3A_37 = vector.shape_cast %get3A_36 : vector<16xf32> to vector<16xf32>
    %broadcast_in_dim3A = arith.constant 8 : i32
    %broadcast_in_dim3A_38 = vector.broadcast %broadcast_in_dim3A : i32 to vector<16x1xi32>
    %gather3A = vector.shape_cast %broadcast_in_dim3A_38 : vector<16x1xi32> to vector<16xi32>
    %gather3A_39 = tpu.dynamic_gather %get3A_34[%gather3A] in [0] : vector<16xf32>, vector<16xi32> -> vector<16xf32>
    %broadcast_in_dim3A_40 = arith.constant 0 : i32
    %broadcast_in_dim3A_41 = vector.broadcast %broadcast_in_dim3A_40 : i32 to vector<16x1xi32>
    %gather3A_42 = vector.shape_cast %broadcast_in_dim3A_41 : vector<16x1xi32> to vector<16xi32>
    %gather3A_43 = tpu.dynamic_gather %get3A_34[%gather3A_42] in [0] : vector<16xf32>, vector<16xi32> -> vector<16xf32>
    %div3A = arith.divf %gather3A_39, %gather3A_43 : vector<16xf32>
    %broadcast_in_dim3A_44 = arith.constant 8 : i32
    %broadcast_in_dim3A_45 = vector.broadcast %broadcast_in_dim3A_44 : i32 to vector<16x1xi32>
    %gather3A_46 = vector.shape_cast %broadcast_in_dim3A_45 : vector<16x1xi32> to vector<16xi32>
    %gather3A_47 = tpu.dynamic_gather %get3A_37[%gather3A_46] in [0] : vector<16xf32>, vector<16xi32> -> vector<16xf32>
    %broadcast_in_dim3A_48 = arith.constant 0 : i32
    %broadcast_in_dim3A_49 = vector.broadcast %broadcast_in_dim3A_48 : i32 to vector<16x1xi32>
    %gather3A_50 = vector.shape_cast %broadcast_in_dim3A_49 : vector<16x1xi32> to vector<16xi32>
    %gather3A_51 = tpu.dynamic_gather %get3A_37[%gather3A_50] in [0] : vector<16xf32>, vector<16xi32> -> vector<16xf32>
    %div3A_52 = arith.divf %gather3A_47, %gather3A_51 : vector<16xf32>
    %mul3A_53 = arith.constant 2 : i32
    %mul3A_54 = arith.muli %mul3A_53, %add3A : i32
    %convert_element_type3A = arith.sitofp %mul3A_54 : i32 to f32
    %scan3A = arith.constant 0 : i32
    %scan3A_55 = arith.constant 0 : i32
    %scan3A_56 = arith.constant 32 : i32
    %scan3A_57 = arith.addi %scan3A_55, %scan3A_56 : i32
    %scan3A_58 = arith.constant 1 : i32
    %scan3A_59 = scf.for %scan3A_475 = %scan3A_55 to %scan3A_57 step %scan3A_58 iter_args(%scan3A_476 = %scan3A) -> (i32)  : i32 {
      %mul3A_477 = arith.constant 16 : i32
      %mul3A_478 = arith.muli %scan3A_475, %mul3A_477 : i32
      %multiple_of3A = tpu.assume_multiple %mul3A_478, 16 : i32
      %get3A_479 = arith.index_cast %multiple_of3A : i32 to index
      %get3A_480 = tpu.vector_load %arg11[%get3A_479] {strides = array<i32>} : memref<512xf32, #tpu.memory_space<vmem>>, vector<16xf32>,
      %get3A_481 = vector.shape_cast %get3A_480 : vector<16xf32> to vector<16xf32>
      %mul3A_482 = arith.mulf %get3A_481, %div3A : vector<16xf32>
      %get3A_483 = arith.index_cast %multiple_of3A : i32 to index
      %get3A_484 = tpu.vector_load %arg12[%get3A_483] {strides = array<i32>} : memref<512xf32, #tpu.memory_space<vmem>>, vector<16xf32>,
      %get3A_485 = vector.shape_cast %get3A_484 : vector<16xf32> to vector<16xf32>
      %mul3A_486 = vector.broadcast %convert_element_type3A : f32 to vector<16xf32>
      %mul3A_487 = arith.mulf %mul3A_486, %mul3A_482 : vector<16xf32>
      %add3A_488 = arith.addf %mul3A_487, %get3A_485 : vector<16xf32>
      %mul3A_489 = arith.constant 0.159154937 : f32
      %mul3A_490 = vector.broadcast %mul3A_489 : f32 to vector<16xf32>
      %mul3A_491 = arith.mulf %add3A_488, %mul3A_490 : vector<16xf32>
      %ge3A = arith.constant 0.000000e+00 : f32
      %ge3A_492 = vector.broadcast %ge3A : f32 to vector<16xf32>
      %ge3A_493 = arith.cmpf oge, %mul3A_491, %ge3A_492 : vector<16xf32>
      %add3A_494 = arith.constant 5.000000e-01 : f32
      %add3A_495 = vector.broadcast %add3A_494 : f32 to vector<16xf32>
      %add3A_496 = arith.addf %mul3A_491, %add3A_495 : vector<16xf32>
      %sub3A = arith.constant 5.000000e-01 : f32
      %sub3A_497 = vector.broadcast %sub3A : f32 to vector<16xf32>
      %sub3A_498 = arith.subf %mul3A_491, %sub3A_497 : vector<16xf32>
      %select_n3A = arith.select %ge3A_493, %add3A_496, %sub3A_498 : vector<16xi1>, vector<16xf32>
      %convert_element_type3A_499 = arith.fptosi %select_n3A : vector<16xf32> to vector<16xi32>
      %convert_element_type3A_500 = arith.sitofp %convert_element_type3A_499 : vector<16xi32> to vector<16xf32>
      %mul3A_501 = arith.constant 6.28318548 : f32
      %mul3A_502 = vector.broadcast %mul3A_501 : f32 to vector<16xf32>
      %mul3A_503 = arith.mulf %convert_element_type3A_500, %mul3A_502 : vector<16xf32>
      %sub3A_504 = arith.subf %add3A_488, %mul3A_503 : vector<16xf32>
      %gt3A = arith.constant 1.57079637 : f32
      %gt3A_505 = vector.broadcast %gt3A : f32 to vector<16xf32>
      %gt3A_506 = arith.cmpf ogt, %sub3A_504, %gt3A_505 : vector<16xf32>
      %sub3A_507 = arith.constant 3.14159274 : f32
      %sub3A_508 = vector.broadcast %sub3A_507 : f32 to vector<16xf32>
      %sub3A_509 = arith.subf %sub3A_508, %sub3A_504 : vector<16xf32>
      %select_n3A_510 = arith.select %gt3A_506, %sub3A_509, %sub3A_504 : vector<16xi1>, vector<16xf32>
      %lt3A = arith.constant -1.57079637 : f32
      %lt3A_511 = vector.broadcast %lt3A : f32 to vector<16xf32>
      %lt3A_512 = arith.cmpf olt, %select_n3A_510, %lt3A_511 : vector<16xf32>
      %sub3A_513 = arith.constant -3.14159274 : f32
      %sub3A_514 = vector.broadcast %sub3A_513 : f32 to vector<16xf32>
      %sub3A_515 = arith.subf %sub3A_514, %select_n3A_510 : vector<16xf32>
      %select_n3A_516 = arith.select %lt3A_512, %sub3A_515, %select_n3A_510 : vector<16xi1>, vector<16xf32>
      %mul3A_517 = arith.mulf %select_n3A_516, %select_n3A_516 : vector<16xf32>
      %mul3A_518 = arith.constant -2.50521079E-8 : f32
      %mul3A_519 = vector.broadcast %mul3A_518 : f32 to vector<16xf32>
      %mul3A_520 = arith.mulf %mul3A_519, %mul3A_517 : vector<16xf32>
      %add3A_521 = arith.constant 2.75573188E-6 : f32
      %add3A_522 = vector.broadcast %add3A_521 : f32 to vector<16xf32>
      %add3A_523 = arith.addf %mul3A_520, %add3A_522 : vector<16xf32>
      %mul3A_524 = arith.mulf %add3A_523, %mul3A_517 : vector<16xf32>
      %sub3A_525 = arith.constant 1.98412701E-4 : f32
      %sub3A_526 = vector.broadcast %sub3A_525 : f32 to vector<16xf32>
      %sub3A_527 = arith.subf %mul3A_524, %sub3A_526 : vector<16xf32>
      %mul3A_528 = arith.mulf %sub3A_527, %mul3A_517 : vector<16xf32>
      %add3A_529 = arith.constant 0.00833333377 : f32
      %add3A_530 = vector.broadcast %add3A_529 : f32 to vector<16xf32>
      %add3A_531 = arith.addf %mul3A_528, %add3A_530 : vector<16xf32>
      %mul3A_532 = arith.mulf %add3A_531, %mul3A_517 : vector<16xf32>
      %sub3A_533 = arith.constant 0.166666672 : f32
      %sub3A_534 = vector.broadcast %sub3A_533 : f32 to vector<16xf32>
      %sub3A_535 = arith.subf %mul3A_532, %sub3A_534 : vector<16xf32>
      %mul3A_536 = arith.mulf %sub3A_535, %mul3A_517 : vector<16xf32>
      %add3A_537 = arith.constant 1.000000e+00 : f32
      %add3A_538 = vector.broadcast %add3A_537 : f32 to vector<16xf32>
      %add3A_539 = arith.addf %mul3A_536, %add3A_538 : vector<16xf32>
      %mul3A_540 = arith.mulf %select_n3A_516, %add3A_539 : vector<16xf32>
      %swap3A = arith.index_cast %multiple_of3A : i32 to index
      %swap3A_541 = tpu.vector_load %arg16[%swap3A] {strides = array<i32>} : memref<512xf32, #tpu.memory_space<vmem>>, vector<16xf32>,
      %swap3A_542 = vector.shape_cast %swap3A_541 : vector<16xf32> to vector<16xf32>
      %swap3A_543 = vector.shape_cast %mul3A_540 : vector<16xf32> to vector<16xf32>
      tpu.vector_store %arg16[%swap3A], %swap3A_543 {strides = array<i32>} : memref<512xf32, #tpu.memory_space<vmem>>, vector<16xf32>,
      %add3A_544 = arith.constant 1.000000e+00 : f32
      %add3A_545 = arith.addf %convert_element_type3A, %add3A_544 : f32
      %mul3A_546 = vector.broadcast %add3A_545 : f32 to vector<16xf32>
      %mul3A_547 = arith.mulf %mul3A_546, %mul3A_482 : vector<16xf32>
      %add3A_548 = arith.addf %mul3A_547, %get3A_485 : vector<16xf32>
      %mul3A_549 = arith.constant 0.159154937 : f32
      %mul3A_550 = vector.broadcast %mul3A_549 : f32 to vector<16xf32>
      %mul3A_551 = arith.mulf %add3A_548, %mul3A_550 : vector<16xf32>
      %ge3A_552 = arith.constant 0.000000e+00 : f32
      %ge3A_553 = vector.broadcast %ge3A_552 : f32 to vector<16xf32>
      %ge3A_554 = arith.cmpf oge, %mul3A_551, %ge3A_553 : vector<16xf32>
      %add3A_555 = arith.constant 5.000000e-01 : f32
      %add3A_556 = vector.broadcast %add3A_555 : f32 to vector<16xf32>
      %add3A_557 = arith.addf %mul3A_551, %add3A_556 : vector<16xf32>
      %sub3A_558 = arith.constant 5.000000e-01 : f32
      %sub3A_559 = vector.broadcast %sub3A_558 : f32 to vector<16xf32>
      %sub3A_560 = arith.subf %mul3A_551, %sub3A_559 : vector<16xf32>
      %select_n3A_561 = arith.select %ge3A_554, %add3A_557, %sub3A_560 : vector<16xi1>, vector<16xf32>
      %convert_element_type3A_562 = arith.fptosi %select_n3A_561 : vector<16xf32> to vector<16xi32>
      %convert_element_type3A_563 = arith.sitofp %convert_element_type3A_562 : vector<16xi32> to vector<16xf32>
      %mul3A_564 = arith.constant 6.28318548 : f32
      %mul3A_565 = vector.broadcast %mul3A_564 : f32 to vector<16xf32>
      %mul3A_566 = arith.mulf %convert_element_type3A_563, %mul3A_565 : vector<16xf32>
      %sub3A_567 = arith.subf %add3A_548, %mul3A_566 : vector<16xf32>
      %gt3A_568 = arith.constant 1.57079637 : f32
      %gt3A_569 = vector.broadcast %gt3A_568 : f32 to vector<16xf32>
      %gt3A_570 = arith.cmpf ogt, %sub3A_567, %gt3A_569 : vector<16xf32>
      %sub3A_571 = arith.constant 3.14159274 : f32
      %sub3A_572 = vector.broadcast %sub3A_571 : f32 to vector<16xf32>
      %sub3A_573 = arith.subf %sub3A_572, %sub3A_567 : vector<16xf32>
      %select_n3A_574 = arith.select %gt3A_570, %sub3A_573, %sub3A_567 : vector<16xi1>, vector<16xf32>
      %lt3A_575 = arith.constant -1.57079637 : f32
      %lt3A_576 = vector.broadcast %lt3A_575 : f32 to vector<16xf32>
      %lt3A_577 = arith.cmpf olt, %select_n3A_574, %lt3A_576 : vector<16xf32>
      %sub3A_578 = arith.constant -3.14159274 : f32
      %sub3A_579 = vector.broadcast %sub3A_578 : f32 to vector<16xf32>
      %sub3A_580 = arith.subf %sub3A_579, %select_n3A_574 : vector<16xf32>
      %select_n3A_581 = arith.select %lt3A_577, %sub3A_580, %select_n3A_574 : vector<16xi1>, vector<16xf32>
      %mul3A_582 = arith.mulf %select_n3A_581, %select_n3A_581 : vector<16xf32>
      %mul3A_583 = arith.constant -2.50521079E-8 : f32
      %mul3A_584 = vector.broadcast %mul3A_583 : f32 to vector<16xf32>
      %mul3A_585 = arith.mulf %mul3A_584, %mul3A_582 : vector<16xf32>
      %add3A_586 = arith.constant 2.75573188E-6 : f32
      %add3A_587 = vector.broadcast %add3A_586 : f32 to vector<16xf32>
      %add3A_588 = arith.addf %mul3A_585, %add3A_587 : vector<16xf32>
      %mul3A_589 = arith.mulf %add3A_588, %mul3A_582 : vector<16xf32>
      %sub3A_590 = arith.constant 1.98412701E-4 : f32
      %sub3A_591 = vector.broadcast %sub3A_590 : f32 to vector<16xf32>
      %sub3A_592 = arith.subf %mul3A_589, %sub3A_591 : vector<16xf32>
      %mul3A_593 = arith.mulf %sub3A_592, %mul3A_582 : vector<16xf32>
      %add3A_594 = arith.constant 0.00833333377 : f32
      %add3A_595 = vector.broadcast %add3A_594 : f32 to vector<16xf32>
      %add3A_596 = arith.addf %mul3A_593, %add3A_595 : vector<16xf32>
      %mul3A_597 = arith.mulf %add3A_596, %mul3A_582 : vector<16xf32>
      %sub3A_598 = arith.constant 0.166666672 : f32
      %sub3A_599 = vector.broadcast %sub3A_598 : f32 to vector<16xf32>
      %sub3A_600 = arith.subf %mul3A_597, %sub3A_599 : vector<16xf32>
      %mul3A_601 = arith.mulf %sub3A_600, %mul3A_582 : vector<16xf32>
      %add3A_602 = arith.constant 1.000000e+00 : f32
      %add3A_603 = vector.broadcast %add3A_602 : f32 to vector<16xf32>
      %add3A_604 = arith.addf %mul3A_601, %add3A_603 : vector<16xf32>
      %mul3A_605 = arith.mulf %select_n3A_581, %add3A_604 : vector<16xf32>
      %swap3A_606 = arith.index_cast %multiple_of3A : i32 to index
      %swap3A_607 = tpu.vector_load %arg17[%swap3A_606] {strides = array<i32>} : memref<512xf32, #tpu.memory_space<vmem>>, vector<16xf32>,
      %swap3A_608 = vector.shape_cast %swap3A_607 : vector<16xf32> to vector<16xf32>
      %swap3A_609 = vector.shape_cast %mul3A_605 : vector<16xf32> to vector<16xf32>
      tpu.vector_store %arg17[%swap3A_606], %swap3A_609 {strides = array<i32>} : memref<512xf32, #tpu.memory_space<vmem>>, vector<16xf32>,
      %scan3A_610 = arith.constant 0 : i32
      scf.yield %scan3A_610 : i32
    }
    %scan3A_60 = arith.constant 32 : i32
    %get3A_61 = arith.constant 0 : index
    %get3A_62 = tpu.vector_load %arg16[%get3A_61] {strides = array<i32>} : memref<512xf32, #tpu.memory_space<vmem>>, vector<16xf32>,
    %get3A_63 = vector.shape_cast %get3A_62 : vector<16xf32> to vector<16xf32>
    %get3A_64 = arith.constant 16 : index
    %get3A_65 = tpu.vector_load %arg16[%get3A_64] {strides = array<i32>} : memref<512xf32, #tpu.memory_space<vmem>>, vector<16xf32>,
    %get3A_66 = vector.shape_cast %get3A_65 : vector<16xf32> to vector<16xf32>
    %get3A_67 = arith.constant 32 : index
    %get3A_68 = tpu.vector_load %arg16[%get3A_67] {strides = array<i32>} : memref<512xf32, #tpu.memory_space<vmem>>, vector<16xf32>,
    %get3A_69 = vector.shape_cast %get3A_68 : vector<16xf32> to vector<16xf32>
    %get3A_70 = arith.constant 48 : index
    %get3A_71 = tpu.vector_load %arg16[%get3A_70] {strides = array<i32>} : memref<512xf32, #tpu.memory_space<vmem>>, vector<16xf32>,
    %get3A_72 = vector.shape_cast %get3A_71 : vector<16xf32> to vector<16xf32>
    %get3A_73 = arith.constant 64 : index
    %get3A_74 = tpu.vector_load %arg16[%get3A_73] {strides = array<i32>} : memref<512xf32, #tpu.memory_space<vmem>>, vector<16xf32>,
    %get3A_75 = vector.shape_cast %get3A_74 : vector<16xf32> to vector<16xf32>
    %get3A_76 = arith.constant 80 : index
    %get3A_77 = tpu.vector_load %arg16[%get3A_76] {strides = array<i32>} : memref<512xf32, #tpu.memory_space<vmem>>, vector<16xf32>,
    %get3A_78 = vector.shape_cast %get3A_77 : vector<16xf32> to vector<16xf32>
    %get3A_79 = arith.constant 96 : index
    %get3A_80 = tpu.vector_load %arg16[%get3A_79] {strides = array<i32>} : memref<512xf32, #tpu.memory_space<vmem>>, vector<16xf32>,
    %get3A_81 = vector.shape_cast %get3A_80 : vector<16xf32> to vector<16xf32>
    %get3A_82 = arith.constant 112 : index
    %get3A_83 = tpu.vector_load %arg16[%get3A_82] {strides = array<i32>} : memref<512xf32, #tpu.memory_space<vmem>>, vector<16xf32>,
    %get3A_84 = vector.shape_cast %get3A_83 : vector<16xf32> to vector<16xf32>
    %get3A_85 = arith.constant 128 : index
    %get3A_86 = tpu.vector_load %arg16[%get3A_85] {strides = array<i32>} : memref<512xf32, #tpu.memory_space<vmem>>, vector<16xf32>,
    %get3A_87 = vector.shape_cast %get3A_86 : vector<16xf32> to vector<16xf32>
    %get3A_88 = arith.constant 144 : index
    %get3A_89 = tpu.vector_load %arg16[%get3A_88] {strides = array<i32>} : memref<512xf32, #tpu.memory_space<vmem>>, vector<16xf32>,
    %get3A_90 = vector.shape_cast %get3A_89 : vector<16xf32> to vector<16xf32>
    %get3A_91 = arith.constant 160 : index
    %get3A_92 = tpu.vector_load %arg16[%get3A_91] {strides = array<i32>} : memref<512xf32, #tpu.memory_space<vmem>>, vector<16xf32>,
    %get3A_93 = vector.shape_cast %get3A_92 : vector<16xf32> to vector<16xf32>
    %get3A_94 = arith.constant 176 : index
    %get3A_95 = tpu.vector_load %arg16[%get3A_94] {strides = array<i32>} : memref<512xf32, #tpu.memory_space<vmem>>, vector<16xf32>,
    %get3A_96 = vector.shape_cast %get3A_95 : vector<16xf32> to vector<16xf32>
    %get3A_97 = arith.constant 192 : index
    %get3A_98 = tpu.vector_load %arg16[%get3A_97] {strides = array<i32>} : memref<512xf32, #tpu.memory_space<vmem>>, vector<16xf32>,
    %get3A_99 = vector.shape_cast %get3A_98 : vector<16xf32> to vector<16xf32>
    %get3A_100 = arith.constant 208 : index
    %get3A_101 = tpu.vector_load %arg16[%get3A_100] {strides = array<i32>} : memref<512xf32, #tpu.memory_space<vmem>>, vector<16xf32>,
    %get3A_102 = vector.shape_cast %get3A_101 : vector<16xf32> to vector<16xf32>
    %get3A_103 = arith.constant 224 : index
    %get3A_104 = tpu.vector_load %arg16[%get3A_103] {strides = array<i32>} : memref<512xf32, #tpu.memory_space<vmem>>, vector<16xf32>,
    %get3A_105 = vector.shape_cast %get3A_104 : vector<16xf32> to vector<16xf32>
    %get3A_106 = arith.constant 240 : index
    %get3A_107 = tpu.vector_load %arg16[%get3A_106] {strides = array<i32>} : memref<512xf32, #tpu.memory_space<vmem>>, vector<16xf32>,
    %get3A_108 = vector.shape_cast %get3A_107 : vector<16xf32> to vector<16xf32>
    %get3A_109 = arith.constant 256 : index
    %get3A_110 = tpu.vector_load %arg16[%get3A_109] {strides = array<i32>} : memref<512xf32, #tpu.memory_space<vmem>>, vector<16xf32>,
    %get3A_111 = vector.shape_cast %get3A_110 : vector<16xf32> to vector<16xf32>
    %get3A_112 = arith.constant 272 : index
    %get3A_113 = tpu.vector_load %arg16[%get3A_112] {strides = array<i32>} : memref<512xf32, #tpu.memory_space<vmem>>, vector<16xf32>,
    %get3A_114 = vector.shape_cast %get3A_113 : vector<16xf32> to vector<16xf32>
    %get3A_115 = arith.constant 288 : index
    %get3A_116 = tpu.vector_load %arg16[%get3A_115] {strides = array<i32>} : memref<512xf32, #tpu.memory_space<vmem>>, vector<16xf32>,
    %get3A_117 = vector.shape_cast %get3A_116 : vector<16xf32> to vector<16xf32>
    %get3A_118 = arith.constant 304 : index
    %get3A_119 = tpu.vector_load %arg16[%get3A_118] {strides = array<i32>} : memref<512xf32, #tpu.memory_space<vmem>>, vector<16xf32>,
    %get3A_120 = vector.shape_cast %get3A_119 : vector<16xf32> to vector<16xf32>
    %get3A_121 = arith.constant 320 : index
    %get3A_122 = tpu.vector_load %arg16[%get3A_121] {strides = array<i32>} : memref<512xf32, #tpu.memory_space<vmem>>, vector<16xf32>,
    %get3A_123 = vector.shape_cast %get3A_122 : vector<16xf32> to vector<16xf32>
    %get3A_124 = arith.constant 336 : index
    %get3A_125 = tpu.vector_load %arg16[%get3A_124] {strides = array<i32>} : memref<512xf32, #tpu.memory_space<vmem>>, vector<16xf32>,
    %get3A_126 = vector.shape_cast %get3A_125 : vector<16xf32> to vector<16xf32>
    %get3A_127 = arith.constant 352 : index
    %get3A_128 = tpu.vector_load %arg16[%get3A_127] {strides = array<i32>} : memref<512xf32, #tpu.memory_space<vmem>>, vector<16xf32>,
    %get3A_129 = vector.shape_cast %get3A_128 : vector<16xf32> to vector<16xf32>
    %get3A_130 = arith.constant 368 : index
    %get3A_131 = tpu.vector_load %arg16[%get3A_130] {strides = array<i32>} : memref<512xf32, #tpu.memory_space<vmem>>, vector<16xf32>,
    %get3A_132 = vector.shape_cast %get3A_131 : vector<16xf32> to vector<16xf32>
    %get3A_133 = arith.constant 384 : index
    %get3A_134 = tpu.vector_load %arg16[%get3A_133] {strides = array<i32>} : memref<512xf32, #tpu.memory_space<vmem>>, vector<16xf32>,
    %get3A_135 = vector.shape_cast %get3A_134 : vector<16xf32> to vector<16xf32>
    %get3A_136 = arith.constant 400 : index
    %get3A_137 = tpu.vector_load %arg16[%get3A_136] {strides = array<i32>} : memref<512xf32, #tpu.memory_space<vmem>>, vector<16xf32>,
    %get3A_138 = vector.shape_cast %get3A_137 : vector<16xf32> to vector<16xf32>
    %get3A_139 = arith.constant 416 : index
    %get3A_140 = tpu.vector_load %arg16[%get3A_139] {strides = array<i32>} : memref<512xf32, #tpu.memory_space<vmem>>, vector<16xf32>,
    %get3A_141 = vector.shape_cast %get3A_140 : vector<16xf32> to vector<16xf32>
    %get3A_142 = arith.constant 432 : index
    %get3A_143 = tpu.vector_load %arg16[%get3A_142] {strides = array<i32>} : memref<512xf32, #tpu.memory_space<vmem>>, vector<16xf32>,
    %get3A_144 = vector.shape_cast %get3A_143 : vector<16xf32> to vector<16xf32>
    %get3A_145 = arith.constant 448 : index
    %get3A_146 = tpu.vector_load %arg16[%get3A_145] {strides = array<i32>} : memref<512xf32, #tpu.memory_space<vmem>>, vector<16xf32>,
    %get3A_147 = vector.shape_cast %get3A_146 : vector<16xf32> to vector<16xf32>
    %get3A_148 = arith.constant 464 : index
    %get3A_149 = tpu.vector_load %arg16[%get3A_148] {strides = array<i32>} : memref<512xf32, #tpu.memory_space<vmem>>, vector<16xf32>,
    %get3A_150 = vector.shape_cast %get3A_149 : vector<16xf32> to vector<16xf32>
    %get3A_151 = arith.constant 480 : index
    %get3A_152 = tpu.vector_load %arg16[%get3A_151] {strides = array<i32>} : memref<512xf32, #tpu.memory_space<vmem>>, vector<16xf32>,
    %get3A_153 = vector.shape_cast %get3A_152 : vector<16xf32> to vector<16xf32>
    %get3A_154 = arith.constant 496 : index
    %get3A_155 = tpu.vector_load %arg16[%get3A_154] {strides = array<i32>} : memref<512xf32, #tpu.memory_space<vmem>>, vector<16xf32>,
    %get3A_156 = vector.shape_cast %get3A_155 : vector<16xf32> to vector<16xf32>
    %scan3A_157 = arith.constant 0 : i32
    %scan3A_158 = arith.constant 0 : i32
    %scan3A_159 = arith.constant 8 : i32
    %scan3A_160 = arith.addi %scan3A_158, %scan3A_159 : i32
    %scan3A_161 = arith.constant 1 : i32
    %scan3A_162 = scf.for %scan3A_475 = %scan3A_158 to %scan3A_160 step %scan3A_161 iter_args(%scan3A_476 = %scan3A_157) -> (i32)  : i32 {
      %swap3A = arith.index_cast %scan3A_475 : i32 to index
      %swap3A_477 = arith.constant 0 : index
      %swap3A_478 = tpu.vector_load %arg22[%swap3A, %swap3A_477] {strides = array<i32>} : memref<8x512xf32, #tpu.memory_space<vmem>>, vector<1x16xf32>,
      %swap3A_479 = vector.shape_cast %swap3A_478 : vector<1x16xf32> to vector<16xf32>
      %swap3A_480 = vector.shape_cast %get3A_63 : vector<16xf32> to vector<1x16xf32>
      tpu.vector_store %arg22[%swap3A, %swap3A_477], %swap3A_480 {strides = array<i32>} : memref<8x512xf32, #tpu.memory_space<vmem>>, vector<1x16xf32>,
      %swap3A_481 = arith.index_cast %scan3A_475 : i32 to index
      %swap3A_482 = arith.constant 16 : index
      %swap3A_483 = tpu.vector_load %arg22[%swap3A_481, %swap3A_482] {strides = array<i32>} : memref<8x512xf32, #tpu.memory_space<vmem>>, vector<1x16xf32>,
      %swap3A_484 = vector.shape_cast %swap3A_483 : vector<1x16xf32> to vector<16xf32>
      %swap3A_485 = vector.shape_cast %get3A_66 : vector<16xf32> to vector<1x16xf32>
      tpu.vector_store %arg22[%swap3A_481, %swap3A_482], %swap3A_485 {strides = array<i32>} : memref<8x512xf32, #tpu.memory_space<vmem>>, vector<1x16xf32>,
      %swap3A_486 = arith.index_cast %scan3A_475 : i32 to index
      %swap3A_487 = arith.constant 32 : index
      %swap3A_488 = tpu.vector_load %arg22[%swap3A_486, %swap3A_487] {strides = array<i32>} : memref<8x512xf32, #tpu.memory_space<vmem>>, vector<1x16xf32>,
      %swap3A_489 = vector.shape_cast %swap3A_488 : vector<1x16xf32> to vector<16xf32>
      %swap3A_490 = vector.shape_cast %get3A_69 : vector<16xf32> to vector<1x16xf32>
      tpu.vector_store %arg22[%swap3A_486, %swap3A_487], %swap3A_490 {strides = array<i32>} : memref<8x512xf32, #tpu.memory_space<vmem>>, vector<1x16xf32>,
      %swap3A_491 = arith.index_cast %scan3A_475 : i32 to index
      %swap3A_492 = arith.constant 48 : index
      %swap3A_493 = tpu.vector_load %arg22[%swap3A_491, %swap3A_492] {strides = array<i32>} : memref<8x512xf32, #tpu.memory_space<vmem>>, vector<1x16xf32>,
      %swap3A_494 = vector.shape_cast %swap3A_493 : vector<1x16xf32> to vector<16xf32>
      %swap3A_495 = vector.shape_cast %get3A_72 : vector<16xf32> to vector<1x16xf32>
      tpu.vector_store %arg22[%swap3A_491, %swap3A_492], %swap3A_495 {strides = array<i32>} : memref<8x512xf32, #tpu.memory_space<vmem>>, vector<1x16xf32>,
      %swap3A_496 = arith.index_cast %scan3A_475 : i32 to index
      %swap3A_497 = arith.constant 64 : index
      %swap3A_498 = tpu.vector_load %arg22[%swap3A_496, %swap3A_497] {strides = array<i32>} : memref<8x512xf32, #tpu.memory_space<vmem>>, vector<1x16xf32>,
      %swap3A_499 = vector.shape_cast %swap3A_498 : vector<1x16xf32> to vector<16xf32>
      %swap3A_500 = vector.shape_cast %get3A_75 : vector<16xf32> to vector<1x16xf32>
      tpu.vector_store %arg22[%swap3A_496, %swap3A_497], %swap3A_500 {strides = array<i32>} : memref<8x512xf32, #tpu.memory_space<vmem>>, vector<1x16xf32>,
      %swap3A_501 = arith.index_cast %scan3A_475 : i32 to index
      %swap3A_502 = arith.constant 80 : index
      %swap3A_503 = tpu.vector_load %arg22[%swap3A_501, %swap3A_502] {strides = array<i32>} : memref<8x512xf32, #tpu.memory_space<vmem>>, vector<1x16xf32>,
      %swap3A_504 = vector.shape_cast %swap3A_503 : vector<1x16xf32> to vector<16xf32>
      %swap3A_505 = vector.shape_cast %get3A_78 : vector<16xf32> to vector<1x16xf32>
      tpu.vector_store %arg22[%swap3A_501, %swap3A_502], %swap3A_505 {strides = array<i32>} : memref<8x512xf32, #tpu.memory_space<vmem>>, vector<1x16xf32>,
      %swap3A_506 = arith.index_cast %scan3A_475 : i32 to index
      %swap3A_507 = arith.constant 96 : index
      %swap3A_508 = tpu.vector_load %arg22[%swap3A_506, %swap3A_507] {strides = array<i32>} : memref<8x512xf32, #tpu.memory_space<vmem>>, vector<1x16xf32>,
      %swap3A_509 = vector.shape_cast %swap3A_508 : vector<1x16xf32> to vector<16xf32>
      %swap3A_510 = vector.shape_cast %get3A_81 : vector<16xf32> to vector<1x16xf32>
      tpu.vector_store %arg22[%swap3A_506, %swap3A_507], %swap3A_510 {strides = array<i32>} : memref<8x512xf32, #tpu.memory_space<vmem>>, vector<1x16xf32>,
      %swap3A_511 = arith.index_cast %scan3A_475 : i32 to index
      %swap3A_512 = arith.constant 112 : index
      %swap3A_513 = tpu.vector_load %arg22[%swap3A_511, %swap3A_512] {strides = array<i32>} : memref<8x512xf32, #tpu.memory_space<vmem>>, vector<1x16xf32>,
      %swap3A_514 = vector.shape_cast %swap3A_513 : vector<1x16xf32> to vector<16xf32>
      %swap3A_515 = vector.shape_cast %get3A_84 : vector<16xf32> to vector<1x16xf32>
      tpu.vector_store %arg22[%swap3A_511, %swap3A_512], %swap3A_515 {strides = array<i32>} : memref<8x512xf32, #tpu.memory_space<vmem>>, vector<1x16xf32>,
      %swap3A_516 = arith.index_cast %scan3A_475 : i32 to index
      %swap3A_517 = arith.constant 128 : index
      %swap3A_518 = tpu.vector_load %arg22[%swap3A_516, %swap3A_517] {strides = array<i32>} : memref<8x512xf32, #tpu.memory_space<vmem>>, vector<1x16xf32>,
      %swap3A_519 = vector.shape_cast %swap3A_518 : vector<1x16xf32> to vector<16xf32>
      %swap3A_520 = vector.shape_cast %get3A_87 : vector<16xf32> to vector<1x16xf32>
      tpu.vector_store %arg22[%swap3A_516, %swap3A_517], %swap3A_520 {strides = array<i32>} : memref<8x512xf32, #tpu.memory_space<vmem>>, vector<1x16xf32>,
      %swap3A_521 = arith.index_cast %scan3A_475 : i32 to index
      %swap3A_522 = arith.constant 144 : index
      %swap3A_523 = tpu.vector_load %arg22[%swap3A_521, %swap3A_522] {strides = array<i32>} : memref<8x512xf32, #tpu.memory_space<vmem>>, vector<1x16xf32>,
      %swap3A_524 = vector.shape_cast %swap3A_523 : vector<1x16xf32> to vector<16xf32>
      %swap3A_525 = vector.shape_cast %get3A_90 : vector<16xf32> to vector<1x16xf32>
      tpu.vector_store %arg22[%swap3A_521, %swap3A_522], %swap3A_525 {strides = array<i32>} : memref<8x512xf32, #tpu.memory_space<vmem>>, vector<1x16xf32>,
      %swap3A_526 = arith.index_cast %scan3A_475 : i32 to index
      %swap3A_527 = arith.constant 160 : index
      %swap3A_528 = tpu.vector_load %arg22[%swap3A_526, %swap3A_527] {strides = array<i32>} : memref<8x512xf32, #tpu.memory_space<vmem>>, vector<1x16xf32>,
      %swap3A_529 = vector.shape_cast %swap3A_528 : vector<1x16xf32> to vector<16xf32>
      %swap3A_530 = vector.shape_cast %get3A_93 : vector<16xf32> to vector<1x16xf32>
      tpu.vector_store %arg22[%swap3A_526, %swap3A_527], %swap3A_530 {strides = array<i32>} : memref<8x512xf32, #tpu.memory_space<vmem>>, vector<1x16xf32>,
      %swap3A_531 = arith.index_cast %scan3A_475 : i32 to index
      %swap3A_532 = arith.constant 176 : index
      %swap3A_533 = tpu.vector_load %arg22[%swap3A_531, %swap3A_532] {strides = array<i32>} : memref<8x512xf32, #tpu.memory_space<vmem>>, vector<1x16xf32>,
      %swap3A_534 = vector.shape_cast %swap3A_533 : vector<1x16xf32> to vector<16xf32>
      %swap3A_535 = vector.shape_cast %get3A_96 : vector<16xf32> to vector<1x16xf32>
      tpu.vector_store %arg22[%swap3A_531, %swap3A_532], %swap3A_535 {strides = array<i32>} : memref<8x512xf32, #tpu.memory_space<vmem>>, vector<1x16xf32>,
      %swap3A_536 = arith.index_cast %scan3A_475 : i32 to index
      %swap3A_537 = arith.constant 192 : index
      %swap3A_538 = tpu.vector_load %arg22[%swap3A_536, %swap3A_537] {strides = array<i32>} : memref<8x512xf32, #tpu.memory_space<vmem>>, vector<1x16xf32>,
      %swap3A_539 = vector.shape_cast %swap3A_538 : vector<1x16xf32> to vector<16xf32>
      %swap3A_540 = vector.shape_cast %get3A_99 : vector<16xf32> to vector<1x16xf32>
      tpu.vector_store %arg22[%swap3A_536, %swap3A_537], %swap3A_540 {strides = array<i32>} : memref<8x512xf32, #tpu.memory_space<vmem>>, vector<1x16xf32>,
      %swap3A_541 = arith.index_cast %scan3A_475 : i32 to index
      %swap3A_542 = arith.constant 208 : index
      %swap3A_543 = tpu.vector_load %arg22[%swap3A_541, %swap3A_542] {strides = array<i32>} : memref<8x512xf32, #tpu.memory_space<vmem>>, vector<1x16xf32>,
      %swap3A_544 = vector.shape_cast %swap3A_543 : vector<1x16xf32> to vector<16xf32>
      %swap3A_545 = vector.shape_cast %get3A_102 : vector<16xf32> to vector<1x16xf32>
      tpu.vector_store %arg22[%swap3A_541, %swap3A_542], %swap3A_545 {strides = array<i32>} : memref<8x512xf32, #tpu.memory_space<vmem>>, vector<1x16xf32>,
      %swap3A_546 = arith.index_cast %scan3A_475 : i32 to index
      %swap3A_547 = arith.constant 224 : index
      %swap3A_548 = tpu.vector_load %arg22[%swap3A_546, %swap3A_547] {strides = array<i32>} : memref<8x512xf32, #tpu.memory_space<vmem>>, vector<1x16xf32>,
      %swap3A_549 = vector.shape_cast %swap3A_548 : vector<1x16xf32> to vector<16xf32>
      %swap3A_550 = vector.shape_cast %get3A_105 : vector<16xf32> to vector<1x16xf32>
      tpu.vector_store %arg22[%swap3A_546, %swap3A_547], %swap3A_550 {strides = array<i32>} : memref<8x512xf32, #tpu.memory_space<vmem>>, vector<1x16xf32>,
      %swap3A_551 = arith.index_cast %scan3A_475 : i32 to index
      %swap3A_552 = arith.constant 240 : index
      %swap3A_553 = tpu.vector_load %arg22[%swap3A_551, %swap3A_552] {strides = array<i32>} : memref<8x512xf32, #tpu.memory_space<vmem>>, vector<1x16xf32>,
      %swap3A_554 = vector.shape_cast %swap3A_553 : vector<1x16xf32> to vector<16xf32>
      %swap3A_555 = vector.shape_cast %get3A_108 : vector<16xf32> to vector<1x16xf32>
      tpu.vector_store %arg22[%swap3A_551, %swap3A_552], %swap3A_555 {strides = array<i32>} : memref<8x512xf32, #tpu.memory_space<vmem>>, vector<1x16xf32>,
      %swap3A_556 = arith.index_cast %scan3A_475 : i32 to index
      %swap3A_557 = arith.constant 256 : index
      %swap3A_558 = tpu.vector_load %arg22[%swap3A_556, %swap3A_557] {strides = array<i32>} : memref<8x512xf32, #tpu.memory_space<vmem>>, vector<1x16xf32>,
      %swap3A_559 = vector.shape_cast %swap3A_558 : vector<1x16xf32> to vector<16xf32>
      %swap3A_560 = vector.shape_cast %get3A_111 : vector<16xf32> to vector<1x16xf32>
      tpu.vector_store %arg22[%swap3A_556, %swap3A_557], %swap3A_560 {strides = array<i32>} : memref<8x512xf32, #tpu.memory_space<vmem>>, vector<1x16xf32>,
      %swap3A_561 = arith.index_cast %scan3A_475 : i32 to index
      %swap3A_562 = arith.constant 272 : index
      %swap3A_563 = tpu.vector_load %arg22[%swap3A_561, %swap3A_562] {strides = array<i32>} : memref<8x512xf32, #tpu.memory_space<vmem>>, vector<1x16xf32>,
      %swap3A_564 = vector.shape_cast %swap3A_563 : vector<1x16xf32> to vector<16xf32>
      %swap3A_565 = vector.shape_cast %get3A_114 : vector<16xf32> to vector<1x16xf32>
      tpu.vector_store %arg22[%swap3A_561, %swap3A_562], %swap3A_565 {strides = array<i32>} : memref<8x512xf32, #tpu.memory_space<vmem>>, vector<1x16xf32>,
      %swap3A_566 = arith.index_cast %scan3A_475 : i32 to index
      %swap3A_567 = arith.constant 288 : index
      %swap3A_568 = tpu.vector_load %arg22[%swap3A_566, %swap3A_567] {strides = array<i32>} : memref<8x512xf32, #tpu.memory_space<vmem>>, vector<1x16xf32>,
      %swap3A_569 = vector.shape_cast %swap3A_568 : vector<1x16xf32> to vector<16xf32>
      %swap3A_570 = vector.shape_cast %get3A_117 : vector<16xf32> to vector<1x16xf32>
      tpu.vector_store %arg22[%swap3A_566, %swap3A_567], %swap3A_570 {strides = array<i32>} : memref<8x512xf32, #tpu.memory_space<vmem>>, vector<1x16xf32>,
      %swap3A_571 = arith.index_cast %scan3A_475 : i32 to index
      %swap3A_572 = arith.constant 304 : index
      %swap3A_573 = tpu.vector_load %arg22[%swap3A_571, %swap3A_572] {strides = array<i32>} : memref<8x512xf32, #tpu.memory_space<vmem>>, vector<1x16xf32>,
      %swap3A_574 = vector.shape_cast %swap3A_573 : vector<1x16xf32> to vector<16xf32>
      %swap3A_575 = vector.shape_cast %get3A_120 : vector<16xf32> to vector<1x16xf32>
      tpu.vector_store %arg22[%swap3A_571, %swap3A_572], %swap3A_575 {strides = array<i32>} : memref<8x512xf32, #tpu.memory_space<vmem>>, vector<1x16xf32>,
      %swap3A_576 = arith.index_cast %scan3A_475 : i32 to index
      %swap3A_577 = arith.constant 320 : index
      %swap3A_578 = tpu.vector_load %arg22[%swap3A_576, %swap3A_577] {strides = array<i32>} : memref<8x512xf32, #tpu.memory_space<vmem>>, vector<1x16xf32>,
      %swap3A_579 = vector.shape_cast %swap3A_578 : vector<1x16xf32> to vector<16xf32>
      %swap3A_580 = vector.shape_cast %get3A_123 : vector<16xf32> to vector<1x16xf32>
      tpu.vector_store %arg22[%swap3A_576, %swap3A_577], %swap3A_580 {strides = array<i32>} : memref<8x512xf32, #tpu.memory_space<vmem>>, vector<1x16xf32>,
      %swap3A_581 = arith.index_cast %scan3A_475 : i32 to index
      %swap3A_582 = arith.constant 336 : index
      %swap3A_583 = tpu.vector_load %arg22[%swap3A_581, %swap3A_582] {strides = array<i32>} : memref<8x512xf32, #tpu.memory_space<vmem>>, vector<1x16xf32>,
      %swap3A_584 = vector.shape_cast %swap3A_583 : vector<1x16xf32> to vector<16xf32>
      %swap3A_585 = vector.shape_cast %get3A_126 : vector<16xf32> to vector<1x16xf32>
      tpu.vector_store %arg22[%swap3A_581, %swap3A_582], %swap3A_585 {strides = array<i32>} : memref<8x512xf32, #tpu.memory_space<vmem>>, vector<1x16xf32>,
      %swap3A_586 = arith.index_cast %scan3A_475 : i32 to index
      %swap3A_587 = arith.constant 352 : index
      %swap3A_588 = tpu.vector_load %arg22[%swap3A_586, %swap3A_587] {strides = array<i32>} : memref<8x512xf32, #tpu.memory_space<vmem>>, vector<1x16xf32>,
      %swap3A_589 = vector.shape_cast %swap3A_588 : vector<1x16xf32> to vector<16xf32>
      %swap3A_590 = vector.shape_cast %get3A_129 : vector<16xf32> to vector<1x16xf32>
      tpu.vector_store %arg22[%swap3A_586, %swap3A_587], %swap3A_590 {strides = array<i32>} : memref<8x512xf32, #tpu.memory_space<vmem>>, vector<1x16xf32>,
      %swap3A_591 = arith.index_cast %scan3A_475 : i32 to index
      %swap3A_592 = arith.constant 368 : index
      %swap3A_593 = tpu.vector_load %arg22[%swap3A_591, %swap3A_592] {strides = array<i32>} : memref<8x512xf32, #tpu.memory_space<vmem>>, vector<1x16xf32>,
      %swap3A_594 = vector.shape_cast %swap3A_593 : vector<1x16xf32> to vector<16xf32>
      %swap3A_595 = vector.shape_cast %get3A_132 : vector<16xf32> to vector<1x16xf32>
      tpu.vector_store %arg22[%swap3A_591, %swap3A_592], %swap3A_595 {strides = array<i32>} : memref<8x512xf32, #tpu.memory_space<vmem>>, vector<1x16xf32>,
      %swap3A_596 = arith.index_cast %scan3A_475 : i32 to index
      %swap3A_597 = arith.constant 384 : index
      %swap3A_598 = tpu.vector_load %arg22[%swap3A_596, %swap3A_597] {strides = array<i32>} : memref<8x512xf32, #tpu.memory_space<vmem>>, vector<1x16xf32>,
      %swap3A_599 = vector.shape_cast %swap3A_598 : vector<1x16xf32> to vector<16xf32>
      %swap3A_600 = vector.shape_cast %get3A_135 : vector<16xf32> to vector<1x16xf32>
      tpu.vector_store %arg22[%swap3A_596, %swap3A_597], %swap3A_600 {strides = array<i32>} : memref<8x512xf32, #tpu.memory_space<vmem>>, vector<1x16xf32>,
      %swap3A_601 = arith.index_cast %scan3A_475 : i32 to index
      %swap3A_602 = arith.constant 400 : index
      %swap3A_603 = tpu.vector_load %arg22[%swap3A_601, %swap3A_602] {strides = array<i32>} : memref<8x512xf32, #tpu.memory_space<vmem>>, vector<1x16xf32>,
      %swap3A_604 = vector.shape_cast %swap3A_603 : vector<1x16xf32> to vector<16xf32>
      %swap3A_605 = vector.shape_cast %get3A_138 : vector<16xf32> to vector<1x16xf32>
      tpu.vector_store %arg22[%swap3A_601, %swap3A_602], %swap3A_605 {strides = array<i32>} : memref<8x512xf32, #tpu.memory_space<vmem>>, vector<1x16xf32>,
      %swap3A_606 = arith.index_cast %scan3A_475 : i32 to index
      %swap3A_607 = arith.constant 416 : index
      %swap3A_608 = tpu.vector_load %arg22[%swap3A_606, %swap3A_607] {strides = array<i32>} : memref<8x512xf32, #tpu.memory_space<vmem>>, vector<1x16xf32>,
      %swap3A_609 = vector.shape_cast %swap3A_608 : vector<1x16xf32> to vector<16xf32>
      %swap3A_610 = vector.shape_cast %get3A_141 : vector<16xf32> to vector<1x16xf32>
      tpu.vector_store %arg22[%swap3A_606, %swap3A_607], %swap3A_610 {strides = array<i32>} : memref<8x512xf32, #tpu.memory_space<vmem>>, vector<1x16xf32>,
      %swap3A_611 = arith.index_cast %scan3A_475 : i32 to index
      %swap3A_612 = arith.constant 432 : index
      %swap3A_613 = tpu.vector_load %arg22[%swap3A_611, %swap3A_612] {strides = array<i32>} : memref<8x512xf32, #tpu.memory_space<vmem>>, vector<1x16xf32>,
      %swap3A_614 = vector.shape_cast %swap3A_613 : vector<1x16xf32> to vector<16xf32>
      %swap3A_615 = vector.shape_cast %get3A_144 : vector<16xf32> to vector<1x16xf32>
      tpu.vector_store %arg22[%swap3A_611, %swap3A_612], %swap3A_615 {strides = array<i32>} : memref<8x512xf32, #tpu.memory_space<vmem>>, vector<1x16xf32>,
      %swap3A_616 = arith.index_cast %scan3A_475 : i32 to index
      %swap3A_617 = arith.constant 448 : index
      %swap3A_618 = tpu.vector_load %arg22[%swap3A_616, %swap3A_617] {strides = array<i32>} : memref<8x512xf32, #tpu.memory_space<vmem>>, vector<1x16xf32>,
      %swap3A_619 = vector.shape_cast %swap3A_618 : vector<1x16xf32> to vector<16xf32>
      %swap3A_620 = vector.shape_cast %get3A_147 : vector<16xf32> to vector<1x16xf32>
      tpu.vector_store %arg22[%swap3A_616, %swap3A_617], %swap3A_620 {strides = array<i32>} : memref<8x512xf32, #tpu.memory_space<vmem>>, vector<1x16xf32>,
      %swap3A_621 = arith.index_cast %scan3A_475 : i32 to index
      %swap3A_622 = arith.constant 464 : index
      %swap3A_623 = tpu.vector_load %arg22[%swap3A_621, %swap3A_622] {strides = array<i32>} : memref<8x512xf32, #tpu.memory_space<vmem>>, vector<1x16xf32>,
      %swap3A_624 = vector.shape_cast %swap3A_623 : vector<1x16xf32> to vector<16xf32>
      %swap3A_625 = vector.shape_cast %get3A_150 : vector<16xf32> to vector<1x16xf32>
      tpu.vector_store %arg22[%swap3A_621, %swap3A_622], %swap3A_625 {strides = array<i32>} : memref<8x512xf32, #tpu.memory_space<vmem>>, vector<1x16xf32>,
      %swap3A_626 = arith.index_cast %scan3A_475 : i32 to index
      %swap3A_627 = arith.constant 480 : index
      %swap3A_628 = tpu.vector_load %arg22[%swap3A_626, %swap3A_627] {strides = array<i32>} : memref<8x512xf32, #tpu.memory_space<vmem>>, vector<1x16xf32>,
      %swap3A_629 = vector.shape_cast %swap3A_628 : vector<1x16xf32> to vector<16xf32>
      %swap3A_630 = vector.shape_cast %get3A_153 : vector<16xf32> to vector<1x16xf32>
      tpu.vector_store %arg22[%swap3A_626, %swap3A_627], %swap3A_630 {strides = array<i32>} : memref<8x512xf32, #tpu.memory_space<vmem>>, vector<1x16xf32>,
      %swap3A_631 = arith.index_cast %scan3A_475 : i32 to index
      %swap3A_632 = arith.constant 496 : index
      %swap3A_633 = tpu.vector_load %arg22[%swap3A_631, %swap3A_632] {strides = array<i32>} : memref<8x512xf32, #tpu.memory_space<vmem>>, vector<1x16xf32>,
      %swap3A_634 = vector.shape_cast %swap3A_633 : vector<1x16xf32> to vector<16xf32>
      %swap3A_635 = vector.shape_cast %get3A_156 : vector<16xf32> to vector<1x16xf32>
      tpu.vector_store %arg22[%swap3A_631, %swap3A_632], %swap3A_635 {strides = array<i32>} : memref<8x512xf32, #tpu.memory_space<vmem>>, vector<1x16xf32>,
      %scan3A_636 = arith.constant 0 : i32
      scf.yield %scan3A_636 : i32
    }
    %scan3A_163 = arith.constant 8 : i32
    %add3A_164 = arith.constant 0 : i32
    %add3A_165 = arith.addi %mul3A_2, %add3A_164 : i32
    %dma_start3A_166 = arith.constant 0 : i32
    %dma_start3A_167 = tpu.memref_slice %arg10[%add3A_165, %dma_start3A_166] : memref<4096x1024xf32, #tpu.memory_space<hbm>> -> memref<8x512xf32, #tpu.memory_space<hbm>>
    %dma_start3A_168 = arith.constant 0 : i32
    %dma_start3A_169 = tpu.memref_slice %arg10[%add3A_165, %dma_start3A_168] : memref<4096x1024xf32, #tpu.memory_space<hbm>> -> memref<8x512xf32, #tpu.memory_space<hbm>>
    tpu.enqueue_dma source(%arg22 : memref<8x512xf32, #tpu.memory_space<vmem>>) target(%dma_start3A_169 : memref<8x512xf32, #tpu.memory_space<hbm>>) target_semaphore(%arg26 : memref<!tpu.dma_semaphore, #tpu.memory_space<semaphore_mem>>)
    %add3A_170 = arith.constant 8 : i32
    %add3A_171 = arith.addi %mul3A_2, %add3A_170 : i32
    %dma_start3A_172 = arith.constant 0 : i32
    %dma_start3A_173 = tpu.memref_slice %arg10[%add3A_171, %dma_start3A_172] : memref<4096x1024xf32, #tpu.memory_space<hbm>> -> memref<8x512xf32, #tpu.memory_space<hbm>>
    %dma_start3A_174 = arith.constant 0 : i32
    %dma_start3A_175 = tpu.memref_slice %arg10[%add3A_171, %dma_start3A_174] : memref<4096x1024xf32, #tpu.memory_space<hbm>> -> memref<8x512xf32, #tpu.memory_space<hbm>>
    tpu.enqueue_dma source(%arg22 : memref<8x512xf32, #tpu.memory_space<vmem>>) target(%dma_start3A_175 : memref<8x512xf32, #tpu.memory_space<hbm>>) target_semaphore(%arg26 : memref<!tpu.dma_semaphore, #tpu.memory_space<semaphore_mem>>)
    %add3A_176 = arith.constant 16 : i32
    %add3A_177 = arith.addi %mul3A_2, %add3A_176 : i32
    %dma_start3A_178 = arith.constant 0 : i32
    %dma_start3A_179 = tpu.memref_slice %arg10[%add3A_177, %dma_start3A_178] : memref<4096x1024xf32, #tpu.memory_space<hbm>> -> memref<8x512xf32, #tpu.memory_space<hbm>>
    %dma_start3A_180 = arith.constant 0 : i32
    %dma_start3A_181 = tpu.memref_slice %arg10[%add3A_177, %dma_start3A_180] : memref<4096x1024xf32, #tpu.memory_space<hbm>> -> memref<8x512xf32, #tpu.memory_space<hbm>>
    tpu.enqueue_dma source(%arg22 : memref<8x512xf32, #tpu.memory_space<vmem>>) target(%dma_start3A_181 : memref<8x512xf32, #tpu.memory_space<hbm>>) target_semaphore(%arg26 : memref<!tpu.dma_semaphore, #tpu.memory_space<semaphore_mem>>)
    %add3A_182 = arith.constant 24 : i32
    %add3A_183 = arith.addi %mul3A_2, %add3A_182 : i32
    %dma_start3A_184 = arith.constant 0 : i32
    %dma_start3A_185 = tpu.memref_slice %arg10[%add3A_183, %dma_start3A_184] : memref<4096x1024xf32, #tpu.memory_space<hbm>> -> memref<8x512xf32, #tpu.memory_space<hbm>>
    %dma_start3A_186 = arith.constant 0 : i32
    %dma_start3A_187 = tpu.memref_slice %arg10[%add3A_183, %dma_start3A_186] : memref<4096x1024xf32, #tpu.memory_space<hbm>> -> memref<8x512xf32, #tpu.memory_space<hbm>>
    tpu.enqueue_dma source(%arg22 : memref<8x512xf32, #tpu.memory_space<vmem>>) target(%dma_start3A_187 : memref<8x512xf32, #tpu.memory_space<hbm>>) target_semaphore(%arg26 : memref<!tpu.dma_semaphore, #tpu.memory_space<semaphore_mem>>)
    %add3A_188 = arith.constant 32 : i32
    %add3A_189 = arith.addi %mul3A_2, %add3A_188 : i32
    %dma_start3A_190 = arith.constant 0 : i32
    %dma_start3A_191 = tpu.memref_slice %arg10[%add3A_189, %dma_start3A_190] : memref<4096x1024xf32, #tpu.memory_space<hbm>> -> memref<8x512xf32, #tpu.memory_space<hbm>>
    %dma_start3A_192 = arith.constant 0 : i32
    %dma_start3A_193 = tpu.memref_slice %arg10[%add3A_189, %dma_start3A_192] : memref<4096x1024xf32, #tpu.memory_space<hbm>> -> memref<8x512xf32, #tpu.memory_space<hbm>>
    tpu.enqueue_dma source(%arg22 : memref<8x512xf32, #tpu.memory_space<vmem>>) target(%dma_start3A_193 : memref<8x512xf32, #tpu.memory_space<hbm>>) target_semaphore(%arg26 : memref<!tpu.dma_semaphore, #tpu.memory_space<semaphore_mem>>)
    %add3A_194 = arith.constant 40 : i32
    %add3A_195 = arith.addi %mul3A_2, %add3A_194 : i32
    %dma_start3A_196 = arith.constant 0 : i32
    %dma_start3A_197 = tpu.memref_slice %arg10[%add3A_195, %dma_start3A_196] : memref<4096x1024xf32, #tpu.memory_space<hbm>> -> memref<8x512xf32, #tpu.memory_space<hbm>>
    %dma_start3A_198 = arith.constant 0 : i32
    %dma_start3A_199 = tpu.memref_slice %arg10[%add3A_195, %dma_start3A_198] : memref<4096x1024xf32, #tpu.memory_space<hbm>> -> memref<8x512xf32, #tpu.memory_space<hbm>>
    tpu.enqueue_dma source(%arg22 : memref<8x512xf32, #tpu.memory_space<vmem>>) target(%dma_start3A_199 : memref<8x512xf32, #tpu.memory_space<hbm>>) target_semaphore(%arg26 : memref<!tpu.dma_semaphore, #tpu.memory_space<semaphore_mem>>)
    %add3A_200 = arith.constant 48 : i32
    %add3A_201 = arith.addi %mul3A_2, %add3A_200 : i32
    %dma_start3A_202 = arith.constant 0 : i32
    %dma_start3A_203 = tpu.memref_slice %arg10[%add3A_201, %dma_start3A_202] : memref<4096x1024xf32, #tpu.memory_space<hbm>> -> memref<8x512xf32, #tpu.memory_space<hbm>>
    %dma_start3A_204 = arith.constant 0 : i32
    %dma_start3A_205 = tpu.memref_slice %arg10[%add3A_201, %dma_start3A_204] : memref<4096x1024xf32, #tpu.memory_space<hbm>> -> memref<8x512xf32, #tpu.memory_space<hbm>>
    tpu.enqueue_dma source(%arg22 : memref<8x512xf32, #tpu.memory_space<vmem>>) target(%dma_start3A_205 : memref<8x512xf32, #tpu.memory_space<hbm>>) target_semaphore(%arg26 : memref<!tpu.dma_semaphore, #tpu.memory_space<semaphore_mem>>)
    %add3A_206 = arith.constant 56 : i32
    %add3A_207 = arith.addi %mul3A_2, %add3A_206 : i32
    %dma_start3A_208 = arith.constant 0 : i32
    %dma_start3A_209 = tpu.memref_slice %arg10[%add3A_207, %dma_start3A_208] : memref<4096x1024xf32, #tpu.memory_space<hbm>> -> memref<8x512xf32, #tpu.memory_space<hbm>>
    %dma_start3A_210 = arith.constant 0 : i32
    %dma_start3A_211 = tpu.memref_slice %arg10[%add3A_207, %dma_start3A_210] : memref<4096x1024xf32, #tpu.memory_space<hbm>> -> memref<8x512xf32, #tpu.memory_space<hbm>>
    tpu.enqueue_dma source(%arg22 : memref<8x512xf32, #tpu.memory_space<vmem>>) target(%dma_start3A_211 : memref<8x512xf32, #tpu.memory_space<hbm>>) target_semaphore(%arg26 : memref<!tpu.dma_semaphore, #tpu.memory_space<semaphore_mem>>)
    %get3A_212 = arith.constant 0 : index
    %get3A_213 = tpu.vector_load %arg17[%get3A_212] {strides = array<i32>} : memref<512xf32, #tpu.memory_space<vmem>>, vector<16xf32>,
    %get3A_214 = vector.shape_cast %get3A_213 : vector<16xf32> to vector<16xf32>
    %get3A_215 = arith.constant 16 : index
    %get3A_216 = tpu.vector_load %arg17[%get3A_215] {strides = array<i32>} : memref<512xf32, #tpu.memory_space<vmem>>, vector<16xf32>,
    %get3A_217 = vector.shape_cast %get3A_216 : vector<16xf32> to vector<16xf32>
    %get3A_218 = arith.constant 32 : index
    %get3A_219 = tpu.vector_load %arg17[%get3A_218] {strides = array<i32>} : memref<512xf32, #tpu.memory_space<vmem>>, vector<16xf32>,
    %get3A_220 = vector.shape_cast %get3A_219 : vector<16xf32> to vector<16xf32>
    %get3A_221 = arith.constant 48 : index
    %get3A_222 = tpu.vector_load %arg17[%get3A_221] {strides = array<i32>} : memref<512xf32, #tpu.memory_space<vmem>>, vector<16xf32>,
    %get3A_223 = vector.shape_cast %get3A_222 : vector<16xf32> to vector<16xf32>
    %get3A_224 = arith.constant 64 : index
    %get3A_225 = tpu.vector_load %arg17[%get3A_224] {strides = array<i32>} : memref<512xf32, #tpu.memory_space<vmem>>, vector<16xf32>,
    %get3A_226 = vector.shape_cast %get3A_225 : vector<16xf32> to vector<16xf32>
    %get3A_227 = arith.constant 80 : index
    %get3A_228 = tpu.vector_load %arg17[%get3A_227] {strides = array<i32>} : memref<512xf32, #tpu.memory_space<vmem>>, vector<16xf32>,
    %get3A_229 = vector.shape_cast %get3A_228 : vector<16xf32> to vector<16xf32>
    %get3A_230 = arith.constant 96 : index
    %get3A_231 = tpu.vector_load %arg17[%get3A_230] {strides = array<i32>} : memref<512xf32, #tpu.memory_space<vmem>>, vector<16xf32>,
    %get3A_232 = vector.shape_cast %get3A_231 : vector<16xf32> to vector<16xf32>
    %get3A_233 = arith.constant 112 : index
    %get3A_234 = tpu.vector_load %arg17[%get3A_233] {strides = array<i32>} : memref<512xf32, #tpu.memory_space<vmem>>, vector<16xf32>,
    %get3A_235 = vector.shape_cast %get3A_234 : vector<16xf32> to vector<16xf32>
    %get3A_236 = arith.constant 128 : index
    %get3A_237 = tpu.vector_load %arg17[%get3A_236] {strides = array<i32>} : memref<512xf32, #tpu.memory_space<vmem>>, vector<16xf32>,
    %get3A_238 = vector.shape_cast %get3A_237 : vector<16xf32> to vector<16xf32>
    %get3A_239 = arith.constant 144 : index
    %get3A_240 = tpu.vector_load %arg17[%get3A_239] {strides = array<i32>} : memref<512xf32, #tpu.memory_space<vmem>>, vector<16xf32>,
    %get3A_241 = vector.shape_cast %get3A_240 : vector<16xf32> to vector<16xf32>
    %get3A_242 = arith.constant 160 : index
    %get3A_243 = tpu.vector_load %arg17[%get3A_242] {strides = array<i32>} : memref<512xf32, #tpu.memory_space<vmem>>, vector<16xf32>,
    %get3A_244 = vector.shape_cast %get3A_243 : vector<16xf32> to vector<16xf32>
    %get3A_245 = arith.constant 176 : index
    %get3A_246 = tpu.vector_load %arg17[%get3A_245] {strides = array<i32>} : memref<512xf32, #tpu.memory_space<vmem>>, vector<16xf32>,
    %get3A_247 = vector.shape_cast %get3A_246 : vector<16xf32> to vector<16xf32>
    %get3A_248 = arith.constant 192 : index
    %get3A_249 = tpu.vector_load %arg17[%get3A_248] {strides = array<i32>} : memref<512xf32, #tpu.memory_space<vmem>>, vector<16xf32>,
    %get3A_250 = vector.shape_cast %get3A_249 : vector<16xf32> to vector<16xf32>
    %get3A_251 = arith.constant 208 : index
    %get3A_252 = tpu.vector_load %arg17[%get3A_251] {strides = array<i32>} : memref<512xf32, #tpu.memory_space<vmem>>, vector<16xf32>,
    %get3A_253 = vector.shape_cast %get3A_252 : vector<16xf32> to vector<16xf32>
    %get3A_254 = arith.constant 224 : index
    %get3A_255 = tpu.vector_load %arg17[%get3A_254] {strides = array<i32>} : memref<512xf32, #tpu.memory_space<vmem>>, vector<16xf32>,
    %get3A_256 = vector.shape_cast %get3A_255 : vector<16xf32> to vector<16xf32>
    %get3A_257 = arith.constant 240 : index
    %get3A_258 = tpu.vector_load %arg17[%get3A_257] {strides = array<i32>} : memref<512xf32, #tpu.memory_space<vmem>>, vector<16xf32>,
    %get3A_259 = vector.shape_cast %get3A_258 : vector<16xf32> to vector<16xf32>
    %get3A_260 = arith.constant 256 : index
    %get3A_261 = tpu.vector_load %arg17[%get3A_260] {strides = array<i32>} : memref<512xf32, #tpu.memory_space<vmem>>, vector<16xf32>,
    %get3A_262 = vector.shape_cast %get3A_261 : vector<16xf32> to vector<16xf32>
    %get3A_263 = arith.constant 272 : index
    %get3A_264 = tpu.vector_load %arg17[%get3A_263] {strides = array<i32>} : memref<512xf32, #tpu.memory_space<vmem>>, vector<16xf32>,
    %get3A_265 = vector.shape_cast %get3A_264 : vector<16xf32> to vector<16xf32>
    %get3A_266 = arith.constant 288 : index
    %get3A_267 = tpu.vector_load %arg17[%get3A_266] {strides = array<i32>} : memref<512xf32, #tpu.memory_space<vmem>>, vector<16xf32>,
    %get3A_268 = vector.shape_cast %get3A_267 : vector<16xf32> to vector<16xf32>
    %get3A_269 = arith.constant 304 : index
    %get3A_270 = tpu.vector_load %arg17[%get3A_269] {strides = array<i32>} : memref<512xf32, #tpu.memory_space<vmem>>, vector<16xf32>,
    %get3A_271 = vector.shape_cast %get3A_270 : vector<16xf32> to vector<16xf32>
    %get3A_272 = arith.constant 320 : index
    %get3A_273 = tpu.vector_load %arg17[%get3A_272] {strides = array<i32>} : memref<512xf32, #tpu.memory_space<vmem>>, vector<16xf32>,
    %get3A_274 = vector.shape_cast %get3A_273 : vector<16xf32> to vector<16xf32>
    %get3A_275 = arith.constant 336 : index
    %get3A_276 = tpu.vector_load %arg17[%get3A_275] {strides = array<i32>} : memref<512xf32, #tpu.memory_space<vmem>>, vector<16xf32>,
    %get3A_277 = vector.shape_cast %get3A_276 : vector<16xf32> to vector<16xf32>
    %get3A_278 = arith.constant 352 : index
    %get3A_279 = tpu.vector_load %arg17[%get3A_278] {strides = array<i32>} : memref<512xf32, #tpu.memory_space<vmem>>, vector<16xf32>,
    %get3A_280 = vector.shape_cast %get3A_279 : vector<16xf32> to vector<16xf32>
    %get3A_281 = arith.constant 368 : index
    %get3A_282 = tpu.vector_load %arg17[%get3A_281] {strides = array<i32>} : memref<512xf32, #tpu.memory_space<vmem>>, vector<16xf32>,
    %get3A_283 = vector.shape_cast %get3A_282 : vector<16xf32> to vector<16xf32>
    %get3A_284 = arith.constant 384 : index
    %get3A_285 = tpu.vector_load %arg17[%get3A_284] {strides = array<i32>} : memref<512xf32, #tpu.memory_space<vmem>>, vector<16xf32>,
    %get3A_286 = vector.shape_cast %get3A_285 : vector<16xf32> to vector<16xf32>
    %get3A_287 = arith.constant 400 : index
    %get3A_288 = tpu.vector_load %arg17[%get3A_287] {strides = array<i32>} : memref<512xf32, #tpu.memory_space<vmem>>, vector<16xf32>,
    %get3A_289 = vector.shape_cast %get3A_288 : vector<16xf32> to vector<16xf32>
    %get3A_290 = arith.constant 416 : index
    %get3A_291 = tpu.vector_load %arg17[%get3A_290] {strides = array<i32>} : memref<512xf32, #tpu.memory_space<vmem>>, vector<16xf32>,
    %get3A_292 = vector.shape_cast %get3A_291 : vector<16xf32> to vector<16xf32>
    %get3A_293 = arith.constant 432 : index
    %get3A_294 = tpu.vector_load %arg17[%get3A_293] {strides = array<i32>} : memref<512xf32, #tpu.memory_space<vmem>>, vector<16xf32>,
    %get3A_295 = vector.shape_cast %get3A_294 : vector<16xf32> to vector<16xf32>
    %get3A_296 = arith.constant 448 : index
    %get3A_297 = tpu.vector_load %arg17[%get3A_296] {strides = array<i32>} : memref<512xf32, #tpu.memory_space<vmem>>, vector<16xf32>,
    %get3A_298 = vector.shape_cast %get3A_297 : vector<16xf32> to vector<16xf32>
    %get3A_299 = arith.constant 464 : index
    %get3A_300 = tpu.vector_load %arg17[%get3A_299] {strides = array<i32>} : memref<512xf32, #tpu.memory_space<vmem>>, vector<16xf32>,
    %get3A_301 = vector.shape_cast %get3A_300 : vector<16xf32> to vector<16xf32>
    %get3A_302 = arith.constant 480 : index
    %get3A_303 = tpu.vector_load %arg17[%get3A_302] {strides = array<i32>} : memref<512xf32, #tpu.memory_space<vmem>>, vector<16xf32>,
    %get3A_304 = vector.shape_cast %get3A_303 : vector<16xf32> to vector<16xf32>
    %get3A_305 = arith.constant 496 : index
    %get3A_306 = tpu.vector_load %arg17[%get3A_305] {strides = array<i32>} : memref<512xf32, #tpu.memory_space<vmem>>, vector<16xf32>,
    %get3A_307 = vector.shape_cast %get3A_306 : vector<16xf32> to vector<16xf32>
    %scan3A_308 = arith.constant 0 : i32
    %scan3A_309 = arith.constant 0 : i32
    %scan3A_310 = arith.constant 8 : i32
    %scan3A_311 = arith.addi %scan3A_309, %scan3A_310 : i32
    %scan3A_312 = arith.constant 1 : i32
    %scan3A_313 = scf.for %scan3A_475 = %scan3A_309 to %scan3A_311 step %scan3A_312 iter_args(%scan3A_476 = %scan3A_308) -> (i32)  : i32 {
      %swap3A = arith.index_cast %scan3A_475 : i32 to index
      %swap3A_477 = arith.constant 0 : index
      %swap3A_478 = tpu.vector_load %arg23[%swap3A, %swap3A_477] {strides = array<i32>} : memref<8x512xf32, #tpu.memory_space<vmem>>, vector<1x16xf32>,
      %swap3A_479 = vector.shape_cast %swap3A_478 : vector<1x16xf32> to vector<16xf32>
      %swap3A_480 = vector.shape_cast %get3A_214 : vector<16xf32> to vector<1x16xf32>
      tpu.vector_store %arg23[%swap3A, %swap3A_477], %swap3A_480 {strides = array<i32>} : memref<8x512xf32, #tpu.memory_space<vmem>>, vector<1x16xf32>,
      %swap3A_481 = arith.index_cast %scan3A_475 : i32 to index
      %swap3A_482 = arith.constant 16 : index
      %swap3A_483 = tpu.vector_load %arg23[%swap3A_481, %swap3A_482] {strides = array<i32>} : memref<8x512xf32, #tpu.memory_space<vmem>>, vector<1x16xf32>,
      %swap3A_484 = vector.shape_cast %swap3A_483 : vector<1x16xf32> to vector<16xf32>
      %swap3A_485 = vector.shape_cast %get3A_217 : vector<16xf32> to vector<1x16xf32>
      tpu.vector_store %arg23[%swap3A_481, %swap3A_482], %swap3A_485 {strides = array<i32>} : memref<8x512xf32, #tpu.memory_space<vmem>>, vector<1x16xf32>,
      %swap3A_486 = arith.index_cast %scan3A_475 : i32 to index
      %swap3A_487 = arith.constant 32 : index
      %swap3A_488 = tpu.vector_load %arg23[%swap3A_486, %swap3A_487] {strides = array<i32>} : memref<8x512xf32, #tpu.memory_space<vmem>>, vector<1x16xf32>,
      %swap3A_489 = vector.shape_cast %swap3A_488 : vector<1x16xf32> to vector<16xf32>
      %swap3A_490 = vector.shape_cast %get3A_220 : vector<16xf32> to vector<1x16xf32>
      tpu.vector_store %arg23[%swap3A_486, %swap3A_487], %swap3A_490 {strides = array<i32>} : memref<8x512xf32, #tpu.memory_space<vmem>>, vector<1x16xf32>,
      %swap3A_491 = arith.index_cast %scan3A_475 : i32 to index
      %swap3A_492 = arith.constant 48 : index
      %swap3A_493 = tpu.vector_load %arg23[%swap3A_491, %swap3A_492] {strides = array<i32>} : memref<8x512xf32, #tpu.memory_space<vmem>>, vector<1x16xf32>,
      %swap3A_494 = vector.shape_cast %swap3A_493 : vector<1x16xf32> to vector<16xf32>
      %swap3A_495 = vector.shape_cast %get3A_223 : vector<16xf32> to vector<1x16xf32>
      tpu.vector_store %arg23[%swap3A_491, %swap3A_492], %swap3A_495 {strides = array<i32>} : memref<8x512xf32, #tpu.memory_space<vmem>>, vector<1x16xf32>,
      %swap3A_496 = arith.index_cast %scan3A_475 : i32 to index
      %swap3A_497 = arith.constant 64 : index
      %swap3A_498 = tpu.vector_load %arg23[%swap3A_496, %swap3A_497] {strides = array<i32>} : memref<8x512xf32, #tpu.memory_space<vmem>>, vector<1x16xf32>,
      %swap3A_499 = vector.shape_cast %swap3A_498 : vector<1x16xf32> to vector<16xf32>
      %swap3A_500 = vector.shape_cast %get3A_226 : vector<16xf32> to vector<1x16xf32>
      tpu.vector_store %arg23[%swap3A_496, %swap3A_497], %swap3A_500 {strides = array<i32>} : memref<8x512xf32, #tpu.memory_space<vmem>>, vector<1x16xf32>,
      %swap3A_501 = arith.index_cast %scan3A_475 : i32 to index
      %swap3A_502 = arith.constant 80 : index
      %swap3A_503 = tpu.vector_load %arg23[%swap3A_501, %swap3A_502] {strides = array<i32>} : memref<8x512xf32, #tpu.memory_space<vmem>>, vector<1x16xf32>,
      %swap3A_504 = vector.shape_cast %swap3A_503 : vector<1x16xf32> to vector<16xf32>
      %swap3A_505 = vector.shape_cast %get3A_229 : vector<16xf32> to vector<1x16xf32>
      tpu.vector_store %arg23[%swap3A_501, %swap3A_502], %swap3A_505 {strides = array<i32>} : memref<8x512xf32, #tpu.memory_space<vmem>>, vector<1x16xf32>,
      %swap3A_506 = arith.index_cast %scan3A_475 : i32 to index
      %swap3A_507 = arith.constant 96 : index
      %swap3A_508 = tpu.vector_load %arg23[%swap3A_506, %swap3A_507] {strides = array<i32>} : memref<8x512xf32, #tpu.memory_space<vmem>>, vector<1x16xf32>,
      %swap3A_509 = vector.shape_cast %swap3A_508 : vector<1x16xf32> to vector<16xf32>
      %swap3A_510 = vector.shape_cast %get3A_232 : vector<16xf32> to vector<1x16xf32>
      tpu.vector_store %arg23[%swap3A_506, %swap3A_507], %swap3A_510 {strides = array<i32>} : memref<8x512xf32, #tpu.memory_space<vmem>>, vector<1x16xf32>,
      %swap3A_511 = arith.index_cast %scan3A_475 : i32 to index
      %swap3A_512 = arith.constant 112 : index
      %swap3A_513 = tpu.vector_load %arg23[%swap3A_511, %swap3A_512] {strides = array<i32>} : memref<8x512xf32, #tpu.memory_space<vmem>>, vector<1x16xf32>,
      %swap3A_514 = vector.shape_cast %swap3A_513 : vector<1x16xf32> to vector<16xf32>
      %swap3A_515 = vector.shape_cast %get3A_235 : vector<16xf32> to vector<1x16xf32>
      tpu.vector_store %arg23[%swap3A_511, %swap3A_512], %swap3A_515 {strides = array<i32>} : memref<8x512xf32, #tpu.memory_space<vmem>>, vector<1x16xf32>,
      %swap3A_516 = arith.index_cast %scan3A_475 : i32 to index
      %swap3A_517 = arith.constant 128 : index
      %swap3A_518 = tpu.vector_load %arg23[%swap3A_516, %swap3A_517] {strides = array<i32>} : memref<8x512xf32, #tpu.memory_space<vmem>>, vector<1x16xf32>,
      %swap3A_519 = vector.shape_cast %swap3A_518 : vector<1x16xf32> to vector<16xf32>
      %swap3A_520 = vector.shape_cast %get3A_238 : vector<16xf32> to vector<1x16xf32>
      tpu.vector_store %arg23[%swap3A_516, %swap3A_517], %swap3A_520 {strides = array<i32>} : memref<8x512xf32, #tpu.memory_space<vmem>>, vector<1x16xf32>,
      %swap3A_521 = arith.index_cast %scan3A_475 : i32 to index
      %swap3A_522 = arith.constant 144 : index
      %swap3A_523 = tpu.vector_load %arg23[%swap3A_521, %swap3A_522] {strides = array<i32>} : memref<8x512xf32, #tpu.memory_space<vmem>>, vector<1x16xf32>,
      %swap3A_524 = vector.shape_cast %swap3A_523 : vector<1x16xf32> to vector<16xf32>
      %swap3A_525 = vector.shape_cast %get3A_241 : vector<16xf32> to vector<1x16xf32>
      tpu.vector_store %arg23[%swap3A_521, %swap3A_522], %swap3A_525 {strides = array<i32>} : memref<8x512xf32, #tpu.memory_space<vmem>>, vector<1x16xf32>,
      %swap3A_526 = arith.index_cast %scan3A_475 : i32 to index
      %swap3A_527 = arith.constant 160 : index
      %swap3A_528 = tpu.vector_load %arg23[%swap3A_526, %swap3A_527] {strides = array<i32>} : memref<8x512xf32, #tpu.memory_space<vmem>>, vector<1x16xf32>,
      %swap3A_529 = vector.shape_cast %swap3A_528 : vector<1x16xf32> to vector<16xf32>
      %swap3A_530 = vector.shape_cast %get3A_244 : vector<16xf32> to vector<1x16xf32>
      tpu.vector_store %arg23[%swap3A_526, %swap3A_527], %swap3A_530 {strides = array<i32>} : memref<8x512xf32, #tpu.memory_space<vmem>>, vector<1x16xf32>,
      %swap3A_531 = arith.index_cast %scan3A_475 : i32 to index
      %swap3A_532 = arith.constant 176 : index
      %swap3A_533 = tpu.vector_load %arg23[%swap3A_531, %swap3A_532] {strides = array<i32>} : memref<8x512xf32, #tpu.memory_space<vmem>>, vector<1x16xf32>,
      %swap3A_534 = vector.shape_cast %swap3A_533 : vector<1x16xf32> to vector<16xf32>
      %swap3A_535 = vector.shape_cast %get3A_247 : vector<16xf32> to vector<1x16xf32>
      tpu.vector_store %arg23[%swap3A_531, %swap3A_532], %swap3A_535 {strides = array<i32>} : memref<8x512xf32, #tpu.memory_space<vmem>>, vector<1x16xf32>,
      %swap3A_536 = arith.index_cast %scan3A_475 : i32 to index
      %swap3A_537 = arith.constant 192 : index
      %swap3A_538 = tpu.vector_load %arg23[%swap3A_536, %swap3A_537] {strides = array<i32>} : memref<8x512xf32, #tpu.memory_space<vmem>>, vector<1x16xf32>,
      %swap3A_539 = vector.shape_cast %swap3A_538 : vector<1x16xf32> to vector<16xf32>
      %swap3A_540 = vector.shape_cast %get3A_250 : vector<16xf32> to vector<1x16xf32>
      tpu.vector_store %arg23[%swap3A_536, %swap3A_537], %swap3A_540 {strides = array<i32>} : memref<8x512xf32, #tpu.memory_space<vmem>>, vector<1x16xf32>,
      %swap3A_541 = arith.index_cast %scan3A_475 : i32 to index
      %swap3A_542 = arith.constant 208 : index
      %swap3A_543 = tpu.vector_load %arg23[%swap3A_541, %swap3A_542] {strides = array<i32>} : memref<8x512xf32, #tpu.memory_space<vmem>>, vector<1x16xf32>,
      %swap3A_544 = vector.shape_cast %swap3A_543 : vector<1x16xf32> to vector<16xf32>
      %swap3A_545 = vector.shape_cast %get3A_253 : vector<16xf32> to vector<1x16xf32>
      tpu.vector_store %arg23[%swap3A_541, %swap3A_542], %swap3A_545 {strides = array<i32>} : memref<8x512xf32, #tpu.memory_space<vmem>>, vector<1x16xf32>,
      %swap3A_546 = arith.index_cast %scan3A_475 : i32 to index
      %swap3A_547 = arith.constant 224 : index
      %swap3A_548 = tpu.vector_load %arg23[%swap3A_546, %swap3A_547] {strides = array<i32>} : memref<8x512xf32, #tpu.memory_space<vmem>>, vector<1x16xf32>,
      %swap3A_549 = vector.shape_cast %swap3A_548 : vector<1x16xf32> to vector<16xf32>
      %swap3A_550 = vector.shape_cast %get3A_256 : vector<16xf32> to vector<1x16xf32>
      tpu.vector_store %arg23[%swap3A_546, %swap3A_547], %swap3A_550 {strides = array<i32>} : memref<8x512xf32, #tpu.memory_space<vmem>>, vector<1x16xf32>,
      %swap3A_551 = arith.index_cast %scan3A_475 : i32 to index
      %swap3A_552 = arith.constant 240 : index
      %swap3A_553 = tpu.vector_load %arg23[%swap3A_551, %swap3A_552] {strides = array<i32>} : memref<8x512xf32, #tpu.memory_space<vmem>>, vector<1x16xf32>,
      %swap3A_554 = vector.shape_cast %swap3A_553 : vector<1x16xf32> to vector<16xf32>
      %swap3A_555 = vector.shape_cast %get3A_259 : vector<16xf32> to vector<1x16xf32>
      tpu.vector_store %arg23[%swap3A_551, %swap3A_552], %swap3A_555 {strides = array<i32>} : memref<8x512xf32, #tpu.memory_space<vmem>>, vector<1x16xf32>,
      %swap3A_556 = arith.index_cast %scan3A_475 : i32 to index
      %swap3A_557 = arith.constant 256 : index
      %swap3A_558 = tpu.vector_load %arg23[%swap3A_556, %swap3A_557] {strides = array<i32>} : memref<8x512xf32, #tpu.memory_space<vmem>>, vector<1x16xf32>,
      %swap3A_559 = vector.shape_cast %swap3A_558 : vector<1x16xf32> to vector<16xf32>
      %swap3A_560 = vector.shape_cast %get3A_262 : vector<16xf32> to vector<1x16xf32>
      tpu.vector_store %arg23[%swap3A_556, %swap3A_557], %swap3A_560 {strides = array<i32>} : memref<8x512xf32, #tpu.memory_space<vmem>>, vector<1x16xf32>,
      %swap3A_561 = arith.index_cast %scan3A_475 : i32 to index
      %swap3A_562 = arith.constant 272 : index
      %swap3A_563 = tpu.vector_load %arg23[%swap3A_561, %swap3A_562] {strides = array<i32>} : memref<8x512xf32, #tpu.memory_space<vmem>>, vector<1x16xf32>,
      %swap3A_564 = vector.shape_cast %swap3A_563 : vector<1x16xf32> to vector<16xf32>
      %swap3A_565 = vector.shape_cast %get3A_265 : vector<16xf32> to vector<1x16xf32>
      tpu.vector_store %arg23[%swap3A_561, %swap3A_562], %swap3A_565 {strides = array<i32>} : memref<8x512xf32, #tpu.memory_space<vmem>>, vector<1x16xf32>,
      %swap3A_566 = arith.index_cast %scan3A_475 : i32 to index
      %swap3A_567 = arith.constant 288 : index
      %swap3A_568 = tpu.vector_load %arg23[%swap3A_566, %swap3A_567] {strides = array<i32>} : memref<8x512xf32, #tpu.memory_space<vmem>>, vector<1x16xf32>,
      %swap3A_569 = vector.shape_cast %swap3A_568 : vector<1x16xf32> to vector<16xf32>
      %swap3A_570 = vector.shape_cast %get3A_268 : vector<16xf32> to vector<1x16xf32>
      tpu.vector_store %arg23[%swap3A_566, %swap3A_567], %swap3A_570 {strides = array<i32>} : memref<8x512xf32, #tpu.memory_space<vmem>>, vector<1x16xf32>,
      %swap3A_571 = arith.index_cast %scan3A_475 : i32 to index
      %swap3A_572 = arith.constant 304 : index
      %swap3A_573 = tpu.vector_load %arg23[%swap3A_571, %swap3A_572] {strides = array<i32>} : memref<8x512xf32, #tpu.memory_space<vmem>>, vector<1x16xf32>,
      %swap3A_574 = vector.shape_cast %swap3A_573 : vector<1x16xf32> to vector<16xf32>
      %swap3A_575 = vector.shape_cast %get3A_271 : vector<16xf32> to vector<1x16xf32>
      tpu.vector_store %arg23[%swap3A_571, %swap3A_572], %swap3A_575 {strides = array<i32>} : memref<8x512xf32, #tpu.memory_space<vmem>>, vector<1x16xf32>,
      %swap3A_576 = arith.index_cast %scan3A_475 : i32 to index
      %swap3A_577 = arith.constant 320 : index
      %swap3A_578 = tpu.vector_load %arg23[%swap3A_576, %swap3A_577] {strides = array<i32>} : memref<8x512xf32, #tpu.memory_space<vmem>>, vector<1x16xf32>,
      %swap3A_579 = vector.shape_cast %swap3A_578 : vector<1x16xf32> to vector<16xf32>
      %swap3A_580 = vector.shape_cast %get3A_274 : vector<16xf32> to vector<1x16xf32>
      tpu.vector_store %arg23[%swap3A_576, %swap3A_577], %swap3A_580 {strides = array<i32>} : memref<8x512xf32, #tpu.memory_space<vmem>>, vector<1x16xf32>,
      %swap3A_581 = arith.index_cast %scan3A_475 : i32 to index
      %swap3A_582 = arith.constant 336 : index
      %swap3A_583 = tpu.vector_load %arg23[%swap3A_581, %swap3A_582] {strides = array<i32>} : memref<8x512xf32, #tpu.memory_space<vmem>>, vector<1x16xf32>,
      %swap3A_584 = vector.shape_cast %swap3A_583 : vector<1x16xf32> to vector<16xf32>
      %swap3A_585 = vector.shape_cast %get3A_277 : vector<16xf32> to vector<1x16xf32>
      tpu.vector_store %arg23[%swap3A_581, %swap3A_582], %swap3A_585 {strides = array<i32>} : memref<8x512xf32, #tpu.memory_space<vmem>>, vector<1x16xf32>,
      %swap3A_586 = arith.index_cast %scan3A_475 : i32 to index
      %swap3A_587 = arith.constant 352 : index
      %swap3A_588 = tpu.vector_load %arg23[%swap3A_586, %swap3A_587] {strides = array<i32>} : memref<8x512xf32, #tpu.memory_space<vmem>>, vector<1x16xf32>,
      %swap3A_589 = vector.shape_cast %swap3A_588 : vector<1x16xf32> to vector<16xf32>
      %swap3A_590 = vector.shape_cast %get3A_280 : vector<16xf32> to vector<1x16xf32>
      tpu.vector_store %arg23[%swap3A_586, %swap3A_587], %swap3A_590 {strides = array<i32>} : memref<8x512xf32, #tpu.memory_space<vmem>>, vector<1x16xf32>,
      %swap3A_591 = arith.index_cast %scan3A_475 : i32 to index
      %swap3A_592 = arith.constant 368 : index
      %swap3A_593 = tpu.vector_load %arg23[%swap3A_591, %swap3A_592] {strides = array<i32>} : memref<8x512xf32, #tpu.memory_space<vmem>>, vector<1x16xf32>,
      %swap3A_594 = vector.shape_cast %swap3A_593 : vector<1x16xf32> to vector<16xf32>
      %swap3A_595 = vector.shape_cast %get3A_283 : vector<16xf32> to vector<1x16xf32>
      tpu.vector_store %arg23[%swap3A_591, %swap3A_592], %swap3A_595 {strides = array<i32>} : memref<8x512xf32, #tpu.memory_space<vmem>>, vector<1x16xf32>,
      %swap3A_596 = arith.index_cast %scan3A_475 : i32 to index
      %swap3A_597 = arith.constant 384 : index
      %swap3A_598 = tpu.vector_load %arg23[%swap3A_596, %swap3A_597] {strides = array<i32>} : memref<8x512xf32, #tpu.memory_space<vmem>>, vector<1x16xf32>,
      %swap3A_599 = vector.shape_cast %swap3A_598 : vector<1x16xf32> to vector<16xf32>
      %swap3A_600 = vector.shape_cast %get3A_286 : vector<16xf32> to vector<1x16xf32>
      tpu.vector_store %arg23[%swap3A_596, %swap3A_597], %swap3A_600 {strides = array<i32>} : memref<8x512xf32, #tpu.memory_space<vmem>>, vector<1x16xf32>,
      %swap3A_601 = arith.index_cast %scan3A_475 : i32 to index
      %swap3A_602 = arith.constant 400 : index
      %swap3A_603 = tpu.vector_load %arg23[%swap3A_601, %swap3A_602] {strides = array<i32>} : memref<8x512xf32, #tpu.memory_space<vmem>>, vector<1x16xf32>,
      %swap3A_604 = vector.shape_cast %swap3A_603 : vector<1x16xf32> to vector<16xf32>
      %swap3A_605 = vector.shape_cast %get3A_289 : vector<16xf32> to vector<1x16xf32>
      tpu.vector_store %arg23[%swap3A_601, %swap3A_602], %swap3A_605 {strides = array<i32>} : memref<8x512xf32, #tpu.memory_space<vmem>>, vector<1x16xf32>,
      %swap3A_606 = arith.index_cast %scan3A_475 : i32 to index
      %swap3A_607 = arith.constant 416 : index
      %swap3A_608 = tpu.vector_load %arg23[%swap3A_606, %swap3A_607] {strides = array<i32>} : memref<8x512xf32, #tpu.memory_space<vmem>>, vector<1x16xf32>,
      %swap3A_609 = vector.shape_cast %swap3A_608 : vector<1x16xf32> to vector<16xf32>
      %swap3A_610 = vector.shape_cast %get3A_292 : vector<16xf32> to vector<1x16xf32>
      tpu.vector_store %arg23[%swap3A_606, %swap3A_607], %swap3A_610 {strides = array<i32>} : memref<8x512xf32, #tpu.memory_space<vmem>>, vector<1x16xf32>,
      %swap3A_611 = arith.index_cast %scan3A_475 : i32 to index
      %swap3A_612 = arith.constant 432 : index
      %swap3A_613 = tpu.vector_load %arg23[%swap3A_611, %swap3A_612] {strides = array<i32>} : memref<8x512xf32, #tpu.memory_space<vmem>>, vector<1x16xf32>,
      %swap3A_614 = vector.shape_cast %swap3A_613 : vector<1x16xf32> to vector<16xf32>
      %swap3A_615 = vector.shape_cast %get3A_295 : vector<16xf32> to vector<1x16xf32>
      tpu.vector_store %arg23[%swap3A_611, %swap3A_612], %swap3A_615 {strides = array<i32>} : memref<8x512xf32, #tpu.memory_space<vmem>>, vector<1x16xf32>,
      %swap3A_616 = arith.index_cast %scan3A_475 : i32 to index
      %swap3A_617 = arith.constant 448 : index
      %swap3A_618 = tpu.vector_load %arg23[%swap3A_616, %swap3A_617] {strides = array<i32>} : memref<8x512xf32, #tpu.memory_space<vmem>>, vector<1x16xf32>,
      %swap3A_619 = vector.shape_cast %swap3A_618 : vector<1x16xf32> to vector<16xf32>
      %swap3A_620 = vector.shape_cast %get3A_298 : vector<16xf32> to vector<1x16xf32>
      tpu.vector_store %arg23[%swap3A_616, %swap3A_617], %swap3A_620 {strides = array<i32>} : memref<8x512xf32, #tpu.memory_space<vmem>>, vector<1x16xf32>,
      %swap3A_621 = arith.index_cast %scan3A_475 : i32 to index
      %swap3A_622 = arith.constant 464 : index
      %swap3A_623 = tpu.vector_load %arg23[%swap3A_621, %swap3A_622] {strides = array<i32>} : memref<8x512xf32, #tpu.memory_space<vmem>>, vector<1x16xf32>,
      %swap3A_624 = vector.shape_cast %swap3A_623 : vector<1x16xf32> to vector<16xf32>
      %swap3A_625 = vector.shape_cast %get3A_301 : vector<16xf32> to vector<1x16xf32>
      tpu.vector_store %arg23[%swap3A_621, %swap3A_622], %swap3A_625 {strides = array<i32>} : memref<8x512xf32, #tpu.memory_space<vmem>>, vector<1x16xf32>,
      %swap3A_626 = arith.index_cast %scan3A_475 : i32 to index
      %swap3A_627 = arith.constant 480 : index
      %swap3A_628 = tpu.vector_load %arg23[%swap3A_626, %swap3A_627] {strides = array<i32>} : memref<8x512xf32, #tpu.memory_space<vmem>>, vector<1x16xf32>,
      %swap3A_629 = vector.shape_cast %swap3A_628 : vector<1x16xf32> to vector<16xf32>
      %swap3A_630 = vector.shape_cast %get3A_304 : vector<16xf32> to vector<1x16xf32>
      tpu.vector_store %arg23[%swap3A_626, %swap3A_627], %swap3A_630 {strides = array<i32>} : memref<8x512xf32, #tpu.memory_space<vmem>>, vector<1x16xf32>,
      %swap3A_631 = arith.index_cast %scan3A_475 : i32 to index
      %swap3A_632 = arith.constant 496 : index
      %swap3A_633 = tpu.vector_load %arg23[%swap3A_631, %swap3A_632] {strides = array<i32>} : memref<8x512xf32, #tpu.memory_space<vmem>>, vector<1x16xf32>,
      %swap3A_634 = vector.shape_cast %swap3A_633 : vector<1x16xf32> to vector<16xf32>
      %swap3A_635 = vector.shape_cast %get3A_307 : vector<16xf32> to vector<1x16xf32>
      tpu.vector_store %arg23[%swap3A_631, %swap3A_632], %swap3A_635 {strides = array<i32>} : memref<8x512xf32, #tpu.memory_space<vmem>>, vector<1x16xf32>,
      %scan3A_636 = arith.constant 0 : i32
      scf.yield %scan3A_636 : i32
    }
    %scan3A_314 = arith.constant 8 : i32
    %add3A_315 = arith.constant 64 : i32
    %add3A_316 = arith.addi %mul3A_2, %add3A_315 : i32
    %add3A_317 = arith.constant 0 : i32
    %add3A_318 = arith.addi %add3A_316, %add3A_317 : i32
    %dma_start3A_319 = arith.constant 0 : i32
    %dma_start3A_320 = tpu.memref_slice %arg10[%add3A_318, %dma_start3A_319] : memref<4096x1024xf32, #tpu.memory_space<hbm>> -> memref<8x512xf32, #tpu.memory_space<hbm>>
    %dma_start3A_321 = arith.constant 0 : i32
    %dma_start3A_322 = tpu.memref_slice %arg10[%add3A_318, %dma_start3A_321] : memref<4096x1024xf32, #tpu.memory_space<hbm>> -> memref<8x512xf32, #tpu.memory_space<hbm>>
    tpu.enqueue_dma source(%arg23 : memref<8x512xf32, #tpu.memory_space<vmem>>) target(%dma_start3A_322 : memref<8x512xf32, #tpu.memory_space<hbm>>) target_semaphore(%arg26 : memref<!tpu.dma_semaphore, #tpu.memory_space<semaphore_mem>>)
    %add3A_323 = arith.constant 64 : i32
    %add3A_324 = arith.addi %mul3A_2, %add3A_323 : i32
    %add3A_325 = arith.constant 8 : i32
    %add3A_326 = arith.addi %add3A_324, %add3A_325 : i32
    %dma_start3A_327 = arith.constant 0 : i32
    %dma_start3A_328 = tpu.memref_slice %arg10[%add3A_326, %dma_start3A_327] : memref<4096x1024xf32, #tpu.memory_space<hbm>> -> memref<8x512xf32, #tpu.memory_space<hbm>>
    %dma_start3A_329 = arith.constant 0 : i32
    %dma_start3A_330 = tpu.memref_slice %arg10[%add3A_326, %dma_start3A_329] : memref<4096x1024xf32, #tpu.memory_space<hbm>> -> memref<8x512xf32, #tpu.memory_space<hbm>>
    tpu.enqueue_dma source(%arg23 : memref<8x512xf32, #tpu.memory_space<vmem>>) target(%dma_start3A_330 : memref<8x512xf32, #tpu.memory_space<hbm>>) target_semaphore(%arg26 : memref<!tpu.dma_semaphore, #tpu.memory_space<semaphore_mem>>)
    %add3A_331 = arith.constant 64 : i32
    %add3A_332 = arith.addi %mul3A_2, %add3A_331 : i32
    %add3A_333 = arith.constant 16 : i32
    %add3A_334 = arith.addi %add3A_332, %add3A_333 : i32
    %dma_start3A_335 = arith.constant 0 : i32
    %dma_start3A_336 = tpu.memref_slice %arg10[%add3A_334, %dma_start3A_335] : memref<4096x1024xf32, #tpu.memory_space<hbm>> -> memref<8x512xf32, #tpu.memory_space<hbm>>
    %dma_start3A_337 = arith.constant 0 : i32
    %dma_start3A_338 = tpu.memref_slice %arg10[%add3A_334, %dma_start3A_337] : memref<4096x1024xf32, #tpu.memory_space<hbm>> -> memref<8x512xf32, #tpu.memory_space<hbm>>
    tpu.enqueue_dma source(%arg23 : memref<8x512xf32, #tpu.memory_space<vmem>>) target(%dma_start3A_338 : memref<8x512xf32, #tpu.memory_space<hbm>>) target_semaphore(%arg26 : memref<!tpu.dma_semaphore, #tpu.memory_space<semaphore_mem>>)
    %add3A_339 = arith.constant 64 : i32
    %add3A_340 = arith.addi %mul3A_2, %add3A_339 : i32
    %add3A_341 = arith.constant 24 : i32
    %add3A_342 = arith.addi %add3A_340, %add3A_341 : i32
    %dma_start3A_343 = arith.constant 0 : i32
    %dma_start3A_344 = tpu.memref_slice %arg10[%add3A_342, %dma_start3A_343] : memref<4096x1024xf32, #tpu.memory_space<hbm>> -> memref<8x512xf32, #tpu.memory_space<hbm>>
    %dma_start3A_345 = arith.constant 0 : i32
    %dma_start3A_346 = tpu.memref_slice %arg10[%add3A_342, %dma_start3A_345] : memref<4096x1024xf32, #tpu.memory_space<hbm>> -> memref<8x512xf32, #tpu.memory_space<hbm>>
    tpu.enqueue_dma source(%arg23 : memref<8x512xf32, #tpu.memory_space<vmem>>) target(%dma_start3A_346 : memref<8x512xf32, #tpu.memory_space<hbm>>) target_semaphore(%arg26 : memref<!tpu.dma_semaphore, #tpu.memory_space<semaphore_mem>>)
    %add3A_347 = arith.constant 64 : i32
    %add3A_348 = arith.addi %mul3A_2, %add3A_347 : i32
    %add3A_349 = arith.constant 32 : i32
    %add3A_350 = arith.addi %add3A_348, %add3A_349 : i32
    %dma_start3A_351 = arith.constant 0 : i32
    %dma_start3A_352 = tpu.memref_slice %arg10[%add3A_350, %dma_start3A_351] : memref<4096x1024xf32, #tpu.memory_space<hbm>> -> memref<8x512xf32, #tpu.memory_space<hbm>>
    %dma_start3A_353 = arith.constant 0 : i32
    %dma_start3A_354 = tpu.memref_slice %arg10[%add3A_350, %dma_start3A_353] : memref<4096x1024xf32, #tpu.memory_space<hbm>> -> memref<8x512xf32, #tpu.memory_space<hbm>>
    tpu.enqueue_dma source(%arg23 : memref<8x512xf32, #tpu.memory_space<vmem>>) target(%dma_start3A_354 : memref<8x512xf32, #tpu.memory_space<hbm>>) target_semaphore(%arg26 : memref<!tpu.dma_semaphore, #tpu.memory_space<semaphore_mem>>)
    %add3A_355 = arith.constant 64 : i32
    %add3A_356 = arith.addi %mul3A_2, %add3A_355 : i32
    %add3A_357 = arith.constant 40 : i32
    %add3A_358 = arith.addi %add3A_356, %add3A_357 : i32
    %dma_start3A_359 = arith.constant 0 : i32
    %dma_start3A_360 = tpu.memref_slice %arg10[%add3A_358, %dma_start3A_359] : memref<4096x1024xf32, #tpu.memory_space<hbm>> -> memref<8x512xf32, #tpu.memory_space<hbm>>
    %dma_start3A_361 = arith.constant 0 : i32
    %dma_start3A_362 = tpu.memref_slice %arg10[%add3A_358, %dma_start3A_361] : memref<4096x1024xf32, #tpu.memory_space<hbm>> -> memref<8x512xf32, #tpu.memory_space<hbm>>
    tpu.enqueue_dma source(%arg23 : memref<8x512xf32, #tpu.memory_space<vmem>>) target(%dma_start3A_362 : memref<8x512xf32, #tpu.memory_space<hbm>>) target_semaphore(%arg26 : memref<!tpu.dma_semaphore, #tpu.memory_space<semaphore_mem>>)
    %add3A_363 = arith.constant 64 : i32
    %add3A_364 = arith.addi %mul3A_2, %add3A_363 : i32
    %add3A_365 = arith.constant 48 : i32
    %add3A_366 = arith.addi %add3A_364, %add3A_365 : i32
    %dma_start3A_367 = arith.constant 0 : i32
    %dma_start3A_368 = tpu.memref_slice %arg10[%add3A_366, %dma_start3A_367] : memref<4096x1024xf32, #tpu.memory_space<hbm>> -> memref<8x512xf32, #tpu.memory_space<hbm>>
    %dma_start3A_369 = arith.constant 0 : i32
    %dma_start3A_370 = tpu.memref_slice %arg10[%add3A_366, %dma_start3A_369] : memref<4096x1024xf32, #tpu.memory_space<hbm>> -> memref<8x512xf32, #tpu.memory_space<hbm>>
    tpu.enqueue_dma source(%arg23 : memref<8x512xf32, #tpu.memory_space<vmem>>) target(%dma_start3A_370 : memref<8x512xf32, #tpu.memory_space<hbm>>) target_semaphore(%arg26 : memref<!tpu.dma_semaphore, #tpu.memory_space<semaphore_mem>>)
    %add3A_371 = arith.constant 64 : i32
    %add3A_372 = arith.addi %mul3A_2, %add3A_371 : i32
    %add3A_373 = arith.constant 56 : i32
    %add3A_374 = arith.addi %add3A_372, %add3A_373 : i32
    %dma_start3A_375 = arith.constant 0 : i32
    %dma_start3A_376 = tpu.memref_slice %arg10[%add3A_374, %dma_start3A_375] : memref<4096x1024xf32, #tpu.memory_space<hbm>> -> memref<8x512xf32, #tpu.memory_space<hbm>>
    %dma_start3A_377 = arith.constant 0 : i32
    %dma_start3A_378 = tpu.memref_slice %arg10[%add3A_374, %dma_start3A_377] : memref<4096x1024xf32, #tpu.memory_space<hbm>> -> memref<8x512xf32, #tpu.memory_space<hbm>>
    tpu.enqueue_dma source(%arg23 : memref<8x512xf32, #tpu.memory_space<vmem>>) target(%dma_start3A_378 : memref<8x512xf32, #tpu.memory_space<hbm>>) target_semaphore(%arg26 : memref<!tpu.dma_semaphore, #tpu.memory_space<semaphore_mem>>)
    %scan3A_379 = arith.constant 0 : i32
    %scan3A_380 = arith.constant 0 : i32
    %scan3A_381 = arith.constant 32 : i32
    %scan3A_382 = arith.addi %scan3A_380, %scan3A_381 : i32
    %scan3A_383 = arith.constant 1 : i32
    %scan3A_384 = scf.for %scan3A_475 = %scan3A_380 to %scan3A_382 step %scan3A_383 iter_args(%scan3A_476 = %scan3A_379) -> (i32)  : i32 {
      %mul3A_477 = arith.constant 16 : i32
      %mul3A_478 = arith.muli %scan3A_475, %mul3A_477 : i32
      %multiple_of3A = tpu.assume_multiple %mul3A_478, 16 : i32
      %get3A_479 = arith.index_cast %multiple_of3A : i32 to index
      %get3A_480 = tpu.vector_load %arg13[%get3A_479] {strides = array<i32>} : memref<512xf32, #tpu.memory_space<vmem>>, vector<16xf32>,
      %get3A_481 = vector.shape_cast %get3A_480 : vector<16xf32> to vector<16xf32>
      %mul3A_482 = arith.mulf %get3A_481, %div3A_52 : vector<16xf32>
      %get3A_483 = arith.index_cast %multiple_of3A : i32 to index
      %get3A_484 = tpu.vector_load %arg14[%get3A_483] {strides = array<i32>} : memref<512xf32, #tpu.memory_space<vmem>>, vector<16xf32>,
      %get3A_485 = vector.shape_cast %get3A_484 : vector<16xf32> to vector<16xf32>
      %mul3A_486 = arith.constant 0.159154937 : f32
      %mul3A_487 = vector.broadcast %mul3A_486 : f32 to vector<16xf32>
      %mul3A_488 = arith.mulf %mul3A_482, %mul3A_487 : vector<16xf32>
      %ge3A = arith.constant 0.000000e+00 : f32
      %ge3A_489 = vector.broadcast %ge3A : f32 to vector<16xf32>
      %ge3A_490 = arith.cmpf oge, %mul3A_488, %ge3A_489 : vector<16xf32>
      %add3A_491 = arith.constant 5.000000e-01 : f32
      %add3A_492 = vector.broadcast %add3A_491 : f32 to vector<16xf32>
      %add3A_493 = arith.addf %mul3A_488, %add3A_492 : vector<16xf32>
      %sub3A = arith.constant 5.000000e-01 : f32
      %sub3A_494 = vector.broadcast %sub3A : f32 to vector<16xf32>
      %sub3A_495 = arith.subf %mul3A_488, %sub3A_494 : vector<16xf32>
      %select_n3A = arith.select %ge3A_490, %add3A_493, %sub3A_495 : vector<16xi1>, vector<16xf32>
      %convert_element_type3A_496 = arith.fptosi %select_n3A : vector<16xf32> to vector<16xi32>
      %convert_element_type3A_497 = arith.sitofp %convert_element_type3A_496 : vector<16xi32> to vector<16xf32>
      %mul3A_498 = arith.constant 6.28318548 : f32
      %mul3A_499 = vector.broadcast %mul3A_498 : f32 to vector<16xf32>
      %mul3A_500 = arith.mulf %convert_element_type3A_497, %mul3A_499 : vector<16xf32>
      %sub3A_501 = arith.subf %mul3A_482, %mul3A_500 : vector<16xf32>
      %gt3A = arith.constant 1.57079637 : f32
      %gt3A_502 = vector.broadcast %gt3A : f32 to vector<16xf32>
      %gt3A_503 = arith.cmpf ogt, %sub3A_501, %gt3A_502 : vector<16xf32>
      %sub3A_504 = arith.constant 3.14159274 : f32
      %sub3A_505 = vector.broadcast %sub3A_504 : f32 to vector<16xf32>
      %sub3A_506 = arith.subf %sub3A_505, %sub3A_501 : vector<16xf32>
      %select_n3A_507 = arith.select %gt3A_503, %sub3A_506, %sub3A_501 : vector<16xi1>, vector<16xf32>
      %lt3A = arith.constant -1.57079637 : f32
      %lt3A_508 = vector.broadcast %lt3A : f32 to vector<16xf32>
      %lt3A_509 = arith.cmpf olt, %select_n3A_507, %lt3A_508 : vector<16xf32>
      %sub3A_510 = arith.constant -3.14159274 : f32
      %sub3A_511 = vector.broadcast %sub3A_510 : f32 to vector<16xf32>
      %sub3A_512 = arith.subf %sub3A_511, %select_n3A_507 : vector<16xf32>
      %select_n3A_513 = arith.select %lt3A_509, %sub3A_512, %select_n3A_507 : vector<16xi1>, vector<16xf32>
      %mul3A_514 = arith.mulf %select_n3A_513, %select_n3A_513 : vector<16xf32>
      %mul3A_515 = arith.constant -2.50521079E-8 : f32
      %mul3A_516 = vector.broadcast %mul3A_515 : f32 to vector<16xf32>
      %mul3A_517 = arith.mulf %mul3A_516, %mul3A_514 : vector<16xf32>
      %add3A_518 = arith.constant 2.75573188E-6 : f32
      %add3A_519 = vector.broadcast %add3A_518 : f32 to vector<16xf32>
      %add3A_520 = arith.addf %mul3A_517, %add3A_519 : vector<16xf32>
      %mul3A_521 = arith.mulf %add3A_520, %mul3A_514 : vector<16xf32>
      %sub3A_522 = arith.constant 1.98412701E-4 : f32
      %sub3A_523 = vector.broadcast %sub3A_522 : f32 to vector<16xf32>
      %sub3A_524 = arith.subf %mul3A_521, %sub3A_523 : vector<16xf32>
      %mul3A_525 = arith.mulf %sub3A_524, %mul3A_514 : vector<16xf32>
      %add3A_526 = arith.constant 0.00833333377 : f32
      %add3A_527 = vector.broadcast %add3A_526 : f32 to vector<16xf32>
      %add3A_528 = arith.addf %mul3A_525, %add3A_527 : vector<16xf32>
      %mul3A_529 = arith.mulf %add3A_528, %mul3A_514 : vector<16xf32>
      %sub3A_530 = arith.constant 0.166666672 : f32
      %sub3A_531 = vector.broadcast %sub3A_530 : f32 to vector<16xf32>
      %sub3A_532 = arith.subf %mul3A_529, %sub3A_531 : vector<16xf32>
      %mul3A_533 = arith.mulf %sub3A_532, %mul3A_514 : vector<16xf32>
      %add3A_534 = arith.constant 1.000000e+00 : f32
      %add3A_535 = vector.broadcast %add3A_534 : f32 to vector<16xf32>
      %add3A_536 = arith.addf %mul3A_533, %add3A_535 : vector<16xf32>
      %mul3A_537 = arith.mulf %select_n3A_513, %add3A_536 : vector<16xf32>
      %swap3A = arith.index_cast %multiple_of3A : i32 to index
      %swap3A_538 = tpu.vector_load %arg18[%swap3A] {strides = array<i32>} : memref<512xf32, #tpu.memory_space<vmem>>, vector<16xf32>,
      %swap3A_539 = vector.shape_cast %swap3A_538 : vector<16xf32> to vector<16xf32>
      %swap3A_540 = vector.shape_cast %mul3A_537 : vector<16xf32> to vector<16xf32>
      tpu.vector_store %arg18[%swap3A], %swap3A_540 {strides = array<i32>} : memref<512xf32, #tpu.memory_space<vmem>>, vector<16xf32>,
      %add3A_541 = arith.constant 1.57079637 : f32
      %add3A_542 = vector.broadcast %add3A_541 : f32 to vector<16xf32>
      %add3A_543 = arith.addf %mul3A_482, %add3A_542 : vector<16xf32>
      %mul3A_544 = arith.constant 0.159154937 : f32
      %mul3A_545 = vector.broadcast %mul3A_544 : f32 to vector<16xf32>
      %mul3A_546 = arith.mulf %add3A_543, %mul3A_545 : vector<16xf32>
      %ge3A_547 = arith.constant 0.000000e+00 : f32
      %ge3A_548 = vector.broadcast %ge3A_547 : f32 to vector<16xf32>
      %ge3A_549 = arith.cmpf oge, %mul3A_546, %ge3A_548 : vector<16xf32>
      %add3A_550 = arith.constant 5.000000e-01 : f32
      %add3A_551 = vector.broadcast %add3A_550 : f32 to vector<16xf32>
      %add3A_552 = arith.addf %mul3A_546, %add3A_551 : vector<16xf32>
      %sub3A_553 = arith.constant 5.000000e-01 : f32
      %sub3A_554 = vector.broadcast %sub3A_553 : f32 to vector<16xf32>
      %sub3A_555 = arith.subf %mul3A_546, %sub3A_554 : vector<16xf32>
      %select_n3A_556 = arith.select %ge3A_549, %add3A_552, %sub3A_555 : vector<16xi1>, vector<16xf32>
      %convert_element_type3A_557 = arith.fptosi %select_n3A_556 : vector<16xf32> to vector<16xi32>
      %convert_element_type3A_558 = arith.sitofp %convert_element_type3A_557 : vector<16xi32> to vector<16xf32>
      %mul3A_559 = arith.constant 6.28318548 : f32
      %mul3A_560 = vector.broadcast %mul3A_559 : f32 to vector<16xf32>
      %mul3A_561 = arith.mulf %convert_element_type3A_558, %mul3A_560 : vector<16xf32>
      %sub3A_562 = arith.subf %add3A_543, %mul3A_561 : vector<16xf32>
      %gt3A_563 = arith.constant 1.57079637 : f32
      %gt3A_564 = vector.broadcast %gt3A_563 : f32 to vector<16xf32>
      %gt3A_565 = arith.cmpf ogt, %sub3A_562, %gt3A_564 : vector<16xf32>
      %sub3A_566 = arith.constant 3.14159274 : f32
      %sub3A_567 = vector.broadcast %sub3A_566 : f32 to vector<16xf32>
      %sub3A_568 = arith.subf %sub3A_567, %sub3A_562 : vector<16xf32>
      %select_n3A_569 = arith.select %gt3A_565, %sub3A_568, %sub3A_562 : vector<16xi1>, vector<16xf32>
      %lt3A_570 = arith.constant -1.57079637 : f32
      %lt3A_571 = vector.broadcast %lt3A_570 : f32 to vector<16xf32>
      %lt3A_572 = arith.cmpf olt, %select_n3A_569, %lt3A_571 : vector<16xf32>
      %sub3A_573 = arith.constant -3.14159274 : f32
      %sub3A_574 = vector.broadcast %sub3A_573 : f32 to vector<16xf32>
      %sub3A_575 = arith.subf %sub3A_574, %select_n3A_569 : vector<16xf32>
      %select_n3A_576 = arith.select %lt3A_572, %sub3A_575, %select_n3A_569 : vector<16xi1>, vector<16xf32>
      %mul3A_577 = arith.mulf %select_n3A_576, %select_n3A_576 : vector<16xf32>
      %mul3A_578 = arith.constant -2.50521079E-8 : f32
      %mul3A_579 = vector.broadcast %mul3A_578 : f32 to vector<16xf32>
      %mul3A_580 = arith.mulf %mul3A_579, %mul3A_577 : vector<16xf32>
      %add3A_581 = arith.constant 2.75573188E-6 : f32
      %add3A_582 = vector.broadcast %add3A_581 : f32 to vector<16xf32>
      %add3A_583 = arith.addf %mul3A_580, %add3A_582 : vector<16xf32>
      %mul3A_584 = arith.mulf %add3A_583, %mul3A_577 : vector<16xf32>
      %sub3A_585 = arith.constant 1.98412701E-4 : f32
      %sub3A_586 = vector.broadcast %sub3A_585 : f32 to vector<16xf32>
      %sub3A_587 = arith.subf %mul3A_584, %sub3A_586 : vector<16xf32>
      %mul3A_588 = arith.mulf %sub3A_587, %mul3A_577 : vector<16xf32>
      %add3A_589 = arith.constant 0.00833333377 : f32
      %add3A_590 = vector.broadcast %add3A_589 : f32 to vector<16xf32>
      %add3A_591 = arith.addf %mul3A_588, %add3A_590 : vector<16xf32>
      %mul3A_592 = arith.mulf %add3A_591, %mul3A_577 : vector<16xf32>
      %sub3A_593 = arith.constant 0.166666672 : f32
      %sub3A_594 = vector.broadcast %sub3A_593 : f32 to vector<16xf32>
      %sub3A_595 = arith.subf %mul3A_592, %sub3A_594 : vector<16xf32>
      %mul3A_596 = arith.mulf %sub3A_595, %mul3A_577 : vector<16xf32>
      %add3A_597 = arith.constant 1.000000e+00 : f32
      %add3A_598 = vector.broadcast %add3A_597 : f32 to vector<16xf32>
      %add3A_599 = arith.addf %mul3A_596, %add3A_598 : vector<16xf32>
      %mul3A_600 = arith.mulf %select_n3A_576, %add3A_599 : vector<16xf32>
      %swap3A_601 = arith.index_cast %multiple_of3A : i32 to index
      %swap3A_602 = tpu.vector_load %arg19[%swap3A_601] {strides = array<i32>} : memref<512xf32, #tpu.memory_space<vmem>>, vector<16xf32>,
      %swap3A_603 = vector.shape_cast %swap3A_602 : vector<16xf32> to vector<16xf32>
      %swap3A_604 = vector.shape_cast %mul3A_600 : vector<16xf32> to vector<16xf32>
      tpu.vector_store %arg19[%swap3A_601], %swap3A_604 {strides = array<i32>} : memref<512xf32, #tpu.memory_space<vmem>>, vector<16xf32>,
      %mul3A_605 = arith.constant 0.159154937 : f32
      %mul3A_606 = vector.broadcast %mul3A_605 : f32 to vector<16xf32>
      %mul3A_607 = arith.mulf %get3A_485, %mul3A_606 : vector<16xf32>
      %ge3A_608 = arith.constant 0.000000e+00 : f32
      %ge3A_609 = vector.broadcast %ge3A_608 : f32 to vector<16xf32>
      %ge3A_610 = arith.cmpf oge, %mul3A_607, %ge3A_609 : vector<16xf32>
      %add3A_611 = arith.constant 5.000000e-01 : f32
      %add3A_612 = vector.broadcast %add3A_611 : f32 to vector<16xf32>
      %add3A_613 = arith.addf %mul3A_607, %add3A_612 : vector<16xf32>
      %sub3A_614 = arith.constant 5.000000e-01 : f32
      %sub3A_615 = vector.broadcast %sub3A_614 : f32 to vector<16xf32>
      %sub3A_616 = arith.subf %mul3A_607, %sub3A_615 : vector<16xf32>
      %select_n3A_617 = arith.select %ge3A_610, %add3A_613, %sub3A_616 : vector<16xi1>, vector<16xf32>
      %convert_element_type3A_618 = arith.fptosi %select_n3A_617 : vector<16xf32> to vector<16xi32>
      %convert_element_type3A_619 = arith.sitofp %convert_element_type3A_618 : vector<16xi32> to vector<16xf32>
      %mul3A_620 = arith.constant 6.28318548 : f32
      %mul3A_621 = vector.broadcast %mul3A_620 : f32 to vector<16xf32>
      %mul3A_622 = arith.mulf %convert_element_type3A_619, %mul3A_621 : vector<16xf32>
      %sub3A_623 = arith.subf %get3A_485, %mul3A_622 : vector<16xf32>
      %gt3A_624 = arith.constant 1.57079637 : f32
      %gt3A_625 = vector.broadcast %gt3A_624 : f32 to vector<16xf32>
      %gt3A_626 = arith.cmpf ogt, %sub3A_623, %gt3A_625 : vector<16xf32>
      %sub3A_627 = arith.constant 3.14159274 : f32
      %sub3A_628 = vector.broadcast %sub3A_627 : f32 to vector<16xf32>
      %sub3A_629 = arith.subf %sub3A_628, %sub3A_623 : vector<16xf32>
      %select_n3A_630 = arith.select %gt3A_626, %sub3A_629, %sub3A_623 : vector<16xi1>, vector<16xf32>
      %lt3A_631 = arith.constant -1.57079637 : f32
      %lt3A_632 = vector.broadcast %lt3A_631 : f32 to vector<16xf32>
      %lt3A_633 = arith.cmpf olt, %select_n3A_630, %lt3A_632 : vector<16xf32>
      %sub3A_634 = arith.constant -3.14159274 : f32
      %sub3A_635 = vector.broadcast %sub3A_634 : f32 to vector<16xf32>
      %sub3A_636 = arith.subf %sub3A_635, %select_n3A_630 : vector<16xf32>
      %select_n3A_637 = arith.select %lt3A_633, %sub3A_636, %select_n3A_630 : vector<16xi1>, vector<16xf32>
      %mul3A_638 = arith.mulf %select_n3A_637, %select_n3A_637 : vector<16xf32>
      %mul3A_639 = arith.constant -2.50521079E-8 : f32
      %mul3A_640 = vector.broadcast %mul3A_639 : f32 to vector<16xf32>
      %mul3A_641 = arith.mulf %mul3A_640, %mul3A_638 : vector<16xf32>
      %add3A_642 = arith.constant 2.75573188E-6 : f32
      %add3A_643 = vector.broadcast %add3A_642 : f32 to vector<16xf32>
      %add3A_644 = arith.addf %mul3A_641, %add3A_643 : vector<16xf32>
      %mul3A_645 = arith.mulf %add3A_644, %mul3A_638 : vector<16xf32>
      %sub3A_646 = arith.constant 1.98412701E-4 : f32
      %sub3A_647 = vector.broadcast %sub3A_646 : f32 to vector<16xf32>
      %sub3A_648 = arith.subf %mul3A_645, %sub3A_647 : vector<16xf32>
      %mul3A_649 = arith.mulf %sub3A_648, %mul3A_638 : vector<16xf32>
      %add3A_650 = arith.constant 0.00833333377 : f32
      %add3A_651 = vector.broadcast %add3A_650 : f32 to vector<16xf32>
      %add3A_652 = arith.addf %mul3A_649, %add3A_651 : vector<16xf32>
      %mul3A_653 = arith.mulf %add3A_652, %mul3A_638 : vector<16xf32>
      %sub3A_654 = arith.constant 0.166666672 : f32
      %sub3A_655 = vector.broadcast %sub3A_654 : f32 to vector<16xf32>
      %sub3A_656 = arith.subf %mul3A_653, %sub3A_655 : vector<16xf32>
      %mul3A_657 = arith.mulf %sub3A_656, %mul3A_638 : vector<16xf32>
      %add3A_658 = arith.constant 1.000000e+00 : f32
      %add3A_659 = vector.broadcast %add3A_658 : f32 to vector<16xf32>
      %add3A_660 = arith.addf %mul3A_657, %add3A_659 : vector<16xf32>
      %mul3A_661 = arith.mulf %select_n3A_637, %add3A_660 : vector<16xf32>
      %swap3A_662 = arith.index_cast %multiple_of3A : i32 to index
      %swap3A_663 = tpu.vector_load %arg20[%swap3A_662] {strides = array<i32>} : memref<512xf32, #tpu.memory_space<vmem>>, vector<16xf32>,
      %swap3A_664 = vector.shape_cast %swap3A_663 : vector<16xf32> to vector<16xf32>
      %swap3A_665 = vector.shape_cast %mul3A_661 : vector<16xf32> to vector<16xf32>
      tpu.vector_store %arg20[%swap3A_662], %swap3A_665 {strides = array<i32>} : memref<512xf32, #tpu.memory_space<vmem>>, vector<16xf32>,
      %add3A_666 = arith.constant 1.57079637 : f32
      %add3A_667 = vector.broadcast %add3A_666 : f32 to vector<16xf32>
      %add3A_668 = arith.addf %get3A_485, %add3A_667 : vector<16xf32>
      %mul3A_669 = arith.constant 0.159154937 : f32
      %mul3A_670 = vector.broadcast %mul3A_669 : f32 to vector<16xf32>
      %mul3A_671 = arith.mulf %add3A_668, %mul3A_670 : vector<16xf32>
      %ge3A_672 = arith.constant 0.000000e+00 : f32
      %ge3A_673 = vector.broadcast %ge3A_672 : f32 to vector<16xf32>
      %ge3A_674 = arith.cmpf oge, %mul3A_671, %ge3A_673 : vector<16xf32>
      %add3A_675 = arith.constant 5.000000e-01 : f32
      %add3A_676 = vector.broadcast %add3A_675 : f32 to vector<16xf32>
      %add3A_677 = arith.addf %mul3A_671, %add3A_676 : vector<16xf32>
      %sub3A_678 = arith.constant 5.000000e-01 : f32
      %sub3A_679 = vector.broadcast %sub3A_678 : f32 to vector<16xf32>
      %sub3A_680 = arith.subf %mul3A_671, %sub3A_679 : vector<16xf32>
      %select_n3A_681 = arith.select %ge3A_674, %add3A_677, %sub3A_680 : vector<16xi1>, vector<16xf32>
      %convert_element_type3A_682 = arith.fptosi %select_n3A_681 : vector<16xf32> to vector<16xi32>
      %convert_element_type3A_683 = arith.sitofp %convert_element_type3A_682 : vector<16xi32> to vector<16xf32>
      %mul3A_684 = arith.constant 6.28318548 : f32
      %mul3A_685 = vector.broadcast %mul3A_684 : f32 to vector<16xf32>
      %mul3A_686 = arith.mulf %convert_element_type3A_683, %mul3A_685 : vector<16xf32>
      %sub3A_687 = arith.subf %add3A_668, %mul3A_686 : vector<16xf32>
      %gt3A_688 = arith.constant 1.57079637 : f32
      %gt3A_689 = vector.broadcast %gt3A_688 : f32 to vector<16xf32>
      %gt3A_690 = arith.cmpf ogt, %sub3A_687, %gt3A_689 : vector<16xf32>
      %sub3A_691 = arith.constant 3.14159274 : f32
      %sub3A_692 = vector.broadcast %sub3A_691 : f32 to vector<16xf32>
      %sub3A_693 = arith.subf %sub3A_692, %sub3A_687 : vector<16xf32>
      %select_n3A_694 = arith.select %gt3A_690, %sub3A_693, %sub3A_687 : vector<16xi1>, vector<16xf32>
      %lt3A_695 = arith.constant -1.57079637 : f32
      %lt3A_696 = vector.broadcast %lt3A_695 : f32 to vector<16xf32>
      %lt3A_697 = arith.cmpf olt, %select_n3A_694, %lt3A_696 : vector<16xf32>
      %sub3A_698 = arith.constant -3.14159274 : f32
      %sub3A_699 = vector.broadcast %sub3A_698 : f32 to vector<16xf32>
      %sub3A_700 = arith.subf %sub3A_699, %select_n3A_694 : vector<16xf32>
      %select_n3A_701 = arith.select %lt3A_697, %sub3A_700, %select_n3A_694 : vector<16xi1>, vector<16xf32>
      %mul3A_702 = arith.mulf %select_n3A_701, %select_n3A_701 : vector<16xf32>
      %mul3A_703 = arith.constant -2.50521079E-8 : f32
      %mul3A_704 = vector.broadcast %mul3A_703 : f32 to vector<16xf32>
      %mul3A_705 = arith.mulf %mul3A_704, %mul3A_702 : vector<16xf32>
      %add3A_706 = arith.constant 2.75573188E-6 : f32
      %add3A_707 = vector.broadcast %add3A_706 : f32 to vector<16xf32>
      %add3A_708 = arith.addf %mul3A_705, %add3A_707 : vector<16xf32>
      %mul3A_709 = arith.mulf %add3A_708, %mul3A_702 : vector<16xf32>
      %sub3A_710 = arith.constant 1.98412701E-4 : f32
      %sub3A_711 = vector.broadcast %sub3A_710 : f32 to vector<16xf32>
      %sub3A_712 = arith.subf %mul3A_709, %sub3A_711 : vector<16xf32>
      %mul3A_713 = arith.mulf %sub3A_712, %mul3A_702 : vector<16xf32>
      %add3A_714 = arith.constant 0.00833333377 : f32
      %add3A_715 = vector.broadcast %add3A_714 : f32 to vector<16xf32>
      %add3A_716 = arith.addf %mul3A_713, %add3A_715 : vector<16xf32>
      %mul3A_717 = arith.mulf %add3A_716, %mul3A_702 : vector<16xf32>
      %sub3A_718 = arith.constant 0.166666672 : f32
      %sub3A_719 = vector.broadcast %sub3A_718 : f32 to vector<16xf32>
      %sub3A_720 = arith.subf %mul3A_717, %sub3A_719 : vector<16xf32>
      %mul3A_721 = arith.mulf %sub3A_720, %mul3A_702 : vector<16xf32>
      %add3A_722 = arith.constant 1.000000e+00 : f32
      %add3A_723 = vector.broadcast %add3A_722 : f32 to vector<16xf32>
      %add3A_724 = arith.addf %mul3A_721, %add3A_723 : vector<16xf32>
      %mul3A_725 = arith.mulf %select_n3A_701, %add3A_724 : vector<16xf32>
      %swap3A_726 = arith.index_cast %multiple_of3A : i32 to index
      %swap3A_727 = tpu.vector_load %arg21[%swap3A_726] {strides = array<i32>} : memref<512xf32, #tpu.memory_space<vmem>>, vector<16xf32>,
      %swap3A_728 = vector.shape_cast %swap3A_727 : vector<16xf32> to vector<16xf32>
      %swap3A_729 = vector.shape_cast %mul3A_725 : vector<16xf32> to vector<16xf32>
      tpu.vector_store %arg21[%swap3A_726], %swap3A_729 {strides = array<i32>} : memref<512xf32, #tpu.memory_space<vmem>>, vector<16xf32>,
      %scan3A_730 = arith.constant 0 : i32
      scf.yield %scan3A_730 : i32
    }
    %scan3A_385 = arith.constant 32 : i32
    %scan3A_386 = arith.constant 0 : i32
    %scan3A_387 = arith.constant 0 : i32
    %scan3A_388 = arith.constant 4 : i32
    %scan3A_389 = arith.addi %scan3A_387, %scan3A_388 : i32
    %scan3A_390 = arith.constant 1 : i32
    %scan3A_391 = scf.for %scan3A_475 = %scan3A_387 to %scan3A_389 step %scan3A_390 iter_args(%scan3A_476 = %scan3A_386) -> (i32)  : i32 {
      %mul3A_477 = arith.constant 128 : i32
      %mul3A_478 = arith.muli %scan3A_475, %mul3A_477 : i32
      %multiple_of3A = tpu.assume_multiple %mul3A_478, 128 : i32
      %add3A_479 = arith.constant 0 : i32
      %add3A_480 = arith.addi %multiple_of3A, %add3A_479 : i32
      %add3A_481 = arith.constant 16 : i32
      %add3A_482 = arith.addi %multiple_of3A, %add3A_481 : i32
      %add3A_483 = arith.constant 32 : i32
      %add3A_484 = arith.addi %multiple_of3A, %add3A_483 : i32
      %add3A_485 = arith.constant 48 : i32
      %add3A_486 = arith.addi %multiple_of3A, %add3A_485 : i32
      %add3A_487 = arith.constant 64 : i32
      %add3A_488 = arith.addi %multiple_of3A, %add3A_487 : i32
      %add3A_489 = arith.constant 80 : i32
      %add3A_490 = arith.addi %multiple_of3A, %add3A_489 : i32
      %add3A_491 = arith.constant 96 : i32
      %add3A_492 = arith.addi %multiple_of3A, %add3A_491 : i32
      %add3A_493 = arith.constant 112 : i32
      %add3A_494 = arith.addi %multiple_of3A, %add3A_493 : i32
      %get3A_495 = arith.index_cast %add3A_480 : i32 to index
      %get3A_496 = tpu.vector_load %arg18[%get3A_495] {strides = array<i32>} : memref<512xf32, #tpu.memory_space<vmem>>, vector<16xf32>,
      %get3A_497 = vector.shape_cast %get3A_496 : vector<16xf32> to vector<16xf32>
      %get3A_498 = arith.index_cast %add3A_482 : i32 to index
      %get3A_499 = tpu.vector_load %arg18[%get3A_498] {strides = array<i32>} : memref<512xf32, #tpu.memory_space<vmem>>, vector<16xf32>,
      %get3A_500 = vector.shape_cast %get3A_499 : vector<16xf32> to vector<16xf32>
      %get3A_501 = arith.index_cast %add3A_484 : i32 to index
      %get3A_502 = tpu.vector_load %arg18[%get3A_501] {strides = array<i32>} : memref<512xf32, #tpu.memory_space<vmem>>, vector<16xf32>,
      %get3A_503 = vector.shape_cast %get3A_502 : vector<16xf32> to vector<16xf32>
      %get3A_504 = arith.index_cast %add3A_486 : i32 to index
      %get3A_505 = tpu.vector_load %arg18[%get3A_504] {strides = array<i32>} : memref<512xf32, #tpu.memory_space<vmem>>, vector<16xf32>,
      %get3A_506 = vector.shape_cast %get3A_505 : vector<16xf32> to vector<16xf32>
      %get3A_507 = arith.index_cast %add3A_488 : i32 to index
      %get3A_508 = tpu.vector_load %arg18[%get3A_507] {strides = array<i32>} : memref<512xf32, #tpu.memory_space<vmem>>, vector<16xf32>,
      %get3A_509 = vector.shape_cast %get3A_508 : vector<16xf32> to vector<16xf32>
      %get3A_510 = arith.index_cast %add3A_490 : i32 to index
      %get3A_511 = tpu.vector_load %arg18[%get3A_510] {strides = array<i32>} : memref<512xf32, #tpu.memory_space<vmem>>, vector<16xf32>,
      %get3A_512 = vector.shape_cast %get3A_511 : vector<16xf32> to vector<16xf32>
      %get3A_513 = arith.index_cast %add3A_492 : i32 to index
      %get3A_514 = tpu.vector_load %arg18[%get3A_513] {strides = array<i32>} : memref<512xf32, #tpu.memory_space<vmem>>, vector<16xf32>,
      %get3A_515 = vector.shape_cast %get3A_514 : vector<16xf32> to vector<16xf32>
      %get3A_516 = arith.index_cast %add3A_494 : i32 to index
      %get3A_517 = tpu.vector_load %arg18[%get3A_516] {strides = array<i32>} : memref<512xf32, #tpu.memory_space<vmem>>, vector<16xf32>,
      %get3A_518 = vector.shape_cast %get3A_517 : vector<16xf32> to vector<16xf32>
      %get3A_519 = arith.index_cast %add3A_480 : i32 to index
      %get3A_520 = tpu.vector_load %arg19[%get3A_519] {strides = array<i32>} : memref<512xf32, #tpu.memory_space<vmem>>, vector<16xf32>,
      %get3A_521 = vector.shape_cast %get3A_520 : vector<16xf32> to vector<16xf32>
      %get3A_522 = arith.index_cast %add3A_482 : i32 to index
      %get3A_523 = tpu.vector_load %arg19[%get3A_522] {strides = array<i32>} : memref<512xf32, #tpu.memory_space<vmem>>, vector<16xf32>,
      %get3A_524 = vector.shape_cast %get3A_523 : vector<16xf32> to vector<16xf32>
      %get3A_525 = arith.index_cast %add3A_484 : i32 to index
      %get3A_526 = tpu.vector_load %arg19[%get3A_525] {strides = array<i32>} : memref<512xf32, #tpu.memory_space<vmem>>, vector<16xf32>,
      %get3A_527 = vector.shape_cast %get3A_526 : vector<16xf32> to vector<16xf32>
      %get3A_528 = arith.index_cast %add3A_486 : i32 to index
      %get3A_529 = tpu.vector_load %arg19[%get3A_528] {strides = array<i32>} : memref<512xf32, #tpu.memory_space<vmem>>, vector<16xf32>,
      %get3A_530 = vector.shape_cast %get3A_529 : vector<16xf32> to vector<16xf32>
      %get3A_531 = arith.index_cast %add3A_488 : i32 to index
      %get3A_532 = tpu.vector_load %arg19[%get3A_531] {strides = array<i32>} : memref<512xf32, #tpu.memory_space<vmem>>, vector<16xf32>,
      %get3A_533 = vector.shape_cast %get3A_532 : vector<16xf32> to vector<16xf32>
      %get3A_534 = arith.index_cast %add3A_490 : i32 to index
      %get3A_535 = tpu.vector_load %arg19[%get3A_534] {strides = array<i32>} : memref<512xf32, #tpu.memory_space<vmem>>, vector<16xf32>,
      %get3A_536 = vector.shape_cast %get3A_535 : vector<16xf32> to vector<16xf32>
      %get3A_537 = arith.index_cast %add3A_492 : i32 to index
      %get3A_538 = tpu.vector_load %arg19[%get3A_537] {strides = array<i32>} : memref<512xf32, #tpu.memory_space<vmem>>, vector<16xf32>,
      %get3A_539 = vector.shape_cast %get3A_538 : vector<16xf32> to vector<16xf32>
      %get3A_540 = arith.index_cast %add3A_494 : i32 to index
      %get3A_541 = tpu.vector_load %arg19[%get3A_540] {strides = array<i32>} : memref<512xf32, #tpu.memory_space<vmem>>, vector<16xf32>,
      %get3A_542 = vector.shape_cast %get3A_541 : vector<16xf32> to vector<16xf32>
      %get3A_543 = arith.index_cast %add3A_480 : i32 to index
      %get3A_544 = tpu.vector_load %arg20[%get3A_543] {strides = array<i32>} : memref<512xf32, #tpu.memory_space<vmem>>, vector<16xf32>,
      %get3A_545 = vector.shape_cast %get3A_544 : vector<16xf32> to vector<16xf32>
      %get3A_546 = arith.index_cast %add3A_482 : i32 to index
      %get3A_547 = tpu.vector_load %arg20[%get3A_546] {strides = array<i32>} : memref<512xf32, #tpu.memory_space<vmem>>, vector<16xf32>,
      %get3A_548 = vector.shape_cast %get3A_547 : vector<16xf32> to vector<16xf32>
      %get3A_549 = arith.index_cast %add3A_484 : i32 to index
      %get3A_550 = tpu.vector_load %arg20[%get3A_549] {strides = array<i32>} : memref<512xf32, #tpu.memory_space<vmem>>, vector<16xf32>,
      %get3A_551 = vector.shape_cast %get3A_550 : vector<16xf32> to vector<16xf32>
      %get3A_552 = arith.index_cast %add3A_486 : i32 to index
      %get3A_553 = tpu.vector_load %arg20[%get3A_552] {strides = array<i32>} : memref<512xf32, #tpu.memory_space<vmem>>, vector<16xf32>,
      %get3A_554 = vector.shape_cast %get3A_553 : vector<16xf32> to vector<16xf32>
      %get3A_555 = arith.index_cast %add3A_488 : i32 to index
      %get3A_556 = tpu.vector_load %arg20[%get3A_555] {strides = array<i32>} : memref<512xf32, #tpu.memory_space<vmem>>, vector<16xf32>,
      %get3A_557 = vector.shape_cast %get3A_556 : vector<16xf32> to vector<16xf32>
      %get3A_558 = arith.index_cast %add3A_490 : i32 to index
      %get3A_559 = tpu.vector_load %arg20[%get3A_558] {strides = array<i32>} : memref<512xf32, #tpu.memory_space<vmem>>, vector<16xf32>,
      %get3A_560 = vector.shape_cast %get3A_559 : vector<16xf32> to vector<16xf32>
      %get3A_561 = arith.index_cast %add3A_492 : i32 to index
      %get3A_562 = tpu.vector_load %arg20[%get3A_561] {strides = array<i32>} : memref<512xf32, #tpu.memory_space<vmem>>, vector<16xf32>,
      %get3A_563 = vector.shape_cast %get3A_562 : vector<16xf32> to vector<16xf32>
      %get3A_564 = arith.index_cast %add3A_494 : i32 to index
      %get3A_565 = tpu.vector_load %arg20[%get3A_564] {strides = array<i32>} : memref<512xf32, #tpu.memory_space<vmem>>, vector<16xf32>,
      %get3A_566 = vector.shape_cast %get3A_565 : vector<16xf32> to vector<16xf32>
      %get3A_567 = arith.index_cast %add3A_480 : i32 to index
      %get3A_568 = tpu.vector_load %arg21[%get3A_567] {strides = array<i32>} : memref<512xf32, #tpu.memory_space<vmem>>, vector<16xf32>,
      %get3A_569 = vector.shape_cast %get3A_568 : vector<16xf32> to vector<16xf32>
      %get3A_570 = arith.index_cast %add3A_482 : i32 to index
      %get3A_571 = tpu.vector_load %arg21[%get3A_570] {strides = array<i32>} : memref<512xf32, #tpu.memory_space<vmem>>, vector<16xf32>,
      %get3A_572 = vector.shape_cast %get3A_571 : vector<16xf32> to vector<16xf32>
      %get3A_573 = arith.index_cast %add3A_484 : i32 to index
      %get3A_574 = tpu.vector_load %arg21[%get3A_573] {strides = array<i32>} : memref<512xf32, #tpu.memory_space<vmem>>, vector<16xf32>,
      %get3A_575 = vector.shape_cast %get3A_574 : vector<16xf32> to vector<16xf32>
      %get3A_576 = arith.index_cast %add3A_486 : i32 to index
      %get3A_577 = tpu.vector_load %arg21[%get3A_576] {strides = array<i32>} : memref<512xf32, #tpu.memory_space<vmem>>, vector<16xf32>,
      %get3A_578 = vector.shape_cast %get3A_577 : vector<16xf32> to vector<16xf32>
      %get3A_579 = arith.index_cast %add3A_488 : i32 to index
      %get3A_580 = tpu.vector_load %arg21[%get3A_579] {strides = array<i32>} : memref<512xf32, #tpu.memory_space<vmem>>, vector<16xf32>,
      %get3A_581 = vector.shape_cast %get3A_580 : vector<16xf32> to vector<16xf32>
      %get3A_582 = arith.index_cast %add3A_490 : i32 to index
      %get3A_583 = tpu.vector_load %arg21[%get3A_582] {strides = array<i32>} : memref<512xf32, #tpu.memory_space<vmem>>, vector<16xf32>,
      %get3A_584 = vector.shape_cast %get3A_583 : vector<16xf32> to vector<16xf32>
      %get3A_585 = arith.index_cast %add3A_492 : i32 to index
      %get3A_586 = tpu.vector_load %arg21[%get3A_585] {strides = array<i32>} : memref<512xf32, #tpu.memory_space<vmem>>, vector<16xf32>,
      %get3A_587 = vector.shape_cast %get3A_586 : vector<16xf32> to vector<16xf32>
      %get3A_588 = arith.index_cast %add3A_494 : i32 to index
      %get3A_589 = tpu.vector_load %arg21[%get3A_588] {strides = array<i32>} : memref<512xf32, #tpu.memory_space<vmem>>, vector<16xf32>,
      %get3A_590 = vector.shape_cast %get3A_589 : vector<16xf32> to vector<16xf32>
      %swap3A = arith.constant 0 : i32
      %swap3A_591 = arith.index_cast %swap3A : i32 to index
      %swap3A_592 = arith.index_cast %add3A_480 : i32 to index
      %swap3A_593 = tpu.vector_load %arg24[%swap3A_591, %swap3A_592] {strides = array<i32>} : memref<64x512xf32, #tpu.memory_space<vmem>>, vector<1x16xf32>,
      %swap3A_594 = vector.shape_cast %swap3A_593 : vector<1x16xf32> to vector<16xf32>
      %swap3A_595 = vector.shape_cast %get3A_545 : vector<16xf32> to vector<1x16xf32>
      tpu.vector_store %arg24[%swap3A_591, %swap3A_592], %swap3A_595 {strides = array<i32>} : memref<64x512xf32, #tpu.memory_space<vmem>>, vector<1x16xf32>,
      %swap3A_596 = arith.constant 0 : i32
      %swap3A_597 = arith.index_cast %swap3A_596 : i32 to index
      %swap3A_598 = arith.index_cast %add3A_482 : i32 to index
      %swap3A_599 = tpu.vector_load %arg24[%swap3A_597, %swap3A_598] {strides = array<i32>} : memref<64x512xf32, #tpu.memory_space<vmem>>, vector<1x16xf32>,
      %swap3A_600 = vector.shape_cast %swap3A_599 : vector<1x16xf32> to vector<16xf32>
      %swap3A_601 = vector.shape_cast %get3A_548 : vector<16xf32> to vector<1x16xf32>
      tpu.vector_store %arg24[%swap3A_597, %swap3A_598], %swap3A_601 {strides = array<i32>} : memref<64x512xf32, #tpu.memory_space<vmem>>, vector<1x16xf32>,
      %swap3A_602 = arith.constant 0 : i32
      %swap3A_603 = arith.index_cast %swap3A_602 : i32 to index
      %swap3A_604 = arith.index_cast %add3A_484 : i32 to index
      %swap3A_605 = tpu.vector_load %arg24[%swap3A_603, %swap3A_604] {strides = array<i32>} : memref<64x512xf32, #tpu.memory_space<vmem>>, vector<1x16xf32>,
      %swap3A_606 = vector.shape_cast %swap3A_605 : vector<1x16xf32> to vector<16xf32>
      %swap3A_607 = vector.shape_cast %get3A_551 : vector<16xf32> to vector<1x16xf32>
      tpu.vector_store %arg24[%swap3A_603, %swap3A_604], %swap3A_607 {strides = array<i32>} : memref<64x512xf32, #tpu.memory_space<vmem>>, vector<1x16xf32>,
      %swap3A_608 = arith.constant 0 : i32
      %swap3A_609 = arith.index_cast %swap3A_608 : i32 to index
      %swap3A_610 = arith.index_cast %add3A_486 : i32 to index
      %swap3A_611 = tpu.vector_load %arg24[%swap3A_609, %swap3A_610] {strides = array<i32>} : memref<64x512xf32, #tpu.memory_space<vmem>>, vector<1x16xf32>,
      %swap3A_612 = vector.shape_cast %swap3A_611 : vector<1x16xf32> to vector<16xf32>
      %swap3A_613 = vector.shape_cast %get3A_554 : vector<16xf32> to vector<1x16xf32>
      tpu.vector_store %arg24[%swap3A_609, %swap3A_610], %swap3A_613 {strides = array<i32>} : memref<64x512xf32, #tpu.memory_space<vmem>>, vector<1x16xf32>,
      %swap3A_614 = arith.constant 0 : i32
      %swap3A_615 = arith.index_cast %swap3A_614 : i32 to index
      %swap3A_616 = arith.index_cast %add3A_488 : i32 to index
      %swap3A_617 = tpu.vector_load %arg24[%swap3A_615, %swap3A_616] {strides = array<i32>} : memref<64x512xf32, #tpu.memory_space<vmem>>, vector<1x16xf32>,
      %swap3A_618 = vector.shape_cast %swap3A_617 : vector<1x16xf32> to vector<16xf32>
      %swap3A_619 = vector.shape_cast %get3A_557 : vector<16xf32> to vector<1x16xf32>
      tpu.vector_store %arg24[%swap3A_615, %swap3A_616], %swap3A_619 {strides = array<i32>} : memref<64x512xf32, #tpu.memory_space<vmem>>, vector<1x16xf32>,
      %swap3A_620 = arith.constant 0 : i32
      %swap3A_621 = arith.index_cast %swap3A_620 : i32 to index
      %swap3A_622 = arith.index_cast %add3A_490 : i32 to index
      %swap3A_623 = tpu.vector_load %arg24[%swap3A_621, %swap3A_622] {strides = array<i32>} : memref<64x512xf32, #tpu.memory_space<vmem>>, vector<1x16xf32>,
      %swap3A_624 = vector.shape_cast %swap3A_623 : vector<1x16xf32> to vector<16xf32>
      %swap3A_625 = vector.shape_cast %get3A_560 : vector<16xf32> to vector<1x16xf32>
      tpu.vector_store %arg24[%swap3A_621, %swap3A_622], %swap3A_625 {strides = array<i32>} : memref<64x512xf32, #tpu.memory_space<vmem>>, vector<1x16xf32>,
      %swap3A_626 = arith.constant 0 : i32
      %swap3A_627 = arith.index_cast %swap3A_626 : i32 to index
      %swap3A_628 = arith.index_cast %add3A_492 : i32 to index
      %swap3A_629 = tpu.vector_load %arg24[%swap3A_627, %swap3A_628] {strides = array<i32>} : memref<64x512xf32, #tpu.memory_space<vmem>>, vector<1x16xf32>,
      %swap3A_630 = vector.shape_cast %swap3A_629 : vector<1x16xf32> to vector<16xf32>
      %swap3A_631 = vector.shape_cast %get3A_563 : vector<16xf32> to vector<1x16xf32>
      tpu.vector_store %arg24[%swap3A_627, %swap3A_628], %swap3A_631 {strides = array<i32>} : memref<64x512xf32, #tpu.memory_space<vmem>>, vector<1x16xf32>,
      %swap3A_632 = arith.constant 0 : i32
      %swap3A_633 = arith.index_cast %swap3A_632 : i32 to index
      %swap3A_634 = arith.index_cast %add3A_494 : i32 to index
      %swap3A_635 = tpu.vector_load %arg24[%swap3A_633, %swap3A_634] {strides = array<i32>} : memref<64x512xf32, #tpu.memory_space<vmem>>, vector<1x16xf32>,
      %swap3A_636 = vector.shape_cast %swap3A_635 : vector<1x16xf32> to vector<16xf32>
      %swap3A_637 = vector.shape_cast %get3A_566 : vector<16xf32> to vector<1x16xf32>
      tpu.vector_store %arg24[%swap3A_633, %swap3A_634], %swap3A_637 {strides = array<i32>} : memref<64x512xf32, #tpu.memory_space<vmem>>, vector<1x16xf32>,
      %scan3A_638 = arith.constant 1 : i32
      %scan3A_639 = arith.constant 63 : i32
      %scan3A_640 = arith.addi %scan3A_638, %scan3A_639 : i32
      %scan3A_641 = arith.constant 1 : i32
      %scan3A_642:16 = scf.for %scan3A_645 = %scan3A_638 to %scan3A_640 step %scan3A_641 iter_args(%scan3A_646 = %get3A_545, %scan3A_647 = %get3A_548, %scan3A_648 = %get3A_551, %scan3A_649 = %get3A_554, %scan3A_650 = %get3A_557, %scan3A_651 = %get3A_560, %scan3A_652 = %get3A_563, %scan3A_653 = %get3A_566, %scan3A_654 = %get3A_569, %scan3A_655 = %get3A_572, %scan3A_656 = %get3A_575, %scan3A_657 = %get3A_578, %scan3A_658 = %get3A_581, %scan3A_659 = %get3A_584, %scan3A_660 = %get3A_587, %scan3A_661 = %get3A_590) -> (vector<16xf32>, vector<16xf32>, vector<16xf32>, vector<16xf32>, vector<16xf32>, vector<16xf32>, vector<16xf32>, vector<16xf32>, vector<16xf32>, vector<16xf32>, vector<16xf32>, vector<16xf32>, vector<16xf32>, vector<16xf32>, vector<16xf32>, vector<16xf32>)  : i32 {
        %mul3A_662 = arith.mulf %scan3A_646, %get3A_521 : vector<16xf32>
        %mul3A_663 = arith.mulf %scan3A_654, %get3A_497 : vector<16xf32>
        %add3A_664 = arith.addf %mul3A_662, %mul3A_663 : vector<16xf32>
        %mul3A_665 = arith.mulf %scan3A_654, %get3A_521 : vector<16xf32>
        %mul3A_666 = arith.mulf %scan3A_646, %get3A_497 : vector<16xf32>
        %sub3A = arith.subf %mul3A_665, %mul3A_666 : vector<16xf32>
        %swap3A_667 = arith.index_cast %scan3A_645 : i32 to index
        %swap3A_668 = arith.index_cast %add3A_480 : i32 to index
        %swap3A_669 = tpu.vector_load %arg24[%swap3A_667, %swap3A_668] {strides = array<i32>} : memref<64x512xf32, #tpu.memory_space<vmem>>, vector<1x16xf32>,
        %swap3A_670 = vector.shape_cast %swap3A_669 : vector<1x16xf32> to vector<16xf32>
        %swap3A_671 = vector.shape_cast %add3A_664 : vector<16xf32> to vector<1x16xf32>
        tpu.vector_store %arg24[%swap3A_667, %swap3A_668], %swap3A_671 {strides = array<i32>} : memref<64x512xf32, #tpu.memory_space<vmem>>, vector<1x16xf32>,
        %mul3A_672 = arith.mulf %scan3A_647, %get3A_524 : vector<16xf32>
        %mul3A_673 = arith.mulf %scan3A_655, %get3A_500 : vector<16xf32>
        %add3A_674 = arith.addf %mul3A_672, %mul3A_673 : vector<16xf32>
        %mul3A_675 = arith.mulf %scan3A_655, %get3A_524 : vector<16xf32>
        %mul3A_676 = arith.mulf %scan3A_647, %get3A_500 : vector<16xf32>
        %sub3A_677 = arith.subf %mul3A_675, %mul3A_676 : vector<16xf32>
        %swap3A_678 = arith.index_cast %scan3A_645 : i32 to index
        %swap3A_679 = arith.index_cast %add3A_482 : i32 to index
        %swap3A_680 = tpu.vector_load %arg24[%swap3A_678, %swap3A_679] {strides = array<i32>} : memref<64x512xf32, #tpu.memory_space<vmem>>, vector<1x16xf32>,
        %swap3A_681 = vector.shape_cast %swap3A_680 : vector<1x16xf32> to vector<16xf32>
        %swap3A_682 = vector.shape_cast %add3A_674 : vector<16xf32> to vector<1x16xf32>
        tpu.vector_store %arg24[%swap3A_678, %swap3A_679], %swap3A_682 {strides = array<i32>} : memref<64x512xf32, #tpu.memory_space<vmem>>, vector<1x16xf32>,
        %mul3A_683 = arith.mulf %scan3A_648, %get3A_527 : vector<16xf32>
        %mul3A_684 = arith.mulf %scan3A_656, %get3A_503 : vector<16xf32>
        %add3A_685 = arith.addf %mul3A_683, %mul3A_684 : vector<16xf32>
        %mul3A_686 = arith.mulf %scan3A_656, %get3A_527 : vector<16xf32>
        %mul3A_687 = arith.mulf %scan3A_648, %get3A_503 : vector<16xf32>
        %sub3A_688 = arith.subf %mul3A_686, %mul3A_687 : vector<16xf32>
        %swap3A_689 = arith.index_cast %scan3A_645 : i32 to index
        %swap3A_690 = arith.index_cast %add3A_484 : i32 to index
        %swap3A_691 = tpu.vector_load %arg24[%swap3A_689, %swap3A_690] {strides = array<i32>} : memref<64x512xf32, #tpu.memory_space<vmem>>, vector<1x16xf32>,
        %swap3A_692 = vector.shape_cast %swap3A_691 : vector<1x16xf32> to vector<16xf32>
        %swap3A_693 = vector.shape_cast %add3A_685 : vector<16xf32> to vector<1x16xf32>
        tpu.vector_store %arg24[%swap3A_689, %swap3A_690], %swap3A_693 {strides = array<i32>} : memref<64x512xf32, #tpu.memory_space<vmem>>, vector<1x16xf32>,
        %mul3A_694 = arith.mulf %scan3A_649, %get3A_530 : vector<16xf32>
        %mul3A_695 = arith.mulf %scan3A_657, %get3A_506 : vector<16xf32>
        %add3A_696 = arith.addf %mul3A_694, %mul3A_695 : vector<16xf32>
        %mul3A_697 = arith.mulf %scan3A_657, %get3A_530 : vector<16xf32>
        %mul3A_698 = arith.mulf %scan3A_649, %get3A_506 : vector<16xf32>
        %sub3A_699 = arith.subf %mul3A_697, %mul3A_698 : vector<16xf32>
        %swap3A_700 = arith.index_cast %scan3A_645 : i32 to index
        %swap3A_701 = arith.index_cast %add3A_486 : i32 to index
        %swap3A_702 = tpu.vector_load %arg24[%swap3A_700, %swap3A_701] {strides = array<i32>} : memref<64x512xf32, #tpu.memory_space<vmem>>, vector<1x16xf32>,
        %swap3A_703 = vector.shape_cast %swap3A_702 : vector<1x16xf32> to vector<16xf32>
        %swap3A_704 = vector.shape_cast %add3A_696 : vector<16xf32> to vector<1x16xf32>
        tpu.vector_store %arg24[%swap3A_700, %swap3A_701], %swap3A_704 {strides = array<i32>} : memref<64x512xf32, #tpu.memory_space<vmem>>, vector<1x16xf32>,
        %mul3A_705 = arith.mulf %scan3A_650, %get3A_533 : vector<16xf32>
        %mul3A_706 = arith.mulf %scan3A_658, %get3A_509 : vector<16xf32>
        %add3A_707 = arith.addf %mul3A_705, %mul3A_706 : vector<16xf32>
        %mul3A_708 = arith.mulf %scan3A_658, %get3A_533 : vector<16xf32>
        %mul3A_709 = arith.mulf %scan3A_650, %get3A_509 : vector<16xf32>
        %sub3A_710 = arith.subf %mul3A_708, %mul3A_709 : vector<16xf32>
        %swap3A_711 = arith.index_cast %scan3A_645 : i32 to index
        %swap3A_712 = arith.index_cast %add3A_488 : i32 to index
        %swap3A_713 = tpu.vector_load %arg24[%swap3A_711, %swap3A_712] {strides = array<i32>} : memref<64x512xf32, #tpu.memory_space<vmem>>, vector<1x16xf32>,
        %swap3A_714 = vector.shape_cast %swap3A_713 : vector<1x16xf32> to vector<16xf32>
        %swap3A_715 = vector.shape_cast %add3A_707 : vector<16xf32> to vector<1x16xf32>
        tpu.vector_store %arg24[%swap3A_711, %swap3A_712], %swap3A_715 {strides = array<i32>} : memref<64x512xf32, #tpu.memory_space<vmem>>, vector<1x16xf32>,
        %mul3A_716 = arith.mulf %scan3A_651, %get3A_536 : vector<16xf32>
        %mul3A_717 = arith.mulf %scan3A_659, %get3A_512 : vector<16xf32>
        %add3A_718 = arith.addf %mul3A_716, %mul3A_717 : vector<16xf32>
        %mul3A_719 = arith.mulf %scan3A_659, %get3A_536 : vector<16xf32>
        %mul3A_720 = arith.mulf %scan3A_651, %get3A_512 : vector<16xf32>
        %sub3A_721 = arith.subf %mul3A_719, %mul3A_720 : vector<16xf32>
        %swap3A_722 = arith.index_cast %scan3A_645 : i32 to index
        %swap3A_723 = arith.index_cast %add3A_490 : i32 to index
        %swap3A_724 = tpu.vector_load %arg24[%swap3A_722, %swap3A_723] {strides = array<i32>} : memref<64x512xf32, #tpu.memory_space<vmem>>, vector<1x16xf32>,
        %swap3A_725 = vector.shape_cast %swap3A_724 : vector<1x16xf32> to vector<16xf32>
        %swap3A_726 = vector.shape_cast %add3A_718 : vector<16xf32> to vector<1x16xf32>
        tpu.vector_store %arg24[%swap3A_722, %swap3A_723], %swap3A_726 {strides = array<i32>} : memref<64x512xf32, #tpu.memory_space<vmem>>, vector<1x16xf32>,
        %mul3A_727 = arith.mulf %scan3A_652, %get3A_539 : vector<16xf32>
        %mul3A_728 = arith.mulf %scan3A_660, %get3A_515 : vector<16xf32>
        %add3A_729 = arith.addf %mul3A_727, %mul3A_728 : vector<16xf32>
        %mul3A_730 = arith.mulf %scan3A_660, %get3A_539 : vector<16xf32>
        %mul3A_731 = arith.mulf %scan3A_652, %get3A_515 : vector<16xf32>
        %sub3A_732 = arith.subf %mul3A_730, %mul3A_731 : vector<16xf32>
        %swap3A_733 = arith.index_cast %scan3A_645 : i32 to index
        %swap3A_734 = arith.index_cast %add3A_492 : i32 to index
        %swap3A_735 = tpu.vector_load %arg24[%swap3A_733, %swap3A_734] {strides = array<i32>} : memref<64x512xf32, #tpu.memory_space<vmem>>, vector<1x16xf32>,
        %swap3A_736 = vector.shape_cast %swap3A_735 : vector<1x16xf32> to vector<16xf32>
        %swap3A_737 = vector.shape_cast %add3A_729 : vector<16xf32> to vector<1x16xf32>
        tpu.vector_store %arg24[%swap3A_733, %swap3A_734], %swap3A_737 {strides = array<i32>} : memref<64x512xf32, #tpu.memory_space<vmem>>, vector<1x16xf32>,
        %mul3A_738 = arith.mulf %scan3A_653, %get3A_542 : vector<16xf32>
        %mul3A_739 = arith.mulf %scan3A_661, %get3A_518 : vector<16xf32>
        %add3A_740 = arith.addf %mul3A_738, %mul3A_739 : vector<16xf32>
        %mul3A_741 = arith.mulf %scan3A_661, %get3A_542 : vector<16xf32>
        %mul3A_742 = arith.mulf %scan3A_653, %get3A_518 : vector<16xf32>
        %sub3A_743 = arith.subf %mul3A_741, %mul3A_742 : vector<16xf32>
        %swap3A_744 = arith.index_cast %scan3A_645 : i32 to index
        %swap3A_745 = arith.index_cast %add3A_494 : i32 to index
        %swap3A_746 = tpu.vector_load %arg24[%swap3A_744, %swap3A_745] {strides = array<i32>} : memref<64x512xf32, #tpu.memory_space<vmem>>, vector<1x16xf32>,
        %swap3A_747 = vector.shape_cast %swap3A_746 : vector<1x16xf32> to vector<16xf32>
        %swap3A_748 = vector.shape_cast %add3A_740 : vector<16xf32> to vector<1x16xf32>
        tpu.vector_store %arg24[%swap3A_744, %swap3A_745], %swap3A_748 {strides = array<i32>} : memref<64x512xf32, #tpu.memory_space<vmem>>, vector<1x16xf32>,
        scf.yield %add3A_664, %add3A_674, %add3A_685, %add3A_696, %add3A_707, %add3A_718, %add3A_729, %add3A_740, %sub3A, %sub3A_677, %sub3A_688, %sub3A_699, %sub3A_710, %sub3A_721, %sub3A_732, %sub3A_743 : vector<16xf32>, vector<16xf32>, vector<16xf32>, vector<16xf32>, vector<16xf32>, vector<16xf32>, vector<16xf32>, vector<16xf32>, vector<16xf32>, vector<16xf32>, vector<16xf32>, vector<16xf32>, vector<16xf32>, vector<16xf32>, vector<16xf32>, vector<16xf32>
      }
      %scan3A_643 = arith.constant 63 : i32
      %scan3A_644 = arith.constant 0 : i32
      scf.yield %scan3A_644 : i32
    }
    %scan3A_392 = arith.constant 4 : i32
    %dma_start3A_393 = arith.constant 512 : i32
    %dma_start3A_394 = tpu.memref_slice %arg10[%mul3A_2, %dma_start3A_393] : memref<4096x1024xf32, #tpu.memory_space<hbm>> -> memref<64x512xf32, #tpu.memory_space<hbm>>
    %dma_start3A_395 = arith.constant 512 : i32
    %dma_start3A_396 = tpu.memref_slice %arg10[%mul3A_2, %dma_start3A_395] : memref<4096x1024xf32, #tpu.memory_space<hbm>> -> memref<64x512xf32, #tpu.memory_space<hbm>>
    tpu.enqueue_dma source(%arg24 : memref<64x512xf32, #tpu.memory_space<vmem>>) target(%dma_start3A_396 : memref<64x512xf32, #tpu.memory_space<hbm>>) target_semaphore(%arg26 : memref<!tpu.dma_semaphore, #tpu.memory_space<semaphore_mem>>)
    %add3A_397 = arith.constant 64 : i32
    %add3A_398 = arith.addi %mul3A_2, %add3A_397 : i32
    %dma_start3A_399 = arith.constant 512 : i32
    %dma_start3A_400 = tpu.memref_slice %arg10[%add3A_398, %dma_start3A_399] : memref<4096x1024xf32, #tpu.memory_space<hbm>> -> memref<64x512xf32, #tpu.memory_space<hbm>>
    %dma_start3A_401 = arith.constant 512 : i32
    %dma_start3A_402 = tpu.memref_slice %arg10[%add3A_398, %dma_start3A_401] : memref<4096x1024xf32, #tpu.memory_space<hbm>> -> memref<64x512xf32, #tpu.memory_space<hbm>>
    tpu.enqueue_dma source(%arg24 : memref<64x512xf32, #tpu.memory_space<vmem>>) target(%dma_start3A_402 : memref<64x512xf32, #tpu.memory_space<hbm>>) target_semaphore(%arg26 : memref<!tpu.dma_semaphore, #tpu.memory_space<semaphore_mem>>)
    %dma_wait3A_403 = arith.constant 0 : i32
    %dma_wait3A_404 = tpu.memref_slice %arg10[%add3A_165, %dma_wait3A_403] : memref<4096x1024xf32, #tpu.memory_space<hbm>> -> memref<8x512xf32, #tpu.memory_space<hbm>>
    %dma_wait3A_405 = arith.constant 0 : i32
    %dma_wait3A_406 = tpu.memref_slice %arg10[%add3A_165, %dma_wait3A_405] : memref<4096x1024xf32, #tpu.memory_space<hbm>> -> memref<8x512xf32, #tpu.memory_space<hbm>>
    tpu.wait_dma2 semaphore(%arg26 : memref<!tpu.dma_semaphore, #tpu.memory_space<semaphore_mem>>) src(%arg22 : memref<8x512xf32, #tpu.memory_space<vmem>>) dst(%dma_wait3A_406 : memref<8x512xf32, #tpu.memory_space<hbm>>)
    %dma_wait3A_407 = arith.constant 0 : i32
    %dma_wait3A_408 = tpu.memref_slice %arg10[%add3A_171, %dma_wait3A_407] : memref<4096x1024xf32, #tpu.memory_space<hbm>> -> memref<8x512xf32, #tpu.memory_space<hbm>>
    %dma_wait3A_409 = arith.constant 0 : i32
    %dma_wait3A_410 = tpu.memref_slice %arg10[%add3A_171, %dma_wait3A_409] : memref<4096x1024xf32, #tpu.memory_space<hbm>> -> memref<8x512xf32, #tpu.memory_space<hbm>>
    tpu.wait_dma2 semaphore(%arg26 : memref<!tpu.dma_semaphore, #tpu.memory_space<semaphore_mem>>) src(%arg22 : memref<8x512xf32, #tpu.memory_space<vmem>>) dst(%dma_wait3A_410 : memref<8x512xf32, #tpu.memory_space<hbm>>)
    %dma_wait3A_411 = arith.constant 0 : i32
    %dma_wait3A_412 = tpu.memref_slice %arg10[%add3A_177, %dma_wait3A_411] : memref<4096x1024xf32, #tpu.memory_space<hbm>> -> memref<8x512xf32, #tpu.memory_space<hbm>>
    %dma_wait3A_413 = arith.constant 0 : i32
    %dma_wait3A_414 = tpu.memref_slice %arg10[%add3A_177, %dma_wait3A_413] : memref<4096x1024xf32, #tpu.memory_space<hbm>> -> memref<8x512xf32, #tpu.memory_space<hbm>>
    tpu.wait_dma2 semaphore(%arg26 : memref<!tpu.dma_semaphore, #tpu.memory_space<semaphore_mem>>) src(%arg22 : memref<8x512xf32, #tpu.memory_space<vmem>>) dst(%dma_wait3A_414 : memref<8x512xf32, #tpu.memory_space<hbm>>)
    %dma_wait3A_415 = arith.constant 0 : i32
    %dma_wait3A_416 = tpu.memref_slice %arg10[%add3A_183, %dma_wait3A_415] : memref<4096x1024xf32, #tpu.memory_space<hbm>> -> memref<8x512xf32, #tpu.memory_space<hbm>>
    %dma_wait3A_417 = arith.constant 0 : i32
    %dma_wait3A_418 = tpu.memref_slice %arg10[%add3A_183, %dma_wait3A_417] : memref<4096x1024xf32, #tpu.memory_space<hbm>> -> memref<8x512xf32, #tpu.memory_space<hbm>>
    tpu.wait_dma2 semaphore(%arg26 : memref<!tpu.dma_semaphore, #tpu.memory_space<semaphore_mem>>) src(%arg22 : memref<8x512xf32, #tpu.memory_space<vmem>>) dst(%dma_wait3A_418 : memref<8x512xf32, #tpu.memory_space<hbm>>)
    %dma_wait3A_419 = arith.constant 0 : i32
    %dma_wait3A_420 = tpu.memref_slice %arg10[%add3A_189, %dma_wait3A_419] : memref<4096x1024xf32, #tpu.memory_space<hbm>> -> memref<8x512xf32, #tpu.memory_space<hbm>>
    %dma_wait3A_421 = arith.constant 0 : i32
    %dma_wait3A_422 = tpu.memref_slice %arg10[%add3A_189, %dma_wait3A_421] : memref<4096x1024xf32, #tpu.memory_space<hbm>> -> memref<8x512xf32, #tpu.memory_space<hbm>>
    tpu.wait_dma2 semaphore(%arg26 : memref<!tpu.dma_semaphore, #tpu.memory_space<semaphore_mem>>) src(%arg22 : memref<8x512xf32, #tpu.memory_space<vmem>>) dst(%dma_wait3A_422 : memref<8x512xf32, #tpu.memory_space<hbm>>)
    %dma_wait3A_423 = arith.constant 0 : i32
    %dma_wait3A_424 = tpu.memref_slice %arg10[%add3A_195, %dma_wait3A_423] : memref<4096x1024xf32, #tpu.memory_space<hbm>> -> memref<8x512xf32, #tpu.memory_space<hbm>>
    %dma_wait3A_425 = arith.constant 0 : i32
    %dma_wait3A_426 = tpu.memref_slice %arg10[%add3A_195, %dma_wait3A_425] : memref<4096x1024xf32, #tpu.memory_space<hbm>> -> memref<8x512xf32, #tpu.memory_space<hbm>>
    tpu.wait_dma2 semaphore(%arg26 : memref<!tpu.dma_semaphore, #tpu.memory_space<semaphore_mem>>) src(%arg22 : memref<8x512xf32, #tpu.memory_space<vmem>>) dst(%dma_wait3A_426 : memref<8x512xf32, #tpu.memory_space<hbm>>)
    %dma_wait3A_427 = arith.constant 0 : i32
    %dma_wait3A_428 = tpu.memref_slice %arg10[%add3A_201, %dma_wait3A_427] : memref<4096x1024xf32, #tpu.memory_space<hbm>> -> memref<8x512xf32, #tpu.memory_space<hbm>>
    %dma_wait3A_429 = arith.constant 0 : i32
    %dma_wait3A_430 = tpu.memref_slice %arg10[%add3A_201, %dma_wait3A_429] : memref<4096x1024xf32, #tpu.memory_space<hbm>> -> memref<8x512xf32, #tpu.memory_space<hbm>>
    tpu.wait_dma2 semaphore(%arg26 : memref<!tpu.dma_semaphore, #tpu.memory_space<semaphore_mem>>) src(%arg22 : memref<8x512xf32, #tpu.memory_space<vmem>>) dst(%dma_wait3A_430 : memref<8x512xf32, #tpu.memory_space<hbm>>)
    %dma_wait3A_431 = arith.constant 0 : i32
    %dma_wait3A_432 = tpu.memref_slice %arg10[%add3A_207, %dma_wait3A_431] : memref<4096x1024xf32, #tpu.memory_space<hbm>> -> memref<8x512xf32, #tpu.memory_space<hbm>>
    %dma_wait3A_433 = arith.constant 0 : i32
    %dma_wait3A_434 = tpu.memref_slice %arg10[%add3A_207, %dma_wait3A_433] : memref<4096x1024xf32, #tpu.memory_space<hbm>> -> memref<8x512xf32, #tpu.memory_space<hbm>>
    tpu.wait_dma2 semaphore(%arg26 : memref<!tpu.dma_semaphore, #tpu.memory_space<semaphore_mem>>) src(%arg22 : memref<8x512xf32, #tpu.memory_space<vmem>>) dst(%dma_wait3A_434 : memref<8x512xf32, #tpu.memory_space<hbm>>)
    %dma_wait3A_435 = arith.constant 0 : i32
    %dma_wait3A_436 = tpu.memref_slice %arg10[%add3A_318, %dma_wait3A_435] : memref<4096x1024xf32, #tpu.memory_space<hbm>> -> memref<8x512xf32, #tpu.memory_space<hbm>>
    %dma_wait3A_437 = arith.constant 0 : i32
    %dma_wait3A_438 = tpu.memref_slice %arg10[%add3A_318, %dma_wait3A_437] : memref<4096x1024xf32, #tpu.memory_space<hbm>> -> memref<8x512xf32, #tpu.memory_space<hbm>>
    tpu.wait_dma2 semaphore(%arg26 : memref<!tpu.dma_semaphore, #tpu.memory_space<semaphore_mem>>) src(%arg23 : memref<8x512xf32, #tpu.memory_space<vmem>>) dst(%dma_wait3A_438 : memref<8x512xf32, #tpu.memory_space<hbm>>)
    %dma_wait3A_439 = arith.constant 0 : i32
    %dma_wait3A_440 = tpu.memref_slice %arg10[%add3A_326, %dma_wait3A_439] : memref<4096x1024xf32, #tpu.memory_space<hbm>> -> memref<8x512xf32, #tpu.memory_space<hbm>>
    %dma_wait3A_441 = arith.constant 0 : i32
    %dma_wait3A_442 = tpu.memref_slice %arg10[%add3A_326, %dma_wait3A_441] : memref<4096x1024xf32, #tpu.memory_space<hbm>> -> memref<8x512xf32, #tpu.memory_space<hbm>>
    tpu.wait_dma2 semaphore(%arg26 : memref<!tpu.dma_semaphore, #tpu.memory_space<semaphore_mem>>) src(%arg23 : memref<8x512xf32, #tpu.memory_space<vmem>>) dst(%dma_wait3A_442 : memref<8x512xf32, #tpu.memory_space<hbm>>)
    %dma_wait3A_443 = arith.constant 0 : i32
    %dma_wait3A_444 = tpu.memref_slice %arg10[%add3A_334, %dma_wait3A_443] : memref<4096x1024xf32, #tpu.memory_space<hbm>> -> memref<8x512xf32, #tpu.memory_space<hbm>>
    %dma_wait3A_445 = arith.constant 0 : i32
    %dma_wait3A_446 = tpu.memref_slice %arg10[%add3A_334, %dma_wait3A_445] : memref<4096x1024xf32, #tpu.memory_space<hbm>> -> memref<8x512xf32, #tpu.memory_space<hbm>>
    tpu.wait_dma2 semaphore(%arg26 : memref<!tpu.dma_semaphore, #tpu.memory_space<semaphore_mem>>) src(%arg23 : memref<8x512xf32, #tpu.memory_space<vmem>>) dst(%dma_wait3A_446 : memref<8x512xf32, #tpu.memory_space<hbm>>)
    %dma_wait3A_447 = arith.constant 0 : i32
    %dma_wait3A_448 = tpu.memref_slice %arg10[%add3A_342, %dma_wait3A_447] : memref<4096x1024xf32, #tpu.memory_space<hbm>> -> memref<8x512xf32, #tpu.memory_space<hbm>>
    %dma_wait3A_449 = arith.constant 0 : i32
    %dma_wait3A_450 = tpu.memref_slice %arg10[%add3A_342, %dma_wait3A_449] : memref<4096x1024xf32, #tpu.memory_space<hbm>> -> memref<8x512xf32, #tpu.memory_space<hbm>>
    tpu.wait_dma2 semaphore(%arg26 : memref<!tpu.dma_semaphore, #tpu.memory_space<semaphore_mem>>) src(%arg23 : memref<8x512xf32, #tpu.memory_space<vmem>>) dst(%dma_wait3A_450 : memref<8x512xf32, #tpu.memory_space<hbm>>)
    %dma_wait3A_451 = arith.constant 0 : i32
    %dma_wait3A_452 = tpu.memref_slice %arg10[%add3A_350, %dma_wait3A_451] : memref<4096x1024xf32, #tpu.memory_space<hbm>> -> memref<8x512xf32, #tpu.memory_space<hbm>>
    %dma_wait3A_453 = arith.constant 0 : i32
    %dma_wait3A_454 = tpu.memref_slice %arg10[%add3A_350, %dma_wait3A_453] : memref<4096x1024xf32, #tpu.memory_space<hbm>> -> memref<8x512xf32, #tpu.memory_space<hbm>>
    tpu.wait_dma2 semaphore(%arg26 : memref<!tpu.dma_semaphore, #tpu.memory_space<semaphore_mem>>) src(%arg23 : memref<8x512xf32, #tpu.memory_space<vmem>>) dst(%dma_wait3A_454 : memref<8x512xf32, #tpu.memory_space<hbm>>)
    %dma_wait3A_455 = arith.constant 0 : i32
    %dma_wait3A_456 = tpu.memref_slice %arg10[%add3A_358, %dma_wait3A_455] : memref<4096x1024xf32, #tpu.memory_space<hbm>> -> memref<8x512xf32, #tpu.memory_space<hbm>>
    %dma_wait3A_457 = arith.constant 0 : i32
    %dma_wait3A_458 = tpu.memref_slice %arg10[%add3A_358, %dma_wait3A_457] : memref<4096x1024xf32, #tpu.memory_space<hbm>> -> memref<8x512xf32, #tpu.memory_space<hbm>>
    tpu.wait_dma2 semaphore(%arg26 : memref<!tpu.dma_semaphore, #tpu.memory_space<semaphore_mem>>) src(%arg23 : memref<8x512xf32, #tpu.memory_space<vmem>>) dst(%dma_wait3A_458 : memref<8x512xf32, #tpu.memory_space<hbm>>)
    %dma_wait3A_459 = arith.constant 0 : i32
    %dma_wait3A_460 = tpu.memref_slice %arg10[%add3A_366, %dma_wait3A_459] : memref<4096x1024xf32, #tpu.memory_space<hbm>> -> memref<8x512xf32, #tpu.memory_space<hbm>>
    %dma_wait3A_461 = arith.constant 0 : i32
    %dma_wait3A_462 = tpu.memref_slice %arg10[%add3A_366, %dma_wait3A_461] : memref<4096x1024xf32, #tpu.memory_space<hbm>> -> memref<8x512xf32, #tpu.memory_space<hbm>>
    tpu.wait_dma2 semaphore(%arg26 : memref<!tpu.dma_semaphore, #tpu.memory_space<semaphore_mem>>) src(%arg23 : memref<8x512xf32, #tpu.memory_space<vmem>>) dst(%dma_wait3A_462 : memref<8x512xf32, #tpu.memory_space<hbm>>)
    %dma_wait3A_463 = arith.constant 0 : i32
    %dma_wait3A_464 = tpu.memref_slice %arg10[%add3A_374, %dma_wait3A_463] : memref<4096x1024xf32, #tpu.memory_space<hbm>> -> memref<8x512xf32, #tpu.memory_space<hbm>>
    %dma_wait3A_465 = arith.constant 0 : i32
    %dma_wait3A_466 = tpu.memref_slice %arg10[%add3A_374, %dma_wait3A_465] : memref<4096x1024xf32, #tpu.memory_space<hbm>> -> memref<8x512xf32, #tpu.memory_space<hbm>>
    tpu.wait_dma2 semaphore(%arg26 : memref<!tpu.dma_semaphore, #tpu.memory_space<semaphore_mem>>) src(%arg23 : memref<8x512xf32, #tpu.memory_space<vmem>>) dst(%dma_wait3A_466 : memref<8x512xf32, #tpu.memory_space<hbm>>)
    %dma_wait3A_467 = arith.constant 512 : i32
    %dma_wait3A_468 = tpu.memref_slice %arg10[%mul3A_2, %dma_wait3A_467] : memref<4096x1024xf32, #tpu.memory_space<hbm>> -> memref<64x512xf32, #tpu.memory_space<hbm>>
    %dma_wait3A_469 = arith.constant 512 : i32
    %dma_wait3A_470 = tpu.memref_slice %arg10[%mul3A_2, %dma_wait3A_469] : memref<4096x1024xf32, #tpu.memory_space<hbm>> -> memref<64x512xf32, #tpu.memory_space<hbm>>
    tpu.wait_dma2 semaphore(%arg26 : memref<!tpu.dma_semaphore, #tpu.memory_space<semaphore_mem>>) src(%arg24 : memref<64x512xf32, #tpu.memory_space<vmem>>) dst(%dma_wait3A_470 : memref<64x512xf32, #tpu.memory_space<hbm>>)
    %dma_wait3A_471 = arith.constant 512 : i32
    %dma_wait3A_472 = tpu.memref_slice %arg10[%add3A_398, %dma_wait3A_471] : memref<4096x1024xf32, #tpu.memory_space<hbm>> -> memref<64x512xf32, #tpu.memory_space<hbm>>
    %dma_wait3A_473 = arith.constant 512 : i32
    %dma_wait3A_474 = tpu.memref_slice %arg10[%add3A_398, %dma_wait3A_473] : memref<4096x1024xf32, #tpu.memory_space<hbm>> -> memref<64x512xf32, #tpu.memory_space<hbm>>
    tpu.wait_dma2 semaphore(%arg26 : memref<!tpu.dma_semaphore, #tpu.memory_space<semaphore_mem>>) src(%arg24 : memref<64x512xf32, #tpu.memory_space<vmem>>) dst(%dma_wait3A_474 : memref<64x512xf32, #tpu.memory_space<hbm>>)
    return
  }
}

</mosaic_0001>

<sc_bundles>
// kernel: kernel.3.cloned.1.call-start
scs
__scs_entry_jumppad:
0x0: {  	(pc) =	sbr.rel $0x88, $3  }
0x1: {  	(tag) =	ssettag $0x0;
	lr =	simm.s32 $0x1  }
0x2: {  	[smem:$0x3F99] =	sst lr;
	_ =	strace $0xD0000000  }
0x3: {  	_ = 	snop  }
0x4: {  	_ = 	snop  }
0x5: {  	_ = 	snop  }
0x6: {  	_ = 	snop  }
0x7: {  	_ = 	snop  }
__scs_overlays_trampoline_lowered:
0x8: {  	[smem:$0x3FA8] =	sst s0  }
0x9: {  	[smem:$0x3FA9] =	sst s1  }
0xa: {  	[smem:$0x3FAA] =	sst s2  }
0xb: {  	[smem:$0x3FAB] =	sst s3  }
0xc: {  	[smem:$0x3FAC] =	sst s4  }
0xd: {  	[smem:$0x3FAD] =	sst s5  }
0xe: {  	[smem:$0x3FAE] =	sst s6  }
0xf: {  	[smem:$0x3FAF] =	sst s7  }
0x10: {  	[smem:$0x3FB0] =	sst s8  }
0x11: {  	[smem:$0x3FB1] =	sst s9;
	s0 =	simm.s32 @!p0 $0x0  }
0x12: {  	s1 =	sld [smem:$0x3F97];
	s0 =	simm.s32 @p0 $0x1  }
0x13: {  	[smem:$0x3FB2] =	sst s0;
	s0 =	simm.s32 @!p1 $0x0  }
0x14: {  	s2 =	sld [smem:$0x3F96];
	s0 =	simm.s32 @p1 $0x1  }
0x15: {  	[smem:$0x3FB3] =	sst s0;
	s0 =	simm.s32 @!p2 $0x0  }
0x16: {  	s3 =	sld [smem:$0x3FDB];
	s0 =	simm.s32 @p2 $0x1  }
0x17: {  	s4 =	simm.s32 $0x1BF5;
	[smem:$0x3FB5] =	sst s0  }
0x18: {  	s0 =	sld [smem:$0x3F98];
	_ =	swait.ge [sflag:s4], $0x0  }
0x19: {  	s7 =	sld [smem:$0x3F99]  }
0x1a: {  	s8 =	sadd.s32 $0xFFFFE003, lr  }
0x1b: {  	s9 =	sadd.s32 $0xFFFFFEF7, lr;
	s5 =	simm.s32 $0xFFFFFFFF;
	p2 =	slt.u32 s8, $0xFFFFF086  }
0x1c: {  	p1 =	slt.u32 s9, $0xF7A;
	s5 =	simm.s32 @!p2 $0x0  }
0x1d: {  	s5 =	simm.s32 @p1 $0x1;
	p0 =	seq.s32 s7, s2  }
0x1e: {  	s7 =	smul.u32 @!p0 $0xF7A, s2;
	p2 =	seq.s32 @!p0 s5, $0x0  }
0x1f: {  	s9 =	smul.u32 $0xF7A, s1;
	s8 =	simm.s32 @!p0 $0x1BF5;
	p2 =	por !p2, p0  }
0x20: {  	[sflag:s8] =	ssyncset.s32 @!p0 $0xFFFFF086;
	s6 =	sadd.s32 @!p0 s3, s7;
	s7 =	simm.s32 @!p0 $0x108  }
0x21: {  	s3 =	sadd.s32 s3, s9;
	s6 =	sadd.s32 @!p0 $0x88, s6;
	s7 =	simm.s32 @p2 $0x1082  }
0x22: {  	[simem:s7], [sflag:s8] =	dma.local @!p0 [hbm:s6], $0xF7A  }
0x23: {  	s9 =	sor.u32 $0xD0000000, s2;
	s6 =	simm.s32 $0x108;
	_ =	swait.ge @!p0 [sflag:s8], $0x0  }
0x24: {  	s3 =	sadd.s32 $0x88, s3;
	s6 =	simm.s32 @!p1 $0x1082;
	[sflag:s4] =	ssyncset.s32 $0xFFFFF086  }
0x25: {  	[simem:s6], [sflag:s4] =	dma.local [hbm:s3], $0xF7A  }
0x26: {  	[smem:$0x3F99] =	sst s1;
	(tag) =	ssettag s2;
	_ =	strace s9  }
0x27: {  	s1 =	sld [smem:$0x3FA9]  }
0x28: {  	s2 =	sld [smem:$0x3FAA]  }
0x29: {  	s4 =	sld [smem:$0x3FAC]  }
0x2a: {  	p0 =	seq.s32 s5, $0x0;
	s5 =	sld [smem:$0x3FAD]  }
0x2b: {  	s6 =	sld [smem:$0x3FAE]  }
0x2c: {  	s7 =	sld [smem:$0x3FAF]  }
0x2d: {  	s3 =	simm.s32 $0x108;
	s8 =	sld [smem:$0x3FB0]  }
0x2e: {  	s3 =	simm.s32 @!p0 $0x1082;
	s9 =	sld [smem:$0x3FB1]  }
0x2f: {  	lr =	sadd.s32 s0, s3;
	s0 =	sld [smem:$0x3FA8]  }
0x30: {  	s3 =	sld [smem:$0x3FAB]  }
0x31: {  	[smem:$0x3FB4] =	sst s10  }
0x32: {  	s10 =	sld [smem:$0x3FB2];
	_ =	sdelay $0x3  }
0x33: {  	p0 =	seq.s32 s10, $0x1;
	s10 =	sld [smem:$0x3FB4];
	_ =	sdelay $0x3  }
0x34: {  	[smem:$0x3FB4] =	sst s10  }
0x35: {  	s10 =	sld [smem:$0x3FB3];
	_ =	sdelay $0x3  }
0x36: {  	p1 =	seq.s32 s10, $0x1;
	s10 =	sld [smem:$0x3FB4];
	_ =	sdelay $0x3  }
0x37: {  	[smem:$0x3FB4] =	sst s10  }
0x38: {  	s10 =	sld [smem:$0x3FB5]  }
0x39: {  	_ = 	snop;
	(pc) =	sbr.ind lr, $3  }
0x3a: {  	_ = 	snop  }
0x3b: {  	_ = 	snop  }
0x3c: {  	p2 =	seq.s32 s10, $0x1;
	s10 =	sld [smem:$0x3FB4]  }
0x3d: {  	_ =	shalt  }
0x3e: {  	_ =	shalt  }
0x3f: {  	_ =	shalt  }
0x40: {  	_ =	shalt  }
0x41: {  	_ =	shalt  }
0x42: {  	_ =	shalt  }
0x43: {  	_ =	shalt  }
0x44: {  	_ =	shalt  }
0x45: {  	_ =	shalt  }
0x46: {  	_ =	shalt  }
0x47: {  	_ =	shalt  }
0x48: {  	_ =	shalt  }
0x49: {  	_ =	shalt  }
0x4a: {  	_ =	shalt  }
0x4b: {  	_ =	shalt  }
0x4c: {  	_ =	shalt  }
0x4d: {  	_ =	shalt  }
0x4e: {  	_ =	shalt  }
0x4f: {  	_ =	shalt  }
0x50: {  	_ =	shalt  }
0x51: {  	_ =	shalt  }
0x52: {  	_ =	shalt  }
0x53: {  	_ =	shalt  }
0x54: {  	_ =	shalt  }
0x55: {  	_ =	shalt  }
0x56: {  	_ =	shalt  }
0x57: {  	_ =	shalt  }
0x58: {  	_ =	shalt  }
0x59: {  	_ =	shalt  }
0x5a: {  	_ =	shalt  }
0x5b: {  	_ =	shalt  }
0x5c: {  	_ =	shalt  }
0x5d: {  	_ =	shalt  }
0x5e: {  	_ =	shalt  }
0x5f: {  	_ =	shalt  }
0x60: {  	_ =	shalt  }
0x61: {  	_ =	shalt  }
0x62: {  	_ =	shalt  }
0x63: {  	_ =	shalt  }
0x64: {  	_ =	shalt  }
0x65: {  	_ =	shalt  }
0x66: {  	_ =	shalt  }
0x67: {  	_ =	shalt  }
0x68: {  	_ =	shalt  }
0x69: {  	_ =	shalt  }
0x6a: {  	_ =	shalt  }
0x6b: {  	_ =	shalt  }
0x6c: {  	_ =	shalt  }
0x6d: {  	_ =	shalt  }
0x6e: {  	_ =	shalt  }
0x6f: {  	_ =	shalt  }
0x70: {  	_ =	shalt  }
0x71: {  	_ =	shalt  }
0x72: {  	_ =	shalt  }
0x73: {  	_ =	shalt  }
0x74: {  	_ =	shalt  }
0x75: {  	_ =	shalt  }
0x76: {  	_ =	shalt  }
0x77: {  	_ =	shalt  }
0x78: {  	_ =	shalt  }
0x79: {  	_ =	shalt  }
0x7a: {  	_ =	shalt  }
0x7b: {  	_ =	shalt  }
0x7c: {  	_ =	shalt  }
0x7d: {  	_ =	shalt  }
0x7e: {  	_ =	shalt  }
0x7f: {  	_ =	shalt  }
0x80: {  	_ =	shalt  }
0x81: {  	_ =	shalt  }
0x82: {  	_ =	shalt  }
0x83: {  	_ =	shalt  }
0x84: {  	_ =	shalt  }
0x85: {  	_ =	shalt  }
0x86: {  	_ =	shalt  }
0x87: {  	_ =	shalt  }
.Lfunc_end0:
.L_simem_size_0:
called_computation_lowered:
.L_overlay_start_0:
0x88: {  	s2 =	sld [smem:$0x3FD9]  }
0x89: {  	s3 =	sld [smem:$0x3FFE];
	_ =	sdelay $0x1  }
0x8a: {  	s1 =	srdreg.scid  }
0x8b: {  	s0 =	sand.u32 $0x1, s1  }
0x8c: {  	s18 =	sshll.u32 s0, $0xA;
	s2 =	sadd.s32 s3, s2  }
0x8d: {  	s2 =	sadd.s32 s2, s18  }
0x8e: {  	[smem:$0x3FC0] =	sst s2  }
0x8f: {  	_ = 	snop  }
0x90: {  	s2 =	sld [smem:$0x3FC9]  }
0x91: {  	s19 =	sld [smem:$0x3FC8]  }
0x92: {  	s4 =	sld [smem:$0x3FC7]  }
0x93: {  	s5 =	sld [smem:$0x3FC6]  }
0x94: {  	s6 =	sld [smem:$0x3FC5]  }
0x95: {  	s7 =	sld [smem:$0x3FC4]  }
0x96: {  	s8 =	sld [smem:$0x3FC3]  }
0x97: {  	s9 =	sld [smem:$0x3FC2]  }
0x98: {  	s10 =	sld [smem:$0x3FD0];
	(tm) =	ssettm $0x1  }
0x99: {  	s11 =	sld [smem:$0x3FFB];
	_ =	sdelay $0x3  }
0x9a: {  	_ =	strace s11  }
0x9b: {  	s11 =	sld [smem:$0x3FFC];
	_ =	sdelay $0x3  }
0x9c: {  	_ =	strace s11  }
0x9d: {  	s11 =	sld [smem:$0x3FFD];
	_ =	sdelay $0x3  }
0x9e: {  	_ =	strace s11  }
0x9f: {  	_ =	strace $0x8FFFFFFF  }
0xa0: {  	s20 =	sld [smem:$0x3FDB];
	_ =	sdelay $0x1  }
0xa1: {  	s12 =	simm.s32 $_scs_section_size  }
0xa2: {  	s13 =	simm.s32 $_size__tile_overlayer_lowered;
	s14 =	simm.s32 $_tile_overlayer_lowered  }
0xa3: {  	s23 =	simm.s32 $0x1BFF;
	s22 =	sshll.u32 s14, $0x1;
	s11 =	sadd.s32 s12, s20  }
0xa4: {  	s15 =	simm.s32 $0x0;
	s21 =	sshll.u32 s13, $0x1;
	s13 =	sadd.s32 s22, s11  }
0xa5: {  	[timem:s15], [sflag:s23] =	dma.local [hbm:s13], s21  }
0xa6: {  	_ =	swait.ge [sflag:s23], s21  }
0xa7: {  	s12 =	ssub.s32 $0x0, s21;
	[sflag:s23] =	ssyncset.done $0x0  }
0xa8: {  	[sflag:s23] =	ssyncadd.s32 s12;
	_ =	sdelay $0x1  }
0xa9: {  	s24 =	simm.s32 $0x1B8B  }
0xaa: {  	_ =	swait.ge [sflag:s24], $0x1  }
0xab: {  	[sflag:s24] =	ssyncset.done $0x0  }
0xac: {  	s25 =	simm.s32 $0x1B8E;
	[sflag:s24] =	ssyncadd.s32 $0xFFFFFFFF  }
0xad: {  	s26 =	simm.s32 $execute0_lowered;
	[smem:$0x3FD2] =	sst s25  }
0xae: {  	s12 =	sshll.u32 s26, $0x1;
	_ =	strace $0x80000046;
	[dreg:$0x1] =	wrdreg $0xFFFFFFFF  }
0xaf: {  	s28 =	simm.s32 $_size_execute0_lowered;
	s11 =	sadd.s32 s11, s12;
	[dreg:$0x0] =	wrdreg $0x0  }
0xb0: {  	s12 =	sshll.u32 s28, $0x1;
	[dreg:$0x2] =	wrdreg s11  }
0xb1: {  	[dreg:$0x3] =	wrdreg s12  }
0xb2: {  	[dreg:$0x4] =	wrdreg $0xC0  }
0xb3: {  	_ =	task [dreg:s15], $0x5FFFF  }
0xb4: {  	[dreg:$0x1] =	wrdreg $0xFFFFFFFF  }
0xb5: {  	[dreg:$0x0] =	wrdreg $0x60  }
0xb6: {  	[dreg:$0x2] =	wrdreg s2  }
0xb7: {  	[dreg:$0x3] =	wrdreg s19  }
0xb8: {  	[dreg:$0x4] =	wrdreg s4  }
0xb9: {  	[dreg:$0x5] =	wrdreg s5  }
0xba: {  	[dreg:$0x6] =	wrdreg s6  }
0xbb: {  	[dreg:$0x7] =	wrdreg s7  }
0xbc: {  	[dreg:$0x8] =	wrdreg s8  }
0xbd: {  	[dreg:$0x9] =	wrdreg s9  }
0xbe: {  	[dreg:$0xa] =	wrdreg s10  }
0xbf: {  	[dreg:$0xb] =	wrdreg $0x9  }
0xc0: {  	_ =	task.clear_ibuf [dreg:s15], $0xCFFFF;
	_ =	strace $0x90000046  }
0xc1: {  	s29 =	simm.s32 $0x9;
	_ =	strace $0x80000048  }
0xc2: {  	_ =	swait.ge [sflag:s29], $0x1  }
0xc3: {  	[sflag:s29] =	ssyncadd.s32 $0xFFFFFFFF  }
0xc4: {  	_ =	strace $0x90000048  }
0xc5: {  	_ =	sfence  }
0xc6: {  	s30 =	sld [smem:$0x0];
	_ =	sdelay $0x2  }
0xc7: {  	s31 =	sshll.u32 s1, $0xD;
	s1 =	sshrl.u32 s1, $0x2  }
0xc8: {  	s3 =	sand.u32 $0x4000, s31;
	s1 =	sadd.s32 s1, s30  }
0xc9: {  	s0 =	sor.u32 s3, s0;
	s1 =	sshll.u32 s1, $0x11  }
0xca: {  	s0 =	sor.u32 s1, s0  }
0xcb: {  	s0 =	sadd.s32 $0x8F2B, s0  }
0xcc: {  	[sflag:s0] =	ssyncadd.remote.s32 $0x1  }
0xcd: {  	_ =	sfence.sel $0xFFFF  }
0xce: {  	[dreg:$0x0] =	wrdreg $0xFFFFFFFF;
	(pc) =	sbr.abs _section_cstart, $3  }
0xcf: {  	[dreg:$0x1] =	wrdreg $0xFFFFFFFF  }
0xd0: {  	_ =	task.clear_ibuf [dreg:s15], $0x2FFFF;
	_ =	strace $0x9FFFFFFF  }
0xd1: {  	(tm) =	ssettm $0x7FFFFFFF  }
tec
execute0_lowered:
.L_overlay_start_1:
0x0: {  	(tag) =	ssettag $0x1  }
0x1: {  	s0 =	rddreg [dreg:$0x8];
	s1 =	srdreg.scid  }
0x2: {  	s10 =	simm.s32 $0x0;
	s4 =	stileid.u32;
	s5 =	simm.s32 $0x1  }
0x3: {  	s6 =	simm.s32 $0x1480;
	s7 =	simm.s32 $0x2480;
	s8 =	simm.s32 $0x1000  }
0x4: {  	s31 =	simm.s32 $0x2000;
	s9 =	simm.s32 $0x2;
	s1 =	sand.u32 $0x1, s1  }
0x5: {  	[smem:$0x7FF] =	sst s10;
	s4 =	sshll.u32 s4, $0x1;
	s2 =	ssub.s32 $0x2, s1  }
0x6: {  	_ =	strace $0x80000047;
	s1 =	sor.u32 s1, s4;
	s3 =	sshrl.u32 s2, $0x1  }
0x7: {  	s24 =	sshll.u32 s1, $0x1;
	s4 =	sshllo.u32 s1, $0x1;
	s1 =	sshll.u32 s1, $0xE  }
0x8: {  	s2 =	ssub.s32 s2, s3;
	s3 =	scvt.s32.f32 s24;
	s11 =	sadd.s32 s0, s1  }
0x9: {  	s4 =	scvt.s32.f32 s4;
	s0 =	sadd.s32 $0x400, s11;
	s25 =	sadd.s32 $0x800, s11  }
0xa: {  	s26 =	sadd.s32 $0xC00, s11;
	s15 =	sadd.s32 $0x1000, s11;
	s16 =	sadd.s32 $0x1400, s11  }
0xb: {  	s17 =	sadd.s32 $0x1800, s11;
	s18 =	sadd.s32 $0x1C00, s11;
	s19 =	sadd.s32 $0x2000, s11  }
0xc: {  	s20 =	sadd.s32 $0x2400, s11;
	s21 =	sadd.s32 $0x2800, s11;
	s22 =	sadd.s32 $0x2C00, s11  }
0xd: {  	s23 =	smax.u32 s2, $0x1;
	s24 =	sadd.s32 $0x3000, s11;
	[dreg:$0xa] =	wrdreg s0  }
0xe: {  	s28 =	sadd.s32 $0x3C00, s11;
	s29 =	sadd.s32 $0x200, s11;
	[dreg:$0xb] =	wrdreg s25  }
0xf: {  	v2 =	vimm.s32 $0x8;
	v3 =	vimm.s32 $0x0;
	s30 =	sadd.s32 $0x2200, s11;
	[dreg:$0xc] =	wrdreg s26;
	s25 =	sadd.s32 $0x3400, s11  }
0x10: {  	v4 =	vimm.f32 $-5.000000000e-01;
	s26 =	sadd.s32 $0x3800, s11;
	v0 =	vmov s3;
	v1 =	vmov s4;
	s4 =	simm.s32 $0x3480;
	s0 =	simm.s32 $0x0  }
.LBB2_1:
0x11: {  	s1 =	rddreg [dreg:$0x0]  }
0x12: {  	[tilespmem:s10], [sflag:$0x1] =	stream.linear.gather [hbm4b:s1+s10], $0x200, $0x38;
	[tilespmem:$0xB480] =	vst v63  }
0x13: {  	s14 =	rddreg [dreg:$0x1];
	s2 =	simm.s32 $0x200  }
0x14: {  	[tilespmem:s2], [sflag:$0x1] =	stream.linear.gather [hbm4b:s14+s10], $0x200, $0x38;
	[tilespmem:$0xB480] =	vst v63  }
0x15: {  	s3 =	rddreg [dreg:$0x2];
	s12 =	simm.s32 $0x400  }
0x16: {  	[tilespmem:s12], [sflag:$0x1] =	stream.linear.gather [hbm4b:s3+s10], $0x200, $0x38;
	[tilespmem:$0xB480] =	vst v63  }
0x17: {  	s13 =	rddreg [dreg:$0x3];
	s14 =	simm.s32 $0x600  }
0x18: {  	[tilespmem:s14], [sflag:$0x1] =	stream.linear.gather [hbm4b:s13+s10], $0x200, $0x38;
	[tilespmem:$0xB480] =	vst v63  }
0x19: {  	s3 =	rddreg [dreg:$0x4];
	s12 =	simm.s32 $0x800  }
0x1a: {  	[tilespmem:s12], [sflag:$0x1] =	stream.linear.gather [hbm4b:s3+s10], $0x1, $0x38;
	[tilespmem:$0xB480] =	vst v63  }
0x1b: {  	s13 =	rddreg [dreg:$0x5];
	s14 =	simm.s32 $0x808  }
0x1c: {  	[tilespmem:s14], [sflag:$0x1] =	stream.linear.gather [hbm4b:s13+s10], $0x1, $0x38;
	[tilespmem:$0xB480] =	vst v63  }
0x1d: {  	s3 =	rddreg [dreg:$0x6];
	s12 =	simm.s32 $0x810  }
0x1e: {  	[tilespmem:s12], [sflag:$0x1] =	stream.linear.gather [hbm4b:s3+s10], $0x1, $0x38;
	[tilespmem:$0xB480] =	vst v63  }
0x1f: {  	s13 =	rddreg [dreg:$0x7];
	s14 =	simm.s32 $0x818  }
0x20: {  	[tilespmem:s14], [sflag:$0x1] =	stream.linear.gather [hbm4b:s13+s10], $0x1, $0x38;
	[tilespmem:$0xB480] =	vst v63  }
0x21: {  	_ =	swait.ge [sflag:s5], $0x200  }
0x22: {  	[sflag:s5] =	ssyncset.done $0x0  }
0x23: {  	[sflag:s5] =	ssyncadd.s32 $0xFFFFFE00  }
0x24: {  	_ =	swait.ge [sflag:s5], $0x200  }
0x25: {  	[sflag:s5] =	ssyncset.done $0x0  }
0x26: {  	[sflag:s5] =	ssyncadd.s32 $0xFFFFFE00  }
0x27: {  	_ =	swait.ge [sflag:s5], $0x200  }
0x28: {  	[sflag:s5] =	ssyncset.done $0x0  }
0x29: {  	[sflag:s5] =	ssyncadd.s32 $0xFFFFFE00  }
0x2a: {  	_ =	swait.ge [sflag:s5], $0x200  }
0x2b: {  	[sflag:s5] =	ssyncset.done $0x0  }
0x2c: {  	[sflag:s5] =	ssyncadd.s32 $0xFFFFFE00  }
0x2d: {  	_ =	swait.ge [sflag:s5], $0x1  }
0x2e: {  	[sflag:s5] =	ssyncset.done $0x0  }
0x2f: {  	[sflag:s5] =	ssyncadd.s32 $0xFFFFFFFF  }
0x30: {  	_ =	swait.ge [sflag:s5], $0x1  }
0x31: {  	[sflag:s5] =	ssyncset.done $0x0  }
0x32: {  	[sflag:s5] =	ssyncadd.s32 $0xFFFFFFFF  }
0x33: {  	_ =	swait.ge [sflag:s5], $0x1  }
0x34: {  	[sflag:s5] =	ssyncset.done $0x0  }
0x35: {  	[sflag:s5] =	ssyncadd.s32 $0xFFFFFFFF  }
0x36: {  	_ =	swait.ge [sflag:s5], $0x1  }
0x37: {  	[sflag:s5] =	ssyncset.done $0x0  }
0x38: {  	[sflag:s5] =	ssyncadd.s32 $0xFFFFFFFF  }
0x39: {  	v5 =	vld [tilespmem:$0x800];
	_ =	sdelay $0x4  }
0x3a: {  	v6 =	vperm.xlane v5, v3;
	_ =	sdelay $0x1  }
0x3b: {  	(erf) = vrcp.f32 v6;
	_ =	sdelay $0x5  }
0x3c: {  	s1 =	simm.s32 $0x0  }
0x3d: {  	v6 =	vld [tilespmem:s1+$0x0]  }
0x3e: {  	v5 =	vperm.xlane v5, v2  }
0x3f: {  	v7 =	vpop (erf)  }
0x40: {  	v7 =	vmul.f32 v7, v5  }
0x41: {  	v5 =	vld [tilespmem:s1+$0x200]  }
0x42: {  	v6 =	vmul.f32 v6, v7;
	_ =	sdelay $0x1  }
0x43: {  	v8 =	vmul.f32 v6, v0;
	_ =	sdelay $0x1  }
0x44: {  	v8 =	vadd.f32 v8, v5;
	_ =	sdelay $0x1  }
0x45: {  	v9 =	vmul.f32 $1.591549370e-01, v8;
	_ =	sdelay $0x1  }
0x46: {  	vm0 =	vge.f32 v9, $0.0e+00  }
0x47: {  	s2 =	simm.s32 $0x10;
	v10 =	vsel vm0, $0x3F000000, v4  }
0x48: {  	v6 =	vmul.f32 v6, v1;
	v9 =	vadd.f32 v10, v9;
	v10 =	vld [tilespmem:s2+$0x0];
	_ =	sdelay $0x1  }
0x49: {  	v6 =	vadd.f32 v6, v5;
	v5 =	vtrunc.f32 v9  }
0x4a: {  	v5 =	vcvt.f32.s32 v5  }
0x4b: {  	v11 =	vld [tilespmem:s2+$0x200];
	v9 =	vmul.f32 $1.591549370e-01, v6  }
0x4c: {  	v5 =	vcvt.s32.f32 v5;
	v10 =	vmul.f32 v10, v7  }
0x4d: {  	vm15 =	vge.f32 v9, $0.0e+00  }
0x4e: {  	v12 =	vsel vm15, $0x3F000000, v4;
	v5 =	vmul.f32 $6.283185480e+00, v5;
	v13 =	vmul.f32 v10, v0  }
0x4f: {  	v9 =	vadd.f32 v12, v9  }
0x50: {  	v5 =	vsub.f32 v8, v5;
	v8 =	vadd.f32 v13, v11  }
0x51: {  	v10 =	vmul.f32 v10, v1  }
0x52: {  	v9 =	vtrunc.f32 v9;
	v12 =	vsub.f32 $3.141592740e+00, v5;
	v13 =	vmul.f32 $1.591549370e-01, v8  }
0x53: {  	v9 =	vcvt.f32.s32 v9;
	vm4 =	vgt.f32 v5, $1.570796370e+00  }
0x54: {  	v10 =	vadd.f32 v10, v11;
	v5 =	vsel vm4, v12, v5;
	vm5 =	vge.f32 v13, $0.0e+00  }
0x55: {  	v9 =	vcvt.s32.f32 v9;
	v12 =	vsub.f32 $-3.141592740e+00, v5;
	v15 =	vsel vm5, $0x3F000000, v4  }
0x56: {  	v14 =	vld [tilespmem:$0x810];
	vm6 =	vlt.f32 v5, $-1.570796370e+00;
	v13 =	vadd.f32 v15, v13  }
0x57: {  	v16 =	vmul.f32 $1.591549370e-01, v10;
	v9 =	vmul.f32 $6.283185480e+00, v9;
	v12 =	vsel vm6, v12, v5  }
0x58: {  	s3 =	simm.s32 $0x20;
	v11 =	vmul.f32 v12, v12;
	v13 =	vtrunc.f32 v13  }
0x59: {  	v15 =	vld [tilespmem:s3+$0x0];
	v13 =	vcvt.f32.s32 v13  }
0x5a: {  	vm7 =	vge.f32 v16, $0.0e+00;
	v9 =	vsub.f32 v6, v9;
	v17 =	vmul.f32 $2.505210790e-08, v11  }
0x5b: {  	v18 =	vsel vm7, $0x3F000000, v4;
	v6 =	vperm.xlane v14, v3;
	v13 =	vcvt.s32.f32 v13  }
0x5c: {  	v5 =	vperm.xlane v14, v2;
	v14 =	vsub.f32 $2.755731880e-06, v17;
	v17 =	vsub.f32 $3.141592740e+00, v9  }
0x5d: {  	v19 =	vld [tilespmem:s3+$0x200];
	v16 =	vadd.f32 v18, v16;
	vm8 =	vgt.f32 v9, $1.570796370e+00;
	v13 =	vmul.f32 $6.283185480e+00, v13  }
0x5e: {  	v15 =	vmul.f32 v15, v7;
	v9 =	vsel vm8, v17, v9;
	v14 =	vmul.f32 v14, v11  }
0x5f: {  	v17 =	vsub.f32 $-3.141592740e+00, v9;
	v8 =	vsub.f32 v8, v13  }
0x60: {  	v13 =	vtrunc.f32 v16;
	v16 =	vmul.f32 v15, v0;
	v14 =	vadd.f32 $-1.984127010e-04, v14  }
0x61: {  	vm0 =	vlt.f32 v9, $-1.570796370e+00;
	v13 =	vcvt.f32.s32 v13;
	v18 =	vsub.f32 $3.141592740e+00, v8  }
0x62: {  	v17 =	vsel vm0, v17, v9;
	v16 =	vadd.f32 v16, v19;
	v9 =	vmul.f32 v14, v11  }
0x63: {  	vm9 =	vgt.f32 v8, $1.570796370e+00;
	v14 =	vmul.f32 v15, v1;
	v13 =	vcvt.s32.f32 v13  }
0x64: {  	v20 =	vmul.f32 v17, v17;
	v8 =	vsel vm9, v18, v8;
	v18 =	vmul.f32 $1.591549370e-01, v16  }
0x65: {  	v15 =	vsub.f32 $-3.141592740e+00, v8;
	vm0 =	vlt.f32 v8, $-1.570796370e+00;
	v19 =	vadd.f32 v14, v19  }
0x66: {  	v13 =	vmul.f32 $6.283185480e+00, v13;
	v14 =	vmul.f32 $2.505210790e-08, v20;
	v22 =	vadd.f32 $8.333333770e-03, v9  }
0x67: {  	vm10 =	vge.f32 v18, $0.0e+00;
	v8 =	vsel vm0, v15, v8;
	v15 =	vmul.f32 $1.591549370e-01, v19  }
0x68: {  	v21 =	vsel vm10, $0x3F000000, v4;
	v14 =	vsub.f32 $2.755731880e-06, v14;
	v22 =	vmul.f32 v22, v11  }
0x69: {  	v10 =	vsub.f32 v10, v13;
	v9 =	vmul.f32 v8, v8;
	v18 =	vadd.f32 v21, v18  }
0x6a: {  	vm11 =	vge.f32 v15, $0.0e+00;
	v14 =	vmul.f32 v14, v20;
	v22 =	vadd.f32 $-1.666666720e-01, v22  }
0x6b: {  	v13 =	vsel vm11, $0x3F000000, v4;
	v21 =	vmul.f32 $2.505210790e-08, v9;
	v18 =	vtrunc.f32 v18  }
0x6c: {  	s12 =	simm.s32 $0x30;
	v13 =	vadd.f32 v13, v15;
	v15 =	vcvt.f32.s32 v18;
	v18 =	vsub.f32 $3.141592740e+00, v10  }
0x6d: {  	v23 =	vld [tilespmem:s12+$0x0];
	vm12 =	vgt.f32 v10, $1.570796370e+00;
	v22 =	vmul.f32 v22, v11;
	v21 =	vsub.f32 $2.755731880e-06, v21  }
0x6e: {  	v14 =	vadd.f32 $-1.984127010e-04, v14;
	v15 =	vcvt.s32.f32 v15;
	v10 =	vsel vm12, v18, v10  }
0x6f: {  	v13 =	vtrunc.f32 v13;
	v22 =	vadd.f32 $1.000000000e+00, v22;
	v18 =	vmul.f32 v21, v9  }
0x70: {  	v21 =	vsub.f32 $-3.141592740e+00, v10;
	vm0 =	vlt.f32 v10, $-1.570796370e+00;
	v15 =	vmul.f32 $6.283185480e+00, v15  }
0x71: {  	v24 =	vld [tilespmem:s12+$0x200];
	v25 =	vcvt.f32.s32 v13;
	v13 =	vmul.f32 v14, v20;
	v18 =	vadd.f32 $-1.984127010e-04, v18  }
0x72: {  	v14 =	vmul.f32 v23, v7;
	v22 =	vmul.f32 v22, v12;
	v15 =	vsub.f32 v16, v15  }
0x73: {  	v10 =	vsel vm0, v21, v10;
	v23 =	vadd.f32 $8.333333770e-03, v13;
	v16 =	vmul.f32 v18, v9  }
0x74: {  	v21 =	vmul.f32 v14, v0;
	v14 =	vmul.f32 v14, v1;
	v18 =	vsub.f32 $3.141592740e+00, v15  }
0x75: {  	v12 =	vmul.f32 v23, v20;
	vm13 =	vgt.f32 v15, $1.570796370e+00;
	v13 =	vadd.f32 $8.333333770e-03, v16  }
0x76: {  	v16 =	vadd.f32 v21, v24;
	v18 =	vsel vm13, v18, v15;
	v15 =	vadd.f32 v14, v24  }
0x77: {  	v23 =	vcvt.s32.f32 v25;
	v14 =	vadd.f32 $-1.666666720e-01, v12;
	v21 =	vsub.f32 $-3.141592740e+00, v18  }
0x78: {  	v11 =	vmul.f32 v10, v10;
	vm0 =	vlt.f32 v18, $-1.570796370e+00;
	v61 =	vmul.f32 $1.591549370e-01, v16  }
0x79: {  	v20 =	vmul.f32 v14, v20;
	v12 =	vsel vm0, v21, v18;
	v21 =	vmul.f32 $6.283185480e+00, v23  }
0x7a: {  	v18 =	vmul.f32 $2.505210790e-08, v11;
	vm14 =	vge.f32 v61, $0.0e+00;
	v23 =	vmul.f32 $1.591549370e-01, v15  }
0x7b: {  	v62 =	vsel vm14, $0x3F000000, v4;
	v14 =	vmul.f32 v12, v12;
	v63 =	vadd.f32 $1.000000000e+00, v20  }
0x7c: {  	v18 =	vsub.f32 $2.755731880e-06, v18;
	v24 =	vadd.f32 v62, v61;
	vm15 =	vge.f32 v23, $0.0e+00  }
0x7d: {  	v20 =	vsub.f32 v19, v21;
	v26 =	vsel vm15, $0x3F000000, v4;
	v19 =	vmul.f32 $2.505210790e-08, v14  }
0x7e: {  	v17 =	vmul.f32 v63, v17;
	v24 =	vtrunc.f32 v24;
	v21 =	vadd.f32 v26, v23  }
0x7f: {  	s13 =	simm.s32 $0x100;
	[tilespmem:s1+$0x880] =	vst v22;
	v22 =	vsub.f32 $3.141592740e+00, v20;
	v23 =	vcvt.f32.s32 v24;
	v19 =	vsub.f32 $2.755731880e-06, v19  }
.LBB2_2:
0x80: {  	s14 =	sshra.s32 s13, $0x2;
	p0 =	sne.s32 s13, $0x7C0;
	s13 =	sadd.s32 $0x40, s13;
	vm0 =	vgt.f32 v20, $1.570796370e+00;
	v13 =	vmul.f32 v13, v9;
	v18 =	vmul.f32 v18, v11;
	[tilespmem:s1+$0xA80] =	vst v17  }
0x81: {  	s1 =	smov.u32 s2;
	s2 =	smov.u32 s3;
	s3 =	smov.u32 s12;
	v17 =	vld [tilespmem:s14+$0x0];
	v23 =	vcvt.s32.f32 v23;
	v20 =	vsel vm0, v22, v20  }
0x82: {  	v19 =	vmul.f32 v19, v14;
	s12 =	smov.u32 s14;
	v22 =	vsub.f32 $-3.141592740e+00, v20;
	v13 =	vadd.f32 $-1.666666720e-01, v13  }
0x83: {  	vm0 =	vlt.f32 v20, $-1.570796370e+00;
	v18 =	vadd.f32 $-1.984127010e-04, v18;
	v23 =	vmul.f32 $6.283185480e+00, v23  }
0x84: {  	v21 =	vtrunc.f32 v21;
	v19 =	vadd.f32 $-1.984127010e-04, v19;
	v13 =	vmul.f32 v13, v9;
	v9 =	vmovc v14  }
0x85: {  	v21 =	vcvt.f32.s32 v21;
	v18 =	vmul.f32 v18, v11;
	v14 =	vld [tilespmem:s12+$0x200];
	v16 =	vsub.f32 v16, v23  }
0x86: {  	v22 =	vsel vm0, v22, v20;
	v19 =	vmul.f32 v19, v9;
	v17 =	vmul.f32 v17, v7  }
0x87: {  	v23 =	vmul.f32 v22, v22;
	vm0 =	vgt.f32 v16, $1.570796370e+00;
	v20 =	vsub.f32 $3.141592740e+00, v16  }
0x88: {  	v25 =	vadd.f32 $1.000000000e+00, v13;
	v18 =	vadd.f32 $8.333333770e-03, v18;
	v24 =	vmul.f32 v17, v0  }
0x89: {  	v13 =	vadd.f32 $8.333333770e-03, v19;
	v17 =	vmul.f32 v17, v1;
	v20 =	vsel vm0, v20, v16  }
0x8a: {  	v19 =	vmul.f32 v25, v8;
	v18 =	vmul.f32 v18, v11;
	v8 =	vmovc v12;
	v16 =	vadd.f32 v24, v14  }
0x8b: {  	v21 =	vcvt.s32.f32 v21;
	vm0 =	vlt.f32 v20, $-1.570796370e+00;
	v12 =	vsub.f32 $-3.141592740e+00, v20  }
0x8c: {  	v17 =	vadd.f32 v17, v14;
	v14 =	vadd.f32 $-1.666666720e-01, v18;
	v24 =	vmul.f32 $1.591549370e-01, v16  }
0x8d: {  	v18 =	vmul.f32 $2.505210790e-08, v23;
	v12 =	vsel vm0, v12, v20;
	v20 =	vmul.f32 $6.283185480e+00, v21  }
0x8e: {  	v21 =	vmul.f32 $1.591549370e-01, v17;
	vm0 =	vge.f32 v24, $0.0e+00;
	[tilespmem:s1+$0x880] =	vst v19;
	v19 =	vmul.f32 v14, v11;
	v11 =	vmovc v23  }
.Ltmp0:
0x8f: {  	v18 =	vsub.f32 $2.755731880e-06, v18;
	v14 =	vmul.f32 v12, v12;
	v23 =	vsel vm0, $0x3F000000, v4;
	(pc) =	sbr.rel @p0 .LBB2_2-.Ltmp0, $4  }
0x90: {  	vm0 =	vge.f32 v21, $0.0e+00;
	v23 =	vadd.f32 v23, v24;
	v19 =	vadd.f32 $1.000000000e+00, v19  }
0x91: {  	v20 =	vsub.f32 v15, v20;
	v15 =	vmovc v17;
	v24 =	vsel vm0, $0x3F000000, v4;
	v25 =	vmul.f32 $2.505210790e-08, v14  }
0x92: {  	v21 =	vadd.f32 v24, v21;
	v23 =	vtrunc.f32 v23;
	v17 =	vmul.f32 v19, v10;
	v10 =	vmovc v22  }
0x93: {  	v19 =	vsub.f32 $2.755731880e-06, v25;
	v22 =	vsub.f32 $3.141592740e+00, v20;
	v23 =	vcvt.f32.s32 v23  }
0x94: {  	v7 =	vtrunc.f32 v21  }
0x95: {  	v7 =	vcvt.f32.s32 v7  }
0x96: {  	v21 =	vcvt.s32.f32 v23  }
0x97: {  	v7 =	vcvt.s32.f32 v7  }
0x98: {  	v21 =	vmul.f32 $6.283185480e+00, v21  }
0x99: {  	v7 =	vmul.f32 $6.283185480e+00, v7  }
0x9a: {  	v16 =	vsub.f32 v16, v21  }
0x9b: {  	v7 =	vsub.f32 v15, v7  }
0x9c: {  	vm0 =	vgt.f32 v20, $1.570796370e+00;
	v15 =	vsub.f32 $3.141592740e+00, v16  }
0x9d: {  	v20 =	vsel vm0, v22, v20;
	vm11 =	vgt.f32 v16, $1.570796370e+00;
	v21 =	vsub.f32 $3.141592740e+00, v7  }
0x9e: {  	v22 =	vsub.f32 $-3.141592740e+00, v20;
	v15 =	vsel vm11, v15, v16;
	vm12 =	vgt.f32 v7, $1.570796370e+00  }
0x9f: {  	vm13 =	vlt.f32 v20, $-1.570796370e+00;
	v16 =	vsub.f32 $-3.141592740e+00, v15;
	v7 =	vsel vm12, v21, v7  }
0xa0: {  	v20 =	vsel vm13, v22, v20;
	vm14 =	vlt.f32 v15, $-1.570796370e+00;
	v21 =	vsub.f32 $-3.141592740e+00, v7  }
0xa1: {  	v22 =	vmul.f32 v20, v20;
	v15 =	vsel vm14, v16, v15;
	vm15 =	vlt.f32 v7, $-1.570796370e+00  }
0xa2: {  	v16 =	vmul.f32 v15, v15;
	v7 =	vsel vm15, v21, v7  }
0xa3: {  	v21 =	vmul.f32 $2.505210790e-08, v22;
	v23 =	vmul.f32 v7, v7  }
0xa4: {  	v24 =	vmul.f32 $2.505210790e-08, v16  }
0xa5: {  	v18 =	vmul.f32 v18, v11;
	v21 =	vsub.f32 $2.755731880e-06, v21;
	v25 =	vmul.f32 $2.505210790e-08, v23  }
0xa6: {  	v19 =	vmul.f32 v19, v14;
	v24 =	vsub.f32 $2.755731880e-06, v24  }
0xa7: {  	v18 =	vadd.f32 $-1.984127010e-04, v18;
	v21 =	vmul.f32 v21, v22;
	v25 =	vsub.f32 $2.755731880e-06, v25  }
0xa8: {  	v19 =	vadd.f32 $-1.984127010e-04, v19;
	v24 =	vmul.f32 v24, v16  }
0xa9: {  	v18 =	vmul.f32 v18, v11;
	v21 =	vadd.f32 $-1.984127010e-04, v21;
	v25 =	vmul.f32 v25, v23  }
0xaa: {  	v19 =	vmul.f32 v19, v14;
	v24 =	vadd.f32 $-1.984127010e-04, v24  }
0xab: {  	v18 =	vadd.f32 $8.333333770e-03, v18;
	v21 =	vmul.f32 v21, v22;
	v25 =	vadd.f32 $-1.984127010e-04, v25  }
0xac: {  	v13 =	vmul.f32 v13, v9;
	v19 =	vadd.f32 $8.333333770e-03, v19;
	v24 =	vmul.f32 v24, v16  }
0xad: {  	v18 =	vmul.f32 v18, v11;
	v21 =	vadd.f32 $8.333333770e-03, v21;
	v25 =	vmul.f32 v25, v23  }
0xae: {  	v13 =	vadd.f32 $-1.666666720e-01, v13;
	v19 =	vmul.f32 v19, v14;
	v24 =	vadd.f32 $8.333333770e-03, v24  }
0xaf: {  	v18 =	vadd.f32 $-1.666666720e-01, v18;
	v21 =	vmul.f32 v21, v22;
	v25 =	vadd.f32 $8.333333770e-03, v25  }
0xb0: {  	v9 =	vmul.f32 v13, v9;
	v13 =	vadd.f32 $-1.666666720e-01, v19;
	v19 =	vmul.f32 v24, v16  }
0xb1: {  	v11 =	vmul.f32 v18, v11;
	v18 =	vadd.f32 $-1.666666720e-01, v21;
	v21 =	vmul.f32 v25, v23  }
0xb2: {  	v9 =	vadd.f32 $1.000000000e+00, v9;
	v13 =	vmul.f32 v13, v14;
	v14 =	vadd.f32 $-1.666666720e-01, v19  }
0xb3: {  	v11 =	vadd.f32 $1.000000000e+00, v11;
	v18 =	vmul.f32 v18, v22;
	v19 =	vadd.f32 $-1.666666720e-01, v21  }
0xb4: {  	v8 =	vmul.f32 v9, v8;
	v9 =	vadd.f32 $1.000000000e+00, v13;
	v13 =	vmul.f32 v14, v16  }
0xb5: {  	[tilespmem:s1+$0xA80] =	vst v17;
	v10 =	vmul.f32 v11, v10;
	v11 =	vadd.f32 $1.000000000e+00, v18;
	v14 =	vmul.f32 v19, v23  }
0xb6: {  	[tilespmem:s2+$0x880] =	vst v8;
	v8 =	vmul.f32 v9, v12;
	v9 =	vadd.f32 $1.000000000e+00, v13  }
0xb7: {  	[tilespmem:s2+$0xA80] =	vst v10;
	v10 =	vmul.f32 v11, v20;
	v11 =	vadd.f32 $1.000000000e+00, v14  }
0xb8: {  	[tilespmem:s3+$0x880] =	vst v8;
	v8 =	vmul.f32 v9, v15  }
0xb9: {  	[tilespmem:s3+$0xA80] =	vst v10;
	v7 =	vmul.f32 v11, v7  }
0xba: {  	[tilespmem:s12+$0x880] =	vst v8  }
0xbb: {  	[tilespmem:s12+$0xA80] =	vst v7  }
0xbc: {  	v7 =	vld [tilespmem:$0x880]  }
0xbd: {  	v8 =	vld [tilespmem:$0x890]  }
0xbe: {  	v9 =	vld [tilespmem:$0x8A0]  }
0xbf: {  	v10 =	vld [tilespmem:$0x8B0]  }
0xc0: {  	v11 =	vld [tilespmem:$0x8C0]  }
0xc1: {  	v12 =	vld [tilespmem:$0x8D0]  }
0xc2: {  	v13 =	vld [tilespmem:$0x8E0]  }
0xc3: {  	v14 =	vld [tilespmem:$0x8F0]  }
0xc4: {  	v15 =	vld [tilespmem:$0x900]  }
0xc5: {  	v16 =	vld [tilespmem:$0x910]  }
0xc6: {  	v17 =	vld [tilespmem:$0x920]  }
0xc7: {  	v18 =	vld [tilespmem:$0x930]  }
0xc8: {  	v19 =	vld [tilespmem:$0x940]  }
0xc9: {  	v20 =	vld [tilespmem:$0x950]  }
0xca: {  	v21 =	vld [tilespmem:$0x960]  }
0xcb: {  	v22 =	vld [tilespmem:$0x970]  }
0xcc: {  	v23 =	vld [tilespmem:$0x980]  }
0xcd: {  	v24 =	vld [tilespmem:$0x990]  }
0xce: {  	v25 =	vld [tilespmem:$0x9A0]  }
0xcf: {  	v26 =	vld [tilespmem:$0x9B0]  }
0xd0: {  	v27 =	vld [tilespmem:$0x9C0]  }
0xd1: {  	v28 =	vld [tilespmem:$0x9D0]  }
0xd2: {  	v29 =	vld [tilespmem:$0x9E0]  }
0xd3: {  	v30 =	vld [tilespmem:$0x9F0]  }
0xd4: {  	v31 =	vld [tilespmem:$0xA00]  }
0xd5: {  	v32 =	vld [tilespmem:$0xA10]  }
0xd6: {  	v33 =	vld [tilespmem:$0xA20]  }
0xd7: {  	v38 =	vld [tilespmem:$0xA70]  }
0xd8: {  	v34 =	vld [tilespmem:$0xA30]  }
0xd9: {  	v35 =	vld [tilespmem:$0xA40]  }
0xda: {  	v36 =	vld [tilespmem:$0xA50]  }
0xdb: {  	s1 =	simm.s32 $0xFFFFFC00;
	s2 =	simm.s32 $0xFFFFF200;
	v37 =	vld [tilespmem:$0xA60]  }
.LBB2_4:
0xdc: {  	p0 =	sne.s32 s2, $0xFFFFFE00;
	[tilespmem:s1+$0x24F0] =	vst v38  }
0xdd: {  	[tilespmem:s1+$0x1880] =	vst v7  }
0xde: {  	[tilespmem:s1+$0x1890] =	vst v8  }
0xdf: {  	[tilespmem:s1+$0x18A0] =	vst v9  }
0xe0: {  	[tilespmem:s1+$0x18B0] =	vst v10  }
0xe1: {  	[tilespmem:s1+$0x18C0] =	vst v11  }
0xe2: {  	[tilespmem:s1+$0x18D0] =	vst v12  }
0xe3: {  	[tilespmem:s1+$0x18E0] =	vst v13  }
0xe4: {  	[tilespmem:s1+$0x18F0] =	vst v14  }
0xe5: {  	[tilespmem:s1+$0x1C80] =	vst v15  }
0xe6: {  	[tilespmem:s1+$0x1C90] =	vst v16  }
0xe7: {  	[tilespmem:s1+$0x1CA0] =	vst v17  }
0xe8: {  	[tilespmem:s1+$0x1CB0] =	vst v18  }
0xe9: {  	[tilespmem:s1+$0x1CC0] =	vst v19  }
0xea: {  	[tilespmem:s1+$0x1CD0] =	vst v20  }
0xeb: {  	[tilespmem:s1+$0x1CE0] =	vst v21  }
0xec: {  	[tilespmem:s1+$0x1CF0] =	vst v22  }
0xed: {  	[tilespmem:s1+$0x2080] =	vst v23  }
0xee: {  	[tilespmem:s1+$0x2090] =	vst v24  }
0xef: {  	[tilespmem:s1+$0x20A0] =	vst v25  }
0xf0: {  	[tilespmem:s1+$0x20B0] =	vst v26  }
0xf1: {  	[tilespmem:s1+$0x20C0] =	vst v27  }
0xf2: {  	[tilespmem:s1+$0x20D0] =	vst v28  }
0xf3: {  	[tilespmem:s1+$0x20E0] =	vst v29  }
0xf4: {  	[tilespmem:s1+$0x20F0] =	vst v30  }
0xf5: {  	[tilespmem:s1+$0x2480] =	vst v31  }
0xf6: {  	[tilespmem:s1+$0x2490] =	vst v32  }
.Ltmp1:
0xf7: {  	[tilespmem:s1+$0x24A0] =	vst v33;
	(pc) =	sbr.rel @p0 .LBB2_4-.Ltmp1, $4  }
0xf8: {  	[tilespmem:s1+$0x24B0] =	vst v34  }
0xf9: {  	[tilespmem:s1+$0x24C0] =	vst v35  }
0xfa: {  	[tilespmem:s1+$0x24D0] =	vst v36  }
0xfb: {  	[tilespmem:s1+$0x24E0] =	vst v37;
	s1 =	sshra.s32 s2, $0x2;
	s2 =	sadd.s32 $0x200, s2  }
0xfc: {  	[tilespmem:s1+$0x24F0] =	vst v38  }
0xfd: {  	[tilespmem:s1+$0x1880] =	vst v7  }
0xfe: {  	[tilespmem:s1+$0x1890] =	vst v8  }
0xff: {  	[tilespmem:s1+$0x18A0] =	vst v9  }
0x100: {  	[tilespmem:s1+$0x18B0] =	vst v10  }
0x101: {  	[tilespmem:s1+$0x18C0] =	vst v11  }
0x102: {  	[tilespmem:s1+$0x18D0] =	vst v12  }
0x103: {  	[tilespmem:s1+$0x18E0] =	vst v13  }
0x104: {  	[tilespmem:s1+$0x18F0] =	vst v14  }
0x105: {  	[tilespmem:s1+$0x1C80] =	vst v15  }
0x106: {  	[tilespmem:s1+$0x1C90] =	vst v16  }
0x107: {  	[tilespmem:s1+$0x1CA0] =	vst v17  }
0x108: {  	[tilespmem:s1+$0x1CB0] =	vst v18  }
0x109: {  	[tilespmem:s1+$0x1CC0] =	vst v19  }
0x10a: {  	[tilespmem:s1+$0x1CD0] =	vst v20  }
0x10b: {  	[tilespmem:s1+$0x1CE0] =	vst v21  }
0x10c: {  	[tilespmem:s1+$0x1CF0] =	vst v22  }
0x10d: {  	[tilespmem:s1+$0x2080] =	vst v23  }
0x10e: {  	[tilespmem:s1+$0x2090] =	vst v24  }
0x10f: {  	[tilespmem:s1+$0x20A0] =	vst v25  }
0x110: {  	[tilespmem:s1+$0x20B0] =	vst v26  }
0x111: {  	[tilespmem:s1+$0x20C0] =	vst v27  }
0x112: {  	[tilespmem:s1+$0x20D0] =	vst v28  }
0x113: {  	[tilespmem:s1+$0x20E0] =	vst v29  }
0x114: {  	[tilespmem:s1+$0x20F0] =	vst v30  }
0x115: {  	[tilespmem:s1+$0x2480] =	vst v31  }
0x116: {  	[tilespmem:s1+$0x2490] =	vst v32  }
0x117: {  	[tilespmem:s1+$0x24A0] =	vst v33  }
0x118: {  	[tilespmem:s1+$0x24B0] =	vst v34  }
0x119: {  	[tilespmem:s1+$0x24C0] =	vst v35  }
0x11a: {  	[tilespmem:s1+$0x24D0] =	vst v36  }
0x11b: {  	[tilespmem:s1+$0x24E0] =	vst v37  }
0x11c: {  	[hbm4b:s11+s10] =	stream.linear.scatter [tilespmem:s6], [sflag:$0x2], $0x1000, $0x38;
	[tilespmem:$0xB480] =	vst v63  }
0x11d: {  	s12 =	rddreg [dreg:$0xa]  }
0x11e: {  	[hbm4b:s12+s10] =	stream.linear.scatter [tilespmem:s6], [sflag:$0x2], $0x1000, $0x38;
	[tilespmem:$0xB480] =	vst v63  }
0x11f: {  	s13 =	rddreg [dreg:$0xb]  }
0x120: {  	[hbm4b:s13+s10] =	stream.linear.scatter [tilespmem:s6], [sflag:$0x2], $0x1000, $0x38;
	[tilespmem:$0xB480] =	vst v63  }
0x121: {  	s14 =	rddreg [dreg:$0xc]  }
0x122: {  	[hbm4b:s14+s10] =	stream.linear.scatter [tilespmem:s6], [sflag:$0x2], $0x1000, $0x38;
	[tilespmem:$0xB480] =	vst v63  }
0x123: {  	_ = 	snop  }
0x124: {  	[hbm4b:s15+s10] =	stream.linear.scatter [tilespmem:s6], [sflag:$0x2], $0x1000, $0x38;
	[tilespmem:$0xB480] =	vst v63  }
0x125: {  	_ = 	snop  }
0x126: {  	[hbm4b:s16+s10] =	stream.linear.scatter [tilespmem:s6], [sflag:$0x2], $0x1000, $0x38;
	[tilespmem:$0xB480] =	vst v63  }
0x127: {  	_ = 	snop  }
0x128: {  	[hbm4b:s17+s10] =	stream.linear.scatter [tilespmem:s6], [sflag:$0x2], $0x1000, $0x38;
	[tilespmem:$0xB480] =	vst v63  }
0x129: {  	_ = 	snop  }
0x12a: {  	[hbm4b:s18+s10] =	stream.linear.scatter [tilespmem:s6], [sflag:$0x2], $0x1000, $0x38;
	[tilespmem:$0xB480] =	vst v63  }
0x12b: {  	v7 =	vld [tilespmem:$0xA80]  }
0x12c: {  	v8 =	vld [tilespmem:$0xA90]  }
0x12d: {  	v9 =	vld [tilespmem:$0xAA0]  }
0x12e: {  	v10 =	vld [tilespmem:$0xAB0]  }
0x12f: {  	v11 =	vld [tilespmem:$0xAC0]  }
0x130: {  	v12 =	vld [tilespmem:$0xAD0]  }
0x131: {  	v13 =	vld [tilespmem:$0xAE0]  }
0x132: {  	v14 =	vld [tilespmem:$0xAF0]  }
0x133: {  	v15 =	vld [tilespmem:$0xB00]  }
0x134: {  	v16 =	vld [tilespmem:$0xB10]  }
0x135: {  	v17 =	vld [tilespmem:$0xB20]  }
0x136: {  	v18 =	vld [tilespmem:$0xB30]  }
0x137: {  	v19 =	vld [tilespmem:$0xB40]  }
0x138: {  	v20 =	vld [tilespmem:$0xB50]  }
0x139: {  	v21 =	vld [tilespmem:$0xB60]  }
0x13a: {  	v22 =	vld [tilespmem:$0xB70]  }
0x13b: {  	v23 =	vld [tilespmem:$0xB80]  }
0x13c: {  	v24 =	vld [tilespmem:$0xB90]  }
0x13d: {  	v25 =	vld [tilespmem:$0xBA0]  }
0x13e: {  	v26 =	vld [tilespmem:$0xBB0]  }
0x13f: {  	v27 =	vld [tilespmem:$0xBC0]  }
0x140: {  	v28 =	vld [tilespmem:$0xBD0]  }
0x141: {  	v29 =	vld [tilespmem:$0xBE0]  }
0x142: {  	v30 =	vld [tilespmem:$0xBF0]  }
0x143: {  	v31 =	vld [tilespmem:$0xC00]  }
0x144: {  	v32 =	vld [tilespmem:$0xC10]  }
0x145: {  	v33 =	vld [tilespmem:$0xC20]  }
0x146: {  	v38 =	vld [tilespmem:$0xC70]  }
0x147: {  	v34 =	vld [tilespmem:$0xC30]  }
0x148: {  	v35 =	vld [tilespmem:$0xC40]  }
0x149: {  	v36 =	vld [tilespmem:$0xC50]  }
0x14a: {  	s1 =	simm.s32 $0xFFFFFC00;
	s2 =	simm.s32 $0xFFFFF200;
	v37 =	vld [tilespmem:$0xC60]  }
.LBB2_6:
0x14b: {  	p0 =	sne.s32 s2, $0xFFFFFE00;
	[tilespmem:s1+$0x34F0] =	vst v38  }
0x14c: {  	[tilespmem:s1+$0x2880] =	vst v7  }
0x14d: {  	[tilespmem:s1+$0x2890] =	vst v8  }
0x14e: {  	[tilespmem:s1+$0x28A0] =	vst v9  }
0x14f: {  	[tilespmem:s1+$0x28B0] =	vst v10  }
0x150: {  	[tilespmem:s1+$0x28C0] =	vst v11  }
0x151: {  	[tilespmem:s1+$0x28D0] =	vst v12  }
0x152: {  	[tilespmem:s1+$0x28E0] =	vst v13  }
0x153: {  	[tilespmem:s1+$0x28F0] =	vst v14  }
0x154: {  	[tilespmem:s1+$0x2C80] =	vst v15  }
0x155: {  	[tilespmem:s1+$0x2C90] =	vst v16  }
0x156: {  	[tilespmem:s1+$0x2CA0] =	vst v17  }
0x157: {  	[tilespmem:s1+$0x2CB0] =	vst v18  }
0x158: {  	[tilespmem:s1+$0x2CC0] =	vst v19  }
0x159: {  	[tilespmem:s1+$0x2CD0] =	vst v20  }
0x15a: {  	[tilespmem:s1+$0x2CE0] =	vst v21  }
0x15b: {  	[tilespmem:s1+$0x2CF0] =	vst v22  }
0x15c: {  	[tilespmem:s1+$0x3080] =	vst v23  }
0x15d: {  	[tilespmem:s1+$0x3090] =	vst v24  }
0x15e: {  	[tilespmem:s1+$0x30A0] =	vst v25  }
0x15f: {  	[tilespmem:s1+$0x30B0] =	vst v26  }
0x160: {  	[tilespmem:s1+$0x30C0] =	vst v27  }
0x161: {  	[tilespmem:s1+$0x30D0] =	vst v28  }
0x162: {  	[tilespmem:s1+$0x30E0] =	vst v29  }
0x163: {  	[tilespmem:s1+$0x30F0] =	vst v30  }
0x164: {  	[tilespmem:s1+$0x3480] =	vst v31  }
0x165: {  	[tilespmem:s1+$0x3490] =	vst v32  }
.Ltmp2:
0x166: {  	[tilespmem:s1+$0x34A0] =	vst v33;
	(pc) =	sbr.rel @p0 .LBB2_6-.Ltmp2, $4  }
0x167: {  	[tilespmem:s1+$0x34B0] =	vst v34  }
0x168: {  	[tilespmem:s1+$0x34C0] =	vst v35  }
0x169: {  	[tilespmem:s1+$0x34D0] =	vst v36  }
0x16a: {  	[tilespmem:s1+$0x34E0] =	vst v37;
	s1 =	sshra.s32 s2, $0x2;
	s2 =	sadd.s32 $0x200, s2  }
0x16b: {  	[tilespmem:s1+$0x34F0] =	vst v38  }
0x16c: {  	[tilespmem:s1+$0x2880] =	vst v7  }
0x16d: {  	[tilespmem:s1+$0x2890] =	vst v8  }
0x16e: {  	[tilespmem:s1+$0x28A0] =	vst v9  }
0x16f: {  	[tilespmem:s1+$0x28B0] =	vst v10  }
0x170: {  	[tilespmem:s1+$0x28C0] =	vst v11  }
0x171: {  	[tilespmem:s1+$0x28D0] =	vst v12  }
0x172: {  	[tilespmem:s1+$0x28E0] =	vst v13  }
0x173: {  	[tilespmem:s1+$0x28F0] =	vst v14  }
0x174: {  	[tilespmem:s1+$0x2C80] =	vst v15  }
0x175: {  	[tilespmem:s1+$0x2C90] =	vst v16  }
0x176: {  	[tilespmem:s1+$0x2CA0] =	vst v17  }
0x177: {  	[tilespmem:s1+$0x2CB0] =	vst v18  }
0x178: {  	[tilespmem:s1+$0x2CC0] =	vst v19  }
0x179: {  	[tilespmem:s1+$0x2CD0] =	vst v20  }
0x17a: {  	[tilespmem:s1+$0x2CE0] =	vst v21  }
0x17b: {  	[tilespmem:s1+$0x2CF0] =	vst v22  }
0x17c: {  	[tilespmem:s1+$0x3080] =	vst v23  }
0x17d: {  	[tilespmem:s1+$0x3090] =	vst v24  }
0x17e: {  	[tilespmem:s1+$0x30A0] =	vst v25  }
0x17f: {  	[tilespmem:s1+$0x30B0] =	vst v26  }
0x180: {  	[tilespmem:s1+$0x30C0] =	vst v27  }
0x181: {  	[tilespmem:s1+$0x30D0] =	vst v28  }
0x182: {  	[tilespmem:s1+$0x30E0] =	vst v29  }
0x183: {  	[tilespmem:s1+$0x30F0] =	vst v30  }
0x184: {  	[tilespmem:s1+$0x3480] =	vst v31  }
0x185: {  	[tilespmem:s1+$0x3490] =	vst v32  }
0x186: {  	[tilespmem:s1+$0x34A0] =	vst v33  }
0x187: {  	[tilespmem:s1+$0x34B0] =	vst v34  }
0x188: {  	[tilespmem:s1+$0x34C0] =	vst v35  }
0x189: {  	[tilespmem:s1+$0x34D0] =	vst v36  }
0x18a: {  	[tilespmem:s1+$0x34E0] =	vst v37;
	s1 =	simm.s32 $0x0  }
0x18b: {  	[hbm4b:s19+s1] =	stream.linear.scatter [tilespmem:s7], [sflag:$0x2], $0x1000, $0x38;
	[tilespmem:$0xB480] =	vst v63  }
0x18c: {  	_ = 	snop  }
0x18d: {  	[hbm4b:s20+s1] =	stream.linear.scatter [tilespmem:s7], [sflag:$0x2], $0x1000, $0x38;
	[tilespmem:$0xB480] =	vst v63  }
0x18e: {  	_ = 	snop  }
0x18f: {  	[hbm4b:s21+s1] =	stream.linear.scatter [tilespmem:s7], [sflag:$0x2], $0x1000, $0x38;
	[tilespmem:$0xB480] =	vst v63  }
0x190: {  	_ = 	snop  }
0x191: {  	[hbm4b:s22+s1] =	stream.linear.scatter [tilespmem:s7], [sflag:$0x2], $0x1000, $0x38;
	[tilespmem:$0xB480] =	vst v63  }
0x192: {  	_ = 	snop  }
0x193: {  	(erf) = vrcp.f32 v6;
	[hbm4b:s24+s1] =	stream.linear.scatter [tilespmem:s7], [sflag:$0x2], $0x1000, $0x38;
	[tilespmem:$0xB480] =	vst v63  }
0x194: {  	_ = 	snop  }
0x195: {  	[hbm4b:s25+s1] =	stream.linear.scatter [tilespmem:s7], [sflag:$0x2], $0x1000, $0x38;
	[tilespmem:$0xB480] =	vst v63  }
0x196: {  	_ = 	snop  }
0x197: {  	[hbm4b:s26+s1] =	stream.linear.scatter [tilespmem:s7], [sflag:$0x2], $0x1000, $0x38;
	[tilespmem:$0xB480] =	vst v63  }
0x198: {  	s2 =	simm.s32 $0x0  }
0x199: {  	[hbm4b:s28+s1] =	stream.linear.scatter [tilespmem:s7], [sflag:$0x2], $0x1000, $0x38;
	[tilespmem:$0xB480] =	vst v63  }
0x19a: {  	v6 =	vld [tilespmem:s2+$0x400];
	_ =	sdelay $0x1  }
0x19b: {  	v7 =	vpop (erf)  }
0x19c: {  	v7 =	vmul.f32 v7, v5;
	_ =	sdelay $0x1  }
0x19d: {  	v5 =	vmul.f32 v6, v7;
	_ =	sdelay $0x1  }
0x19e: {  	v6 =	vadd.f32 $1.570796370e+00, v5;
	_ =	sdelay $0x1  }
0x19f: {  	v8 =	vmul.f32 $1.591549370e-01, v6;
	_ =	sdelay $0x1  }
0x1a0: {  	v9 =	vld [tilespmem:s2+$0x600];
	vm0 =	vge.f32 v8, $0.0e+00  }
0x1a1: {  	v10 =	vsel vm0, $0x3F000000, v4  }
0x1a2: {  	v8 =	vadd.f32 v10, v8  }
0x1a3: {  	v10 =	vmul.f32 $1.591549370e-01, v5  }
0x1a4: {  	v8 =	vtrunc.f32 v8  }
0x1a5: {  	v11 =	vadd.f32 $1.570796370e+00, v9;
	vm0 =	vge.f32 v10, $0.0e+00;
	v8 =	vcvt.f32.s32 v8  }
0x1a6: {  	v12 =	vsel vm0, $0x3F000000, v4  }
0x1a7: {  	v13 =	vmul.f32 $1.591549370e-01, v11;
	v10 =	vadd.f32 v12, v10;
	v8 =	vcvt.s32.f32 v8  }
0x1a8: {  	v12 =	vmul.f32 $1.591549370e-01, v9  }
0x1a9: {  	vm0 =	vge.f32 v13, $0.0e+00;
	v10 =	vtrunc.f32 v10;
	v8 =	vmul.f32 $6.283185480e+00, v8  }
0x1aa: {  	v14 =	vsel vm0, $0x3F000000, v4;
	v10 =	vcvt.f32.s32 v10  }
0x1ab: {  	v13 =	vadd.f32 v14, v13;
	vm0 =	vge.f32 v12, $0.0e+00;
	v6 =	vsub.f32 v6, v8  }
0x1ac: {  	v8 =	vsel vm0, $0x3F000000, v4;
	v10 =	vcvt.s32.f32 v10  }
0x1ad: {  	v8 =	vadd.f32 v8, v12;
	v12 =	vtrunc.f32 v13;
	v13 =	vsub.f32 $3.141592740e+00, v6  }
0x1ae: {  	s3 =	simm.s32 $0x10;
	v12 =	vcvt.f32.s32 v12;
	v10 =	vmul.f32 $6.283185480e+00, v10;
	vm0 =	vgt.f32 v6, $1.570796370e+00  }
0x1af: {  	v8 =	vtrunc.f32 v8;
	v6 =	vsel vm0, v13, v6;
	v13 =	vld [tilespmem:s3+$0x400]  }
0x1b0: {  	v22 =	vld [tilespmem:s3+$0x600];
	v12 =	vcvt.s32.f32 v12;
	v10 =	vsub.f32 v5, v10;
	v5 =	vsub.f32 $-3.141592740e+00, v6  }
0x1b1: {  	v8 =	vcvt.f32.s32 v8;
	vm0 =	vlt.f32 v6, $-1.570796370e+00  }
0x1b2: {  	v5 =	vsel vm0, v5, v6;
	v6 =	vmul.f32 $6.283185480e+00, v12;
	v12 =	vsub.f32 $3.141592740e+00, v10  }
0x1b3: {  	v14 =	vcvt.s32.f32 v8;
	vm0 =	vgt.f32 v10, $1.570796370e+00  }
0x1b4: {  	v8 =	vmul.f32 v5, v5;
	v10 =	vsel vm0, v12, v10;
	v12 =	vmul.f32 v13, v7  }
0x1b5: {  	v19 =	vadd.f32 $1.570796370e+00, v22;
	v14 =	vmul.f32 $6.283185480e+00, v14;
	v6 =	vsub.f32 v11, v6  }
0x1b6: {  	v11 =	vmul.f32 $2.505210790e-08, v8;
	v13 =	vsub.f32 $-3.141592740e+00, v10;
	v16 =	vadd.f32 $1.570796370e+00, v12  }
0x1b7: {  	vm1 =	vlt.f32 v10, $-1.570796370e+00;
	v9 =	vsub.f32 v9, v14;
	v15 =	vsub.f32 $3.141592740e+00, v6  }
0x1b8: {  	vm0 =	vgt.f32 v6, $1.570796370e+00;
	v17 =	vsub.f32 $2.755731880e-06, v11;
	v14 =	vmul.f32 $1.591549370e-01, v16  }
0x1b9: {  	vm2 =	vgt.f32 v9, $1.570796370e+00;
	v11 =	vsel vm0, v15, v6;
	v6 =	vsel vm1, v13, v10  }
0x1ba: {  	v13 =	vsub.f32 $3.141592740e+00, v9;
	v15 =	vmul.f32 v17, v8;
	vm1 =	vge.f32 v14, $0.0e+00  }
0x1bb: {  	vm0 =	vlt.f32 v11, $-1.570796370e+00;
	v17 =	vmul.f32 $1.591549370e-01, v12;
	v18 =	vsel vm1, $0x3F000000, v4  }
0x1bc: {  	v10 =	vmul.f32 v6, v6;
	v9 =	vsel vm2, v13, v9;
	v13 =	vadd.f32 v18, v14  }
0x1bd: {  	vm1 =	vlt.f32 v9, $-1.570796370e+00;
	vm2 =	vge.f32 v17, $0.0e+00;
	v21 =	vsub.f32 $-3.141592740e+00, v9  }
0x1be: {  	v15 =	vadd.f32 $-1.984127010e-04, v15;
	v18 =	vmul.f32 $1.591549370e-01, v19;
	v13 =	vtrunc.f32 v13  }
0x1bf: {  	v14 =	vmul.f32 $1.591549370e-01, v22;
	v20 =	vsel vm2, $0x3F000000, v4;
	v13 =	vcvt.f32.s32 v13  }
0x1c0: {  	v17 =	vadd.f32 v20, v17;
	v20 =	vmul.f32 $2.505210790e-08, v10;
	vm3 =	vge.f32 v18, $0.0e+00  }
0x1c1: {  	vm2 =	vge.f32 v14, $0.0e+00;
	v23 =	vsel vm3, $0x3F000000, v4;
	v13 =	vcvt.s32.f32 v13  }
0x1c2: {  	v17 =	vtrunc.f32 v17;
	v60 =	vsel vm2, $0x3F000000, v4;
	v20 =	vsub.f32 $2.755731880e-06, v20  }
0x1c3: {  	v17 =	vcvt.f32.s32 v17;
	v18 =	vadd.f32 v23, v18;
	v13 =	vmul.f32 $6.283185480e+00, v13  }
0x1c4: {  	v15 =	vmul.f32 v15, v8;
	v14 =	vadd.f32 v60, v14;
	v20 =	vmul.f32 v20, v10  }
0x1c5: {  	v17 =	vcvt.s32.f32 v17;
	v18 =	vtrunc.f32 v18;
	v16 =	vsub.f32 v16, v13  }
0x1c6: {  	v9 =	vsel vm1, v21, v9;
	v14 =	vtrunc.f32 v14;
	v18 =	vcvt.f32.s32 v18  }
0x1c7: {  	v17 =	vmul.f32 $6.283185480e+00, v17;
	v13 =	vmul.f32 v9, v9;
	v21 =	vsub.f32 $3.141592740e+00, v16  }
0x1c8: {  	v14 =	vcvt.f32.s32 v14;
	v18 =	vcvt.s32.f32 v18;
	vm1 =	vgt.f32 v16, $1.570796370e+00  }
0x1c9: {  	v61 =	vsub.f32 v12, v17;
	v23 =	vmul.f32 $2.505210790e-08, v13;
	v12 =	vsel vm1, v21, v16  }
0x1ca: {  	v20 =	vadd.f32 $-1.984127010e-04, v20;
	v18 =	vmul.f32 $6.283185480e+00, v18;
	v17 =	vsub.f32 $-3.141592740e+00, v12  }
0x1cb: {  	v21 =	vsub.f32 $2.755731880e-06, v23;
	v23 =	vcvt.s32.f32 v14;
	vm1 =	vlt.f32 v12, $-1.570796370e+00  }
0x1cc: {  	v16 =	vmul.f32 v20, v10;
	v62 =	vsub.f32 v19, v18;
	v12 =	vsel vm1, v17, v12  }
0x1cd: {  	v63 =	vadd.f32 $8.333333770e-03, v15;
	v20 =	vmul.f32 v21, v13;
	v14 =	vmul.f32 v12, v12  }
0x1ce: {  	v21 =	vsub.f32 $3.141592740e+00, v61;
	v15 =	vmul.f32 $6.283185480e+00, v23;
	v23 =	vsub.f32 $3.141592740e+00, v62  }
0x1cf: {  	vm2 =	vgt.f32 v62, $1.570796370e+00;
	vm1 =	vgt.f32 v61, $1.570796370e+00;
	v18 =	vmul.f32 $2.505210790e-08, v14  }
0x1d0: {  	v17 =	vsub.f32 $-3.141592740e+00, v11;
	v20 =	vadd.f32 $-1.984127010e-04, v20;
	v19 =	vsel vm1, v21, v61  }
0x1d1: {  	v22 =	vsub.f32 v22, v15;
	v15 =	vsel vm2, v23, v62;
	v18 =	vsub.f32 $2.755731880e-06, v18  }
0x1d2: {  	s12 =	simm.s32 $0x80;
	v23 =	vmul.f32 v63, v8;
	v21 =	vsub.f32 $-3.141592740e+00, v19;
	vm1 =	vlt.f32 v19, $-1.570796370e+00  }
.LBB2_8:
0x1d3: {  	v18 =	vmul.f32 v18, v14  }
0x1d4: {  	s13 =	sshra.s32 s12, $0x2;
	p0 =	sne.s32 s12, $0x7C0;
	s12 =	sadd.s32 $0x40, s12;
	v20 =	vmul.f32 v20, v13;
	vm2 =	vmmov vm0;
	vm0 =	vlt.f32 v15, $-1.570796370e+00  }
0x1d5: {  	v19 =	vsel vm1, v21, v19;
	v24 =	vld [tilespmem:s13+$0x400];
	v21 =	vsub.f32 $3.141592740e+00, v22;
	v17 =	vsel vm2, v17, v11;
	v11 =	vmovc v15  }
0x1d6: {  	v25 =	vmul.f32 v19, v19;
	vm1 =	vgt.f32 v22, $1.570796370e+00;
	v15 =	vld [tilespmem:s13+$0x600];
	v26 =	vmul.f32 v17, v17  }
0x1d7: {  	v16 =	vadd.f32 $8.333333770e-03, v16;
	v21 =	vsel vm1, v21, v22;
	v22 =	vadd.f32 $-1.666666720e-01, v23  }
0x1d8: {  	vm1 =	vlt.f32 v21, $-1.570796370e+00;
	v23 =	vsub.f32 $-3.141592740e+00, v21;
	v27 =	vmul.f32 $2.505210790e-08, v26  }
0x1d9: {  	v16 =	vmul.f32 v16, v10;
	v20 =	vadd.f32 $8.333333770e-03, v20;
	v28 =	vmul.f32 $2.505210790e-08, v25  }
0x1da: {  	v24 =	vmul.f32 v24, v7;
	v21 =	vsel vm1, v23, v21;
	v23 =	vsub.f32 $2.755731880e-06, v27  }
0x1db: {  	v20 =	vmul.f32 v20, v13;
	v27 =	vmul.f32 $1.591549370e-01, v15;
	v29 =	vadd.f32 $1.570796370e+00, v15  }
0x1dc: {  	v30 =	vmul.f32 $1.591549370e-01, v24;
	v31 =	vadd.f32 $1.570796370e+00, v24;
	v23 =	vmul.f32 v23, v26  }
0x1dd: {  	v16 =	vadd.f32 $-1.666666720e-01, v16;
	vm1 =	vge.f32 v27, $0.0e+00;
	v32 =	vmul.f32 $1.591549370e-01, v29  }
0x1de: {  	vm2 =	vge.f32 v30, $0.0e+00;
	v33 =	vmul.f32 $1.591549370e-01, v31;
	v23 =	vadd.f32 $-1.984127010e-04, v23  }
0x1df: {  	v16 =	vmul.f32 v16, v10;
	v10 =	vmovc v25;
	v34 =	vsel vm2, $0x3F000000, v4;
	vm2 =	vge.f32 v32, $0.0e+00  }
0x1e0: {  	v25 =	vadd.f32 v34, v30;
	vm3 =	vge.f32 v33, $0.0e+00;
	v23 =	vmul.f32 v23, v26  }
0x1e1: {  	v22 =	vmul.f32 v22, v8;
	v8 =	vmovc v14;
	v34 =	vsel vm2, $0x3F000000, v4;
	v30 =	vsel vm3, $0x3F000000, v4  }
0x1e2: {  	v14 =	vtrunc.f32 v25;
	v25 =	vadd.f32 v30, v33;
	v23 =	vadd.f32 $8.333333770e-03, v23  }
0x1e3: {  	v20 =	vadd.f32 $-1.666666720e-01, v20;
	v30 =	vsel vm1, $0x3F000000, v4;
	v14 =	vcvt.f32.s32 v14  }
0x1e4: {  	v27 =	vadd.f32 v30, v27;
	v25 =	vtrunc.f32 v25;
	v23 =	vmul.f32 v23, v26  }
0x1e5: {  	v16 =	vadd.f32 $1.000000000e+00, v16;
	v30 =	vadd.f32 v34, v32;
	v25 =	vcvt.f32.s32 v25  }
0x1e6: {  	v28 =	vsub.f32 $2.755731880e-06, v28;
	v14 =	vcvt.s32.f32 v14;
	v23 =	vadd.f32 $-1.666666720e-01, v23  }
0x1e7: {  	v22 =	vadd.f32 $1.000000000e+00, v22;
	v13 =	vmul.f32 v20, v13;
	v25 =	vcvt.s32.f32 v25  }
0x1e8: {  	v18 =	vadd.f32 $-1.984127010e-04, v18;
	v20 =	vtrunc.f32 v30;
	v23 =	vmul.f32 v23, v26  }
0x1e9: {  	v22 =	vmul.f32 v22, v5;
	v5 =	vmovc v12;
	v26 =	vadd.f32 $1.000000000e+00, v13;
	v25 =	vmul.f32 $6.283185480e+00, v25  }
0x1ea: {  	v12 =	vtrunc.f32 v27;
	v13 =	vmul.f32 v28, v10;
	v23 =	vadd.f32 $1.000000000e+00, v23  }
0x1eb: {  	v16 =	vmul.f32 v16, v6;
	v6 =	vmovc v19;
	v12 =	vcvt.f32.s32 v12;
	v25 =	vsub.f32 v31, v25;
	[tilespmem:s2+$0xE80] =	vst v22  }
0x1ec: {  	v19 =	vcvt.f32.s32 v20;
	v20 =	vadd.f32 $-1.984127010e-04, v13;
	v13 =	vmul.f32 v21, v21  }
0x1ed: {  	v14 =	vmul.f32 $6.283185480e+00, v14;
	v22 =	vsub.f32 $3.141592740e+00, v25;
	[tilespmem:s2+$0xC80] =	vst v16;
	v16 =	vmul.f32 v26, v9;
	v9 =	vmovc v21  }
0x1ee: {  	v19 =	vcvt.s32.f32 v19;
	vm1 =	vgt.f32 v25, $1.570796370e+00;
	v21 =	vmul.f32 $2.505210790e-08, v13  }
0x1ef: {  	v24 =	vsub.f32 v24, v14;
	v17 =	vmul.f32 v23, v17;
	v14 =	vsel vm1, v22, v25;
	[tilespmem:s2+$0x1080] =	vst v16  }
0x1f0: {  	v18 =	vmul.f32 v18, v8;
	v21 =	vsub.f32 $2.755731880e-06, v21;
	v22 =	vsub.f32 $-3.141592740e+00, v14  }
0x1f1: {  	v23 =	vcvt.s32.f32 v12;
	v16 =	vmul.f32 v20, v10;
	vm1 =	vlt.f32 v14, $-1.570796370e+00;
	[tilespmem:s2+$0x1280] =	vst v17;
	s2 =	smov.u32 s3;
	s3 =	smov.u32 s13  }
0x1f2: {  	v19 =	vmul.f32 $6.283185480e+00, v19;
	v20 =	vmul.f32 v21, v13;
	v12 =	vsel vm1, v22, v14  }
0x1f3: {  	v21 =	vsub.f32 $3.141592740e+00, v24;
	v17 =	vsub.f32 $-3.141592740e+00, v11;
	v14 =	vmul.f32 v12, v12  }
.Ltmp3:
0x1f4: {  	v25 =	vsub.f32 v29, v19;
	vm1 =	vgt.f32 v24, $1.570796370e+00;
	v20 =	vadd.f32 $-1.984127010e-04, v20;
	(pc) =	sbr.rel @p0 .LBB2_8-.Ltmp3, $4  }
0x1f5: {  	v19 =	vsel vm1, v21, v24;
	v24 =	vadd.f32 $8.333333770e-03, v18;
	v22 =	vmul.f32 $2.505210790e-08, v14  }
0x1f6: {  	v23 =	vmul.f32 $6.283185480e+00, v23;
	v26 =	vsub.f32 $3.141592740e+00, v25;
	v21 =	vsub.f32 $-3.141592740e+00, v19  }
0x1f7: {  	vm2 =	vgt.f32 v25, $1.570796370e+00;
	vm1 =	vlt.f32 v19, $-1.570796370e+00;
	v18 =	vsub.f32 $2.755731880e-06, v22  }
0x1f8: {  	v22 =	vsub.f32 v15, v23;
	v15 =	vsel vm2, v26, v25;
	v23 =	vmul.f32 v24, v8  }
0x1f9: {  	vm0 =	vmmov vm0  }
0x1fa: {  	vm14 =	vlt.f32 v15, $-1.570796370e+00;
	v38 =	vmul.f32 v20, v13;
	v19 =	vsel vm1, v21, v19  }
0x1fb: {  	v16 =	vadd.f32 $8.333333770e-03, v16;
	v25 =	vsub.f32 $-3.141592740e+00, v15;
	v18 =	vmul.f32 v18, v14  }
0x1fc: {  	v7 =	vsel vm0, v17, v11;
	v39 =	vsub.f32 $3.141592740e+00, v22;
	vm15 =	vgt.f32 v22, $1.570796370e+00  }
0x1fd: {  	v41 =	vadd.f32 $-1.666666720e-01, v23;
	v42 =	vmul.f32 v19, v19;
	v11 =	vmul.f32 v7, v7  }
0x1fe: {  	vm0 =	vmmov vm14;
	v16 =	vmul.f32 v16, v10;
	v20 =	vsel vm15, v39, v22  }
0x1ff: {  	v15 =	vsel vm0, v25, v15;
	v40 =	vmul.f32 $2.505210790e-08, v11;
	v24 =	vsub.f32 $-3.141592740e+00, v20  }
0x200: {  	v17 =	vadd.f32 $8.333333770e-03, v38;
	v43 =	vmul.f32 $2.505210790e-08, v42;
	vm1 =	vlt.f32 v20, $-1.570796370e+00  }
0x201: {  	v26 =	vmul.f32 v15, v15;
	v21 =	vsub.f32 $2.755731880e-06, v40;
	v20 =	vsel vm1, v24, v20  }
0x202: {  	v18 =	vadd.f32 $-1.984127010e-04, v18;
	v8 =	vmul.f32 v41, v8;
	v24 =	vmul.f32 v20, v20  }
0x203: {  	v16 =	vadd.f32 $-1.666666720e-01, v16;
	v47 =	vmul.f32 $2.505210790e-08, v26;
	v21 =	vmul.f32 v21, v11  }
0x204: {  	v17 =	vmul.f32 v17, v13;
	v46 =	vsub.f32 $2.755731880e-06, v43;
	v45 =	vmul.f32 $2.505210790e-08, v24  }
0x205: {  	v49 =	vmul.f32 v18, v14;
	v25 =	vsub.f32 $2.755731880e-06, v47;
	v21 =	vadd.f32 $-1.984127010e-04, v21  }
0x206: {  	v44 =	vmul.f32 v16, v10;
	v22 =	vmul.f32 v46, v42;
	v16 =	vsub.f32 $2.755731880e-06, v45  }
0x207: {  	v8 =	vadd.f32 $1.000000000e+00, v8;
	v25 =	vmul.f32 v25, v26;
	v21 =	vmul.f32 v21, v11  }
0x208: {  	v17 =	vadd.f32 $-1.666666720e-01, v17;
	v22 =	vadd.f32 $-1.984127010e-04, v22;
	v16 =	vmul.f32 v16, v24  }
0x209: {  	v5 =	vmul.f32 v8, v5;
	v52 =	vadd.f32 $-1.984127010e-04, v25;
	v21 =	vadd.f32 $8.333333770e-03, v21  }
0x20a: {  	v48 =	vmul.f32 v17, v13;
	v51 =	vmul.f32 v22, v42;
	v16 =	vadd.f32 $-1.984127010e-04, v16  }
0x20b: {  	v17 =	vadd.f32 $8.333333770e-03, v49;
	v22 =	vmul.f32 v52, v26;
	v50 =	vmul.f32 v21, v11  }
0x20c: {  	v10 =	vadd.f32 $1.000000000e+00, v44;
	v21 =	vadd.f32 $8.333333770e-03, v51;
	v16 =	vmul.f32 v16, v24  }
0x20d: {  	v17 =	vmul.f32 v17, v14;
	v54 =	vadd.f32 $8.333333770e-03, v22;
	v18 =	vadd.f32 $-1.666666720e-01, v50  }
0x20e: {  	v13 =	vadd.f32 $1.000000000e+00, v48;
	v53 =	vmul.f32 v21, v42;
	v16 =	vadd.f32 $8.333333770e-03, v16  }
0x20f: {  	v55 =	vadd.f32 $-1.666666720e-01, v17;
	v57 =	vmul.f32 v54, v26;
	v11 =	vmul.f32 v18, v11  }
0x210: {  	v6 =	vmul.f32 v10, v6;
	v56 =	vadd.f32 $-1.666666720e-01, v53;
	v16 =	vmul.f32 v16, v24  }
0x211: {  	v8 =	vmul.f32 v55, v14;
	v60 =	vadd.f32 $-1.666666720e-01, v57;
	v11 =	vadd.f32 $1.000000000e+00, v11  }
0x212: {  	[tilespmem:s2+$0xE80] =	vst v5;
	v5 =	vmul.f32 v13, v9;
	v59 =	vmul.f32 v56, v42;
	v58 =	vadd.f32 $-1.666666720e-01, v16  }
0x213: {  	[tilespmem:s2+$0xC80] =	vst v6;
	v8 =	vadd.f32 $1.000000000e+00, v8;
	v62 =	vmul.f32 v60, v26;
	v6 =	vmul.f32 v11, v7  }
0x214: {  	[tilespmem:s2+$0x1080] =	vst v5;
	v7 =	vadd.f32 $1.000000000e+00, v59;
	v61 =	vmul.f32 v58, v24  }
0x215: {  	v5 =	vmul.f32 v8, v12;
	[tilespmem:s2+$0x1280] =	vst v6;
	v6 =	vadd.f32 $1.000000000e+00, v62  }
0x216: {  	v7 =	vmul.f32 v7, v19;
	v63 =	vadd.f32 $1.000000000e+00, v61  }
0x217: {  	[tilespmem:s3+$0xE80] =	vst v5;
	v6 =	vmul.f32 v6, v15  }
0x218: {  	[tilespmem:s3+$0xC80] =	vst v7;
	v5 =	vmul.f32 v63, v20  }
0x219: {  	[tilespmem:s3+$0x1280] =	vst v6  }
0x21a: {  	[tilespmem:s3+$0x1080] =	vst v5  }
.LBB2_10:
0x21b: {  	s2 =	sshll.u32 s1, $0x7  }
0x21c: {  	v5 =	vld [tilespmem:s2+$0xC80]  }
0x21d: {  	v6 =	vld [tilespmem:s2+$0xC90]  }
0x21e: {  	v7 =	vld [tilespmem:s2+$0xCA0]  }
0x21f: {  	v8 =	vld [tilespmem:s2+$0xCB0]  }
0x220: {  	v9 =	vld [tilespmem:s2+$0xCC0]  }
0x221: {  	v10 =	vld [tilespmem:s2+$0xCD0]  }
0x222: {  	v11 =	vld [tilespmem:s2+$0xCE0]  }
0x223: {  	v12 =	vld [tilespmem:s2+$0xCF0]  }
0x224: {  	v13 =	vld [tilespmem:s2+$0xE80]  }
0x225: {  	v15 =	vld [tilespmem:s2+$0xEA0]  }
0x226: {  	v16 =	vld [tilespmem:s2+$0xEB0]  }
0x227: {  	v17 =	vld [tilespmem:s2+$0xEC0]  }
0x228: {  	v18 =	vld [tilespmem:s2+$0xED0]  }
0x229: {  	v20 =	vld [tilespmem:s2+$0xEF0]  }
0x22a: {  	v30 =	vld [tilespmem:s2+$0x1080]  }
0x22b: {  	v31 =	vld [tilespmem:s2+$0x1090]  }
0x22c: {  	v29 =	vld [tilespmem:s2+$0x10A0]  }
0x22d: {  	v28 =	vld [tilespmem:s2+$0x10B0]  }
0x22e: {  	v27 =	vld [tilespmem:s2+$0x10C0]  }
0x22f: {  	v26 =	vld [tilespmem:s2+$0x10D0]  }
0x230: {  	v32 =	vld [tilespmem:s2+$0x10E0]  }
0x231: {  	v23 =	vld [tilespmem:s2+$0x12F0]  }
0x232: {  	v34 =	vld [tilespmem:s2+$0x12B0]  }
0x233: {  	v35 =	vld [tilespmem:s2+$0x12C0]  }
0x234: {  	v25 =	vld [tilespmem:s2+$0x12D0]  }
0x235: {  	v33 =	vld [tilespmem:s2+$0x10F0]  }
0x236: {  	v36 =	vld [tilespmem:s2+$0x12A0];
	v21 =	vmul.f32 v32, v11;
	v38 =	vmul.f32 v23, v20  }
0x237: {  	v41 =	vld [tilespmem:s2+$0x12E0];
	v24 =	vmul.f32 v34, v16;
	v40 =	vmul.f32 v26, v10  }
0x238: {  	v14 =	vld [tilespmem:s2+$0xE90];
	v22 =	vmul.f32 v35, v17;
	v42 =	vmul.f32 v27, v9  }
0x239: {  	s3 =	sshll.u32 s1, $0xC;
	v19 =	vld [tilespmem:s2+$0xEE0];
	v43 =	vmul.f32 v28, v8;
	v44 =	vmul.f32 v25, v18  }
0x23a: {  	v37 =	vld [tilespmem:s2+$0x1280];
	s12 =	sshra.s32 s3, $0x2;
	v45 =	vmul.f32 v29, v7;
	v46 =	vmul.f32 v33, v12  }
0x23b: {  	v39 =	vld [tilespmem:s2+$0x1290];
	[tilespmem:s12+$0x3480] =	vst v30;
	v47 =	vmul.f32 v31, v6;
	v48 =	vmul.f32 v36, v15  }
0x23c: {  	[tilespmem:s12+$0x3490] =	vst v31;
	v62 =	vmul.f32 v23, v12;
	v63 =	vmul.f32 v41, v11  }
0x23d: {  	[tilespmem:s12+$0x34A0] =	vst v29;
	v52 =	vmul.f32 v33, v20;
	v49 =	vmul.f32 v25, v10  }
0x23e: {  	[tilespmem:s12+$0x34B0] =	vst v28;
	v53 =	vmul.f32 v32, v19;
	v54 =	vmul.f32 v35, v9  }
0x23f: {  	s13 =	simm.s32 $0x200;
	[tilespmem:s12+$0x34C0] =	vst v27;
	v55 =	vmul.f32 v26, v18;
	v56 =	vmul.f32 v34, v8  }
0x240: {  	s3 =	simm.s32 $0x80;
	s13 =	sand.u32 $0x7000, s13;
	s2 =	sadd.s32 $0x3480, s12;
	[tilespmem:s12+$0x34D0] =	vst v26;
	v57 =	vmul.f32 v27, v17;
	v58 =	vmul.f32 v36, v7  }
0x241: {  	s14 =	sand.u32 $0x380, s3;
	s13 =	sadd.s32 s13, s2;
	[tilespmem:s12+$0x34E0] =	vst v32;
	v59 =	vmul.f32 v28, v16;
	v60 =	vmul.f32 v39, v6;
	v26 =	vadd.f32 v62, v52  }
0x242: {  	s13 =	sadd.s32 s14, s13;
	[tilespmem:s12+$0x34F0] =	vst v33;
	v61 =	vmul.f32 v29, v15;
	v36 =	vmul.f32 v30, v5;
	v27 =	vadd.f32 v63, v53  }
0x243: {  	v39 =	vmul.f32 v39, v14;
	v22 =	vsub.f32 v22, v42;
	v28 =	vadd.f32 v49, v55;
	[tilespmem:s13+$0x70] =	vst v26  }
0x244: {  	v42 =	vmul.f32 v30, v13;
	v24 =	vsub.f32 v24, v43;
	v29 =	vadd.f32 v54, v57;
	[tilespmem:s13+$0x60] =	vst v27  }
0x245: {  	v23 =	vsub.f32 v48, v45;
	v63 =	vmul.f32 v31, v14;
	v31 =	vadd.f32 v56, v59;
	[tilespmem:s13+$0x50] =	vst v28  }
0x246: {  	v25 =	vsub.f32 v38, v46;
	v62 =	vmul.f32 v37, v5;
	v33 =	vadd.f32 v58, v61;
	[tilespmem:s13+$0x40] =	vst v29  }
0x247: {  	v37 =	vmul.f32 v37, v13;
	v34 =	vsub.f32 v39, v47;
	v35 =	vsub.f32 v44, v40;
	[tilespmem:s13+$0x30] =	vst v31  }
0x248: {  	s12 =	simm.s32 $0x400;
	v38 =	vmul.f32 v41, v19;
	v30 =	vadd.f32 v62, v42;
	v32 =	vadd.f32 v60, v63;
	[tilespmem:s13+$0x20] =	vst v33  }
.LBB2_11:
0x249: {  	v39 =	vmul.f32 v27, v11;
	v40 =	vmul.f32 v25, v20;
	p0 =	sne.s32 s12, $0x7E00  }
0x24a: {  	v37 =	vsub.f32 v37, v36;
	[tilespmem:s13+$0x0] =	vst v30;
	s3 =	sadd.s32 $0x80, s3;
	v36 =	vmovc v22;
	v41 =	vmov v24;
	v42 =	vmov v23;
	s14 =	smov.u32 s12;
	s12 =	sadd.s32 $0x200, s12  }
0x24b: {  	v24 =	vmul.f32 v24, v16;
	v43 =	vmul.f32 v28, v10;
	[tilespmem:s13+$0x10] =	vst v32;
	v38 =	vsub.f32 v38, v21  }
0x24c: {  	v22 =	vmul.f32 v22, v17;
	v44 =	vmul.f32 v29, v9;
	v21 =	vmov v39  }
0x24d: {  	v45 =	vmul.f32 v35, v18;
	v39 =	vmul.f32 v31, v8  }
0x24e: {  	v46 =	vmul.f32 v33, v7;
	v47 =	vmul.f32 v26, v12  }
0x24f: {  	v48 =	vmul.f32 v32, v6;
	v23 =	vmul.f32 v23, v15;
	v22 =	vsub.f32 v22, v44  }
0x250: {  	v44 =	vmul.f32 v30, v13;
	v24 =	vsub.f32 v24, v39;
	v39 =	vmul.f32 v25, v12  }
0x251: {  	v26 =	vmul.f32 v26, v20;
	v23 =	vsub.f32 v23, v46;
	v46 =	vmul.f32 v38, v11  }
0x252: {  	v27 =	vmul.f32 v27, v19;
	s13 =	sand.u32 $0x7000, s14;
	v35 =	vmul.f32 v35, v10;
	v25 =	vsub.f32 v40, v47  }
0x253: {  	v28 =	vmul.f32 v28, v18;
	s14 =	sand.u32 $0x380, s3;
	v36 =	vmul.f32 v36, v9;
	s13 =	sadd.s32 s13, s2;
	v26 =	vadd.f32 v39, v26  }
0x254: {  	v29 =	vmul.f32 v29, v17;
	s13 =	sadd.s32 s14, s13;
	v27 =	vadd.f32 v46, v27;
	v39 =	vmul.f32 v41, v8  }
0x255: {  	v31 =	vmul.f32 v31, v16;
	v28 =	vadd.f32 v35, v28;
	v40 =	vmul.f32 v42, v7;
	[tilespmem:s13+$0x70] =	vst v26  }
.Ltmp4:
0x256: {  	v33 =	vmul.f32 v33, v15;
	v35 =	vmul.f32 v34, v6;
	v29 =	vadd.f32 v36, v29;
	[tilespmem:s13+$0x60] =	vst v27;
	(pc) =	sbr.rel @p0 .LBB2_11-.Ltmp4, $4  }
0x257: {  	v32 =	vmul.f32 v32, v14;
	v41 =	vmul.f32 v37, v5;
	v31 =	vadd.f32 v39, v31;
	[tilespmem:s13+$0x50] =	vst v28  }
0x258: {  	v36 =	vmul.f32 v30, v5;
	v34 =	vmul.f32 v34, v14;
	v33 =	vadd.f32 v40, v33;
	[tilespmem:s13+$0x40] =	vst v29  }
0x259: {  	v32 =	vadd.f32 v35, v32;
	v37 =	vmul.f32 v37, v13;
	v30 =	vadd.f32 v41, v44;
	[tilespmem:s13+$0x30] =	vst v31  }
0x25a: {  	v38 =	vmul.f32 v38, v19;
	v34 =	vsub.f32 v34, v48;
	v35 =	vsub.f32 v45, v43;
	[tilespmem:s13+$0x20] =	vst v33  }
0x25b: {  	s1 =	sadd.s32 $0x1, s1  }
0x25c: {  	p0 =	sne.s32 s1, $0x4  }
.Ltmp5:
0x25d: {  	_ = 	snop;
	(pc) =	sbr.rel @p0 .LBB2_10-.Ltmp5, $3  }
0x25e: {  	_ =	sdelay $0x1  }
0x25f: {  	[tilespmem:s13+$0x0] =	vst v30  }
0x260: {  	[tilespmem:s13+$0x10] =	vst v32  }
0x261: {  	[hbm4b:s29+s8] =	stream.strided.scatter [tilespmem:s4], [sflag:$0x2], $0x8000, s31, s8, $0x38;
	[tilespmem:$0xB480] =	vst v63  }
0x262: {  	_ = 	snop  }
0x263: {  	[hbm4b:s30+s8] =	stream.strided.scatter [tilespmem:s4], [sflag:$0x2], $0x8000, s31, s8, $0x38;
	[tilespmem:$0xB480] =	vst v63  }
0x264: {  	_ =	swait.ge [sflag:s9], $0x1000  }
0x265: {  	[sflag:s9] =	ssyncset.done $0x0  }
0x266: {  	[sflag:s9] =	ssyncadd.s32 $0xFFFFF000  }
0x267: {  	_ =	swait.ge [sflag:s9], $0x1000  }
0x268: {  	[sflag:s9] =	ssyncset.done $0x0  }
0x269: {  	[sflag:s9] =	ssyncadd.s32 $0xFFFFF000  }
0x26a: {  	_ =	swait.ge [sflag:s9], $0x1000  }
0x26b: {  	[sflag:s9] =	ssyncset.done $0x0  }
0x26c: {  	[sflag:s9] =	ssyncadd.s32 $0xFFFFF000  }
0x26d: {  	_ =	swait.ge [sflag:s9], $0x1000  }
0x26e: {  	[sflag:s9] =	ssyncset.done $0x0  }
0x26f: {  	[sflag:s9] =	ssyncadd.s32 $0xFFFFF000  }
0x270: {  	_ =	swait.ge [sflag:s9], $0x1000  }
0x271: {  	[sflag:s9] =	ssyncset.done $0x0  }
0x272: {  	[sflag:s9] =	ssyncadd.s32 $0xFFFFF000  }
0x273: {  	_ =	swait.ge [sflag:s9], $0x1000  }
0x274: {  	[sflag:s9] =	ssyncset.done $0x0  }
0x275: {  	[sflag:s9] =	ssyncadd.s32 $0xFFFFF000  }
0x276: {  	_ =	swait.ge [sflag:s9], $0x1000  }
0x277: {  	[sflag:s9] =	ssyncset.done $0x0  }
0x278: {  	[sflag:s9] =	ssyncadd.s32 $0xFFFFF000  }
0x279: {  	_ =	swait.ge [sflag:s9], $0x1000  }
0x27a: {  	[sflag:s9] =	ssyncset.done $0x0  }
0x27b: {  	[sflag:s9] =	ssyncadd.s32 $0xFFFFF000  }
0x27c: {  	_ =	swait.ge [sflag:s9], $0x1000  }
0x27d: {  	[sflag:s9] =	ssyncset.done $0x0  }
0x27e: {  	[sflag:s9] =	ssyncadd.s32 $0xFFFFF000  }
0x27f: {  	_ =	swait.ge [sflag:s9], $0x1000  }
0x280: {  	[sflag:s9] =	ssyncset.done $0x0  }
0x281: {  	[sflag:s9] =	ssyncadd.s32 $0xFFFFF000  }
0x282: {  	_ =	swait.ge [sflag:s9], $0x1000  }
0x283: {  	[sflag:s9] =	ssyncset.done $0x0  }
0x284: {  	[sflag:s9] =	ssyncadd.s32 $0xFFFFF000  }
0x285: {  	_ =	swait.ge [sflag:s9], $0x1000  }
0x286: {  	[sflag:s9] =	ssyncset.done $0x0  }
0x287: {  	[sflag:s9] =	ssyncadd.s32 $0xFFFFF000  }
0x288: {  	_ =	swait.ge [sflag:s9], $0x1000  }
0x289: {  	[sflag:s9] =	ssyncset.done $0x0  }
0x28a: {  	[sflag:s9] =	ssyncadd.s32 $0xFFFFF000  }
0x28b: {  	_ =	swait.ge [sflag:s9], $0x1000  }
0x28c: {  	[sflag:s9] =	ssyncset.done $0x0  }
0x28d: {  	[sflag:s9] =	ssyncadd.s32 $0xFFFFF000  }
0x28e: {  	_ =	swait.ge [sflag:s9], $0x1000  }
0x28f: {  	[sflag:s9] =	ssyncset.done $0x0  }
0x290: {  	[sflag:s9] =	ssyncadd.s32 $0xFFFFF000  }
0x291: {  	_ =	swait.ge [sflag:s9], $0x1000  }
0x292: {  	[sflag:s9] =	ssyncset.done $0x0  }
0x293: {  	s0 =	sadd.s32 $0x1, s0;
	[sflag:s9] =	ssyncadd.s32 $0xFFFFF000  }
0x294: {  	p0 =	sne.s32 s0, s23;
	_ =	swait.ge [sflag:s9], $0x8000  }
.Ltmp6:
0x295: {  	[sflag:s9] =	ssyncset.done $0x0;
	(pc) =	sbr.rel @p0 .LBB2_1-.Ltmp6, $4  }
0x296: {  	[sflag:s9] =	ssyncadd.s32 $0xFFFF8000  }
0x297: {  	_ =	swait.ge [sflag:s9], $0x8000  }
0x298: {  	[sflag:s9] =	ssyncset.done $0x0  }
0x299: {  	[sflag:s9] =	ssyncadd.s32 $0xFFFF8000  }
0x29a: {  	_ =	sfence.sel $0x180000  }
0x29b: {  	[bflag:$0x0] =	sbarrier.arrive $0xFFFF  }
0x29c: {  	_ =	strace $0x90000047  }
0x29d: {  	s0 =	stileid.u32;
	[bflag:$0x2] =	sbarrier.arrive $0xFFFF  }
0x29e: {  	p0 =	sne.s32 s0, $0x0;
	s0 =	rddreg [dreg:$0x9]  }
0x29f: {  	s0 =	sadd.s32 @!p0 $0x100000, s0  }
0x2a0: {  	[sflag:s0] =	ssyncadd.tile.s32 @!p0 $0x1;
	_ =	shalt  }
.Lfunc_end2:
_tile_overlayer_lowered:
.L_overlay_start_2:
0x2a1: {  	(tag) =	ssettag $0x2  }
0x2a2: {  	s0 =	rddreg [dreg:$0x0];
	s2 =	stileid.u32  }
0x2a3: {  	s1 =	rddreg [dreg:$0x1];
	p0 =	sne.s32 s2, $0x0  }
0x2a4: {  	s3 =	rddreg [dreg:$0x2];
	[bflag:$0x3] =	sbarrier.arrive $0xFFFF;
	s2 =	simm.s32 @!p0 $0x1C03  }
0x2a5: {  	[timem:s3], [sflag:s2] =	dma.local @!p0 [hbm:s0], s1  }
0x2a6: {  	s0 =	simm.s32 @!p0 $0x3  }
0x2a7: {  	_ =	swait.ge @!p0 [sflag:s0], s1  }
0x2a8: {  	s1 =	ssub.s32 @!p0 $0x0, s1;
	[sflag:s0] =	ssyncset.done @!p0 $0x0  }
0x2a9: {  	[sflag:s0] =	ssyncadd.s32 @!p0 s1  }
0x2aa: {  	[bflag:$0x3] =	sbarrier.arrive $0xFFFF  }
0x2ab: {  	_ =	shalt  }

</sc_bundles>
